<compile_context>
chip_gen: v7x
topology: tpu7x:2x2x1
jax: 0.10.2.dev20260603
libtpu: 0.0.44.dev20260713+nightly
codegen_flags: <defaults>
</compile_context>

<pallas_src>
import functools

import jax
import jax.numpy as jnp
from jax import lax
from jax.experimental import pallas as pl
from jax.experimental.pallas import tpu as pltpu
from jax.experimental.pallas import tpu_sc as plsc

N_NODES_C = 100000
N_EDGES_C = 3200000
DE = 16
DN = 128

N_PAD = 100352
SPAN = N_PAD // 16
CH = 512
NCH_TOT = N_EDGES_C // CH
NPAIR = 196
ZROWS = 98
ZFLAT = ZROWS * DE


def _sc_agg_body(feat_hbm, idx_hbm, sums_out, cnt_out,
                 acc, cnt, fbuf, ibuf, ones, zrows, zflat,
                 sem0, sem1, ssem0, ssem1):
    cid = lax.axis_index("c")
    sid = lax.axis_index("s")
    sems = (sem0, sem1)
    ssems = (ssem0, ssem1)

    zero16 = jnp.zeros((16,), jnp.float32)
    one16 = jnp.ones((16,), jnp.float32)

    def _zrow(i, carry):
        zrows[i, :] = zero16
        return carry
    lax.fori_loop(0, ZROWS, _zrow, 0)

    def _zflat(i, carry):
        zflat[pl.ds(pl.multiple_of(i * 16, 16), 16)] = zero16
        return carry
    lax.fori_loop(0, ZFLAT // 16, _zflat, 0)

    def _ones(i, carry):
        ones[pl.ds(pl.multiple_of(i * 16, 16), 16)] = one16
        return carry
    lax.fori_loop(0, CH // 16, _ones, 0)

    row0 = pl.multiple_of(sid * SPAN, SPAN)
    for k in range(SPAN // ZROWS):
        pltpu.sync_copy(zrows, acc.at[pl.ds(row0 + k * ZROWS, ZROWS)])
    for k in range(SPAN // ZFLAT):
        pltpu.sync_copy(zflat, cnt.at[pl.ds(row0 + k * ZFLAT, ZFLAT)])
    plsc.subcore_barrier()

    n_s = (NCH_TOT + 15 - sid) // 16

    def _start(buf, t):
        eoff = pl.multiple_of((sid + 16 * t) * CH, CH)
        pltpu.async_copy(feat_hbm.at[pl.ds(eoff, CH)], fbuf.at[buf], sems[buf])
        pltpu.async_copy(idx_hbm.at[cid, pl.ds(eoff, CH)], ibuf.at[buf],
                         sems[buf])

    def _wait(buf, t):
        eoff = pl.multiple_of((sid + 16 * t) * CH, CH)
        pltpu.make_async_copy(feat_hbm.at[pl.ds(eoff, CH)], fbuf.at[buf],
                              sems[buf]).wait()
        pltpu.make_async_copy(idx_hbm.at[cid, pl.ds(eoff, CH)], ibuf.at[buf],
                              sems[buf]).wait()

    def _scat_start(buf):
        pltpu.async_copy(fbuf.at[buf], acc.at[ibuf.at[buf]], ssems[buf],
                         add=True)
        pltpu.async_copy(ones, cnt.at[ibuf.at[buf]], ssems[buf], add=True)

    def _scat_wait(buf):
        pltpu.make_async_copy(fbuf.at[buf], acc.at[ibuf.at[buf]],
                              ssems[buf]).wait()
        pltpu.make_async_copy(ones, cnt.at[ibuf.at[buf]],
                              ssems[buf]).wait()

    _start(0, 0)

    def _pair(i, carry):
        for b in (0, 1):
            t = 2 * i + b

            @pl.when(t < n_s)
            def _():
                _wait(b, t)
                _scat_start(b)

                @pl.when(t >= 1)
                def _():
                    _scat_wait(1 - b)

                @pl.when(t + 1 < n_s)
                def _():
                    _start(1 - b, t + 1)
        return carry
    lax.fori_loop(0, NPAIR, _pair, 0)

    @pl.when(((n_s - 1) % 2) == 0)
    def _():
        _scat_wait(0)

    @pl.when(((n_s - 1) % 2) == 1)
    def _():
        _scat_wait(1)

    plsc.subcore_barrier()

    pltpu.sync_copy(acc.at[pl.ds(row0, SPAN)], sums_out.at[cid, pl.ds(row0, SPAN)])
    pltpu.sync_copy(cnt.at[pl.ds(row0, SPAN)], cnt_out.at[cid, sid])


_sc_agg = functools.partial(
    pl.kernel,
    out_type=[
        jax.ShapeDtypeStruct((2, N_PAD, DE), jnp.float32),
        jax.ShapeDtypeStruct((2, 16, SPAN), jnp.float32),
    ],
    mesh=plsc.VectorSubcoreMesh(core_axis_name="c", subcore_axis_name="s"),
    compiler_params=pltpu.CompilerParams(use_tc_tiling_on_sc=False),
    scratch_types=[
        pltpu.VMEM_SHARED((N_PAD, DE), jnp.float32),
        pltpu.VMEM_SHARED((N_PAD,), jnp.float32),
        pltpu.VMEM((2, CH, DE), jnp.float32),
        pltpu.VMEM((2, CH), jnp.int32),
        pltpu.VMEM((CH,), jnp.float32),
        pltpu.VMEM((ZROWS, DE), jnp.float32),
        pltpu.VMEM((ZFLAT,), jnp.float32),
        pltpu.SemaphoreType.DMA,
        pltpu.SemaphoreType.DMA,
        pltpu.SemaphoreType.DMA,
        pltpu.SemaphoreType.DMA,
    ],
)(_sc_agg_body)


BLK = 1000


def _mlp_body(sums_ref, cnt_ref, w1_ref, b1_ref, w2_ref, b2_ref, out_ref):
    s_sum = sums_ref[0]
    o_sum = sums_ref[1]
    s_cnt = jnp.maximum(cnt_ref[0], 1.0)
    o_cnt = jnp.maximum(cnt_ref[1], 1.0)
    comb = jnp.concatenate([s_sum / s_cnt, o_sum / o_cnt], axis=1)
    h = jnp.maximum(
        jnp.dot(comb, w1_ref[...], preferred_element_type=jnp.float32)
        + b1_ref[...], 0.0)
    out = (jnp.dot(h, w2_ref[...], preferred_element_type=jnp.float32)
           + b2_ref[...])
    out_ref[...] = jax.nn.sigmoid(out)


_mlp = pl.pallas_call(
    _mlp_body,
    out_shape=jax.ShapeDtypeStruct((N_NODES_C, DN), jnp.float32),
    grid=(N_NODES_C // BLK,),
    in_specs=[
        pl.BlockSpec((2, BLK, DE), lambda i: (0, i, 0)),
        pl.BlockSpec((2, BLK, 1), lambda i: (0, i, 0)),
        pl.BlockSpec((2 * DE, DE), lambda i: (0, 0)),
        pl.BlockSpec((1, DE), lambda i: (0, 0)),
        pl.BlockSpec((DE, DN), lambda i: (0, 0)),
        pl.BlockSpec((1, DN), lambda i: (0, 0)),
    ],
    out_specs=pl.BlockSpec((BLK, DN), lambda i: (i, 0)),
)


def kernel(edge_features, edge_index, num_nodes, W1, b1, W2, b2):
    sums, cnts = _sc_agg(edge_features, edge_index)
    return _mlp(sums, cnts.reshape(2, N_PAD, 1),
                W1, b1.reshape(1, DE), W2, b2.reshape(1, DN))

# --- scband reference (transcript-rebuilt; emitter-appended) ---
"""Pipeline reference for scband-twinning-edge-attention-33663953666650 (READ-ONLY COPY).

The authoritative reference and input builder live on the scoring server;
editing this copy changes nothing except your own understanding.
"""

import jax, jax.numpy as jnp
import numpy as np

N_NODES = 100000
N_EDGES = 3200000
DIM_EDGE = 16
DIM_NODE = 128


def setup_inputs(seed: int = 0) -> dict:
    key = jax.random.key(seed)
    k1, k2, k3, k4, k5, k6 = jax.random.split(key, 6)
    edge_features = jax.random.normal(k1, (N_EDGES, DIM_EDGE), dtype=jnp.float32)
    edge_index = jax.random.randint(k2, (2, N_EDGES), 0, N_NODES, dtype=jnp.int32)
    # MLP params: Linear(2*dim_edge -> dim_edge), ReLU, Linear(dim_edge -> dim_node)
    W1 = jax.random.normal(k3, (2 * DIM_EDGE, DIM_EDGE), dtype=jnp.float32) * (1.0 / np.sqrt(2 * DIM_EDGE))
    b1 = jax.random.normal(k4, (DIM_EDGE,), dtype=jnp.float32) * 0.01
    W2 = jax.random.normal(k5, (DIM_EDGE, DIM_NODE), dtype=jnp.float32) * (1.0 / np.sqrt(DIM_EDGE))
    b2 = jax.random.normal(k6, (DIM_NODE,), dtype=jnp.float32) * 0.01
    return {
        "edge_features": edge_features,
        "edge_index": edge_index,
        "num_nodes": N_NODES,
        "W1": W1,
        "b1": b1,
        "W2": W2,
        "b2": b2,
    }


def reference(edge_features, edge_index, num_nodes, W1, b1, W2, b2):
    src = jnp.minimum(edge_index[0], num_nodes - 1)
    dst = jnp.minimum(edge_index[1], num_nodes - 1)
    ones = jnp.ones((edge_features.shape[0], 1), dtype=edge_features.dtype)
    # mean of edge features over edges where node is the subject (src)
    s_sum = jax.ops.segment_sum(edge_features, src, num_segments=N_NODES)
    s_cnt = jax.ops.segment_sum(ones, src, num_segments=N_NODES)
    subject_feat = s_sum / jnp.maximum(s_cnt, 1.0)  # zeros where no outgoing edges
    # mean of edge features over edges where node is the object (dst)
    o_sum = jax.ops.segment_sum(edge_features, dst, num_segments=N_NODES)
    o_cnt = jax.ops.segment_sum(ones, dst, num_segments=N_NODES)
    object_feat = o_sum / jnp.maximum(o_cnt, 1.0)  # zeros where no incoming edges
    combined = jnp.concatenate([subject_feat, object_feat], axis=1)
    h = jnp.maximum(combined @ W1 + b1, 0.0)
    out = h @ W2 + b2
    return jax.nn.sigmoid(out)

if __name__ == "__main__":
    import jax
    _d = setup_inputs()
    print(jax.jit(kernel)(*tuple(_d.values())))

</pallas_src>

<mosaic_0001>
#map = affine_map<(d0, d1) -> (0, 0)>
#map1 = affine_map<(d0, d1) -> (0, 0, 0)>
module attributes {stable_mosaic.version = 14 : i64} {
  func.func @_sc_agg_body(%arg0: i32, %arg1: i32, %arg2: memref<3200000x16xf32, #tpu.memory_space<hbm>>, %arg3: memref<2x3200000xi32, #tpu.memory_space<hbm>>, %arg4: memref<2x100352x16xf32, #tpu.memory_space<hbm>>, %arg5: memref<2x16x6272xf32, #tpu.memory_space<hbm>>, %arg6: memref<100352x16xf32, #tpu.memory_space<vmem_shared>>, %arg7: memref<100352xf32, #tpu.memory_space<vmem_shared>>, %arg8: memref<2x512x16xf32, #tpu.memory_space<vmem>>, %arg9: memref<2x512xi32, #tpu.memory_space<vmem>>, %arg10: memref<512xf32, #tpu.memory_space<vmem>>, %arg11: memref<98x16xf32, #tpu.memory_space<vmem>>, %arg12: memref<1568xf32, #tpu.memory_space<vmem>>, %arg13: memref<!tpu.dma_semaphore, #tpu.memory_space<semaphore_mem>>, %arg14: memref<!tpu.dma_semaphore, #tpu.memory_space<semaphore_mem>>, %arg15: memref<!tpu.dma_semaphore, #tpu.memory_space<semaphore_mem>>, %arg16: memref<!tpu.dma_semaphore, #tpu.memory_space<semaphore_mem>>) attributes {dimension_semantics = [#tpu.dimension_semantics<core_parallel>, #tpu.dimension_semantics<subcore_parallel>], iteration_bounds = array<i64: 2, 16>, scalar_prefetch = 0 : i64, scratch_operands = 11 : i64, tpu.core_type = #tpu.core_type<sc_vector_subcore>, window_params = [{transform_indices = #map}, {transform_indices = #map}, {transform_indices = #map1}, {transform_indices = #map1}]} {
    %broadcast_in_dim3A = arith.constant 0.000000e+00 : f32
    %broadcast_in_dim3A_0 = vector.broadcast %broadcast_in_dim3A : f32 to vector<16xf32>
    %broadcast_in_dim3A_1 = arith.constant 1.000000e+00 : f32
    %broadcast_in_dim3A_2 = vector.broadcast %broadcast_in_dim3A_1 : f32 to vector<16xf32>
    %scan3A = arith.constant 0 : i32
    %scan3A_3 = arith.constant 0 : i32
    %scan3A_4 = arith.constant 98 : i32
    %scan3A_5 = arith.addi %scan3A_3, %scan3A_4 : i32
    %scan3A_6 = arith.constant 1 : i32
    scf.for %scan3A_251 = %scan3A_3 to %scan3A_5 step %scan3A_6  : i32 {
      %swap3A = arith.index_cast %scan3A_251 : i32 to index
      %swap3A_252 = arith.constant 0 : index
      %swap3A_253 = tpu.vector_load %arg11[%swap3A, %swap3A_252] {strides = array<i32>} : memref<98x16xf32, #tpu.memory_space<vmem>>, vector<1x16xf32>,
      %swap3A_254 = vector.shape_cast %swap3A_253 : vector<1x16xf32> to vector<16xf32>
      %swap3A_255 = vector.shape_cast %broadcast_in_dim3A_0 : vector<16xf32> to vector<1x16xf32>
      tpu.vector_store %arg11[%swap3A, %swap3A_252], %swap3A_255 {strides = array<i32>} : memref<98x16xf32, #tpu.memory_space<vmem>>, vector<1x16xf32>,
    }
    %scan3A_7 = arith.constant 98 : i32
    %scan3A_8 = arith.constant 0 : i32
    %scan3A_9 = arith.constant 0 : i32
    %scan3A_10 = arith.constant 98 : i32
    %scan3A_11 = arith.addi %scan3A_9, %scan3A_10 : i32
    %scan3A_12 = arith.constant 1 : i32
    scf.for %scan3A_251 = %scan3A_9 to %scan3A_11 step %scan3A_12  : i32 {
      %mul3A_252 = arith.constant 16 : i32
      %mul3A_253 = arith.muli %scan3A_251, %mul3A_252 : i32
      %multiple_of3A_254 = tpu.assume_multiple %mul3A_253, 16 : i32
      %swap3A = arith.index_cast %multiple_of3A_254 : i32 to index
      %swap3A_255 = tpu.vector_load %arg12[%swap3A] {strides = array<i32>} : memref<1568xf32, #tpu.memory_space<vmem>>, vector<16xf32>,
      %swap3A_256 = vector.shape_cast %swap3A_255 : vector<16xf32> to vector<16xf32>
      %swap3A_257 = vector.shape_cast %broadcast_in_dim3A_0 : vector<16xf32> to vector<16xf32>
      tpu.vector_store %arg12[%swap3A], %swap3A_257 {strides = array<i32>} : memref<1568xf32, #tpu.memory_space<vmem>>, vector<16xf32>,
    }
    %scan3A_13 = arith.constant 98 : i32
    %scan3A_14 = arith.constant 0 : i32
    %scan3A_15 = arith.constant 0 : i32
    %scan3A_16 = arith.constant 32 : i32
    %scan3A_17 = arith.addi %scan3A_15, %scan3A_16 : i32
    %scan3A_18 = arith.constant 1 : i32
    scf.for %scan3A_251 = %scan3A_15 to %scan3A_17 step %scan3A_18  : i32 {
      %mul3A_252 = arith.constant 16 : i32
      %mul3A_253 = arith.muli %scan3A_251, %mul3A_252 : i32
      %multiple_of3A_254 = tpu.assume_multiple %mul3A_253, 16 : i32
      %swap3A = arith.index_cast %multiple_of3A_254 : i32 to index
      %swap3A_255 = tpu.vector_load %arg10[%swap3A] {strides = array<i32>} : memref<512xf32, #tpu.memory_space<vmem>>, vector<16xf32>,
      %swap3A_256 = vector.shape_cast %swap3A_255 : vector<16xf32> to vector<16xf32>
      %swap3A_257 = vector.shape_cast %broadcast_in_dim3A_2 : vector<16xf32> to vector<16xf32>
      tpu.vector_store %arg10[%swap3A], %swap3A_257 {strides = array<i32>} : memref<512xf32, #tpu.memory_space<vmem>>, vector<16xf32>,
    }
    %scan3A_19 = arith.constant 32 : i32
    %mul3A = arith.constant 6272 : i32
    %mul3A_20 = arith.muli %arg1, %mul3A : i32
    %multiple_of3A = tpu.assume_multiple %mul3A_20, 6272 : i32
    %add3A = arith.constant 0 : i32
    %add3A_21 = arith.addi %multiple_of3A, %add3A : i32
    "tpu.region"() ({
      %run_scoped3A = tpu.sem_alloc : memref<!tpu.dma_semaphore, #tpu.memory_space<semaphore_mem>>
      %dma_start3A_251 = arith.constant 0 : i32
      %dma_start3A_252 = tpu.memref_slice %arg6[%add3A_21, %dma_start3A_251] : memref<100352x16xf32, #tpu.memory_space<vmem_shared>> -> memref<98x16xf32, #tpu.memory_space<vmem_shared>>
      %dma_start3A_253 = arith.constant 0 : i32
      %dma_start3A_254 = tpu.memref_slice %arg6[%add3A_21, %dma_start3A_253] : memref<100352x16xf32, #tpu.memory_space<vmem_shared>> -> memref<98x16xf32, #tpu.memory_space<vmem_shared>>
      tpu.enqueue_dma source(%arg11 : memref<98x16xf32, #tpu.memory_space<vmem>>) target(%dma_start3A_254 : memref<98x16xf32, #tpu.memory_space<vmem_shared>>) target_semaphore(%run_scoped3A : memref<!tpu.dma_semaphore, #tpu.memory_space<semaphore_mem>>)
      %dma_wait3A = arith.constant 0 : i32
      %dma_wait3A_255 = tpu.memref_slice %arg6[%add3A_21, %dma_wait3A] : memref<100352x16xf32, #tpu.memory_space<vmem_shared>> -> memref<98x16xf32, #tpu.memory_space<vmem_shared>>
      %dma_wait3A_256 = arith.constant 0 : i32
      %dma_wait3A_257 = tpu.memref_slice %arg6[%add3A_21, %dma_wait3A_256] : memref<100352x16xf32, #tpu.memory_space<vmem_shared>> -> memref<98x16xf32, #tpu.memory_space<vmem_shared>>
      tpu.wait_dma2 semaphore(%run_scoped3A : memref<!tpu.dma_semaphore, #tpu.memory_space<semaphore_mem>>) src(%arg11 : memref<98x16xf32, #tpu.memory_space<vmem>>) dst(%dma_wait3A_257 : memref<98x16xf32, #tpu.memory_space<vmem_shared>>)
      tpu.yield
    }) : () -> ()
    %add3A_22 = arith.constant 98 : i32
    %add3A_23 = arith.addi %multiple_of3A, %add3A_22 : i32
    "tpu.region"() ({
      %run_scoped3A = tpu.sem_alloc : memref<!tpu.dma_semaphore, #tpu.memory_space<semaphore_mem>>
      %dma_start3A_251 = arith.constant 0 : i32
      %dma_start3A_252 = tpu.memref_slice %arg6[%add3A_23, %dma_start3A_251] : memref<100352x16xf32, #tpu.memory_space<vmem_shared>> -> memref<98x16xf32, #tpu.memory_space<vmem_shared>>
      %dma_start3A_253 = arith.constant 0 : i32
      %dma_start3A_254 = tpu.memref_slice %arg6[%add3A_23, %dma_start3A_253] : memref<100352x16xf32, #tpu.memory_space<vmem_shared>> -> memref<98x16xf32, #tpu.memory_space<vmem_shared>>
      tpu.enqueue_dma source(%arg11 : memref<98x16xf32, #tpu.memory_space<vmem>>) target(%dma_start3A_254 : memref<98x16xf32, #tpu.memory_space<vmem_shared>>) target_semaphore(%run_scoped3A : memref<!tpu.dma_semaphore, #tpu.memory_space<semaphore_mem>>)
      %dma_wait3A = arith.constant 0 : i32
      %dma_wait3A_255 = tpu.memref_slice %arg6[%add3A_23, %dma_wait3A] : memref<100352x16xf32, #tpu.memory_space<vmem_shared>> -> memref<98x16xf32, #tpu.memory_space<vmem_shared>>
      %dma_wait3A_256 = arith.constant 0 : i32
      %dma_wait3A_257 = tpu.memref_slice %arg6[%add3A_23, %dma_wait3A_256] : memref<100352x16xf32, #tpu.memory_space<vmem_shared>> -> memref<98x16xf32, #tpu.memory_space<vmem_shared>>
      tpu.wait_dma2 semaphore(%run_scoped3A : memref<!tpu.dma_semaphore, #tpu.memory_space<semaphore_mem>>) src(%arg11 : memref<98x16xf32, #tpu.memory_space<vmem>>) dst(%dma_wait3A_257 : memref<98x16xf32, #tpu.memory_space<vmem_shared>>)
      tpu.yield
    }) : () -> ()
    %add3A_24 = arith.constant 196 : i32
    %add3A_25 = arith.addi %multiple_of3A, %add3A_24 : i32
    "tpu.region"() ({
      %run_scoped3A = tpu.sem_alloc : memref<!tpu.dma_semaphore, #tpu.memory_space<semaphore_mem>>
      %dma_start3A_251 = arith.constant 0 : i32
      %dma_start3A_252 = tpu.memref_slice %arg6[%add3A_25, %dma_start3A_251] : memref<100352x16xf32, #tpu.memory_space<vmem_shared>> -> memref<98x16xf32, #tpu.memory_space<vmem_shared>>
      %dma_start3A_253 = arith.constant 0 : i32
      %dma_start3A_254 = tpu.memref_slice %arg6[%add3A_25, %dma_start3A_253] : memref<100352x16xf32, #tpu.memory_space<vmem_shared>> -> memref<98x16xf32, #tpu.memory_space<vmem_shared>>
      tpu.enqueue_dma source(%arg11 : memref<98x16xf32, #tpu.memory_space<vmem>>) target(%dma_start3A_254 : memref<98x16xf32, #tpu.memory_space<vmem_shared>>) target_semaphore(%run_scoped3A : memref<!tpu.dma_semaphore, #tpu.memory_space<semaphore_mem>>)
      %dma_wait3A = arith.constant 0 : i32
      %dma_wait3A_255 = tpu.memref_slice %arg6[%add3A_25, %dma_wait3A] : memref<100352x16xf32, #tpu.memory_space<vmem_shared>> -> memref<98x16xf32, #tpu.memory_space<vmem_shared>>
      %dma_wait3A_256 = arith.constant 0 : i32
      %dma_wait3A_257 = tpu.memref_slice %arg6[%add3A_25, %dma_wait3A_256] : memref<100352x16xf32, #tpu.memory_space<vmem_shared>> -> memref<98x16xf32, #tpu.memory_space<vmem_shared>>
      tpu.wait_dma2 semaphore(%run_scoped3A : memref<!tpu.dma_semaphore, #tpu.memory_space<semaphore_mem>>) src(%arg11 : memref<98x16xf32, #tpu.memory_space<vmem>>) dst(%dma_wait3A_257 : memref<98x16xf32, #tpu.memory_space<vmem_shared>>)
      tpu.yield
    }) : () -> ()
    %add3A_26 = arith.constant 294 : i32
    %add3A_27 = arith.addi %multiple_of3A, %add3A_26 : i32
    "tpu.region"() ({
      %run_scoped3A = tpu.sem_alloc : memref<!tpu.dma_semaphore, #tpu.memory_space<semaphore_mem>>
      %dma_start3A_251 = arith.constant 0 : i32
      %dma_start3A_252 = tpu.memref_slice %arg6[%add3A_27, %dma_start3A_251] : memref<100352x16xf32, #tpu.memory_space<vmem_shared>> -> memref<98x16xf32, #tpu.memory_space<vmem_shared>>
      %dma_start3A_253 = arith.constant 0 : i32
      %dma_start3A_254 = tpu.memref_slice %arg6[%add3A_27, %dma_start3A_253] : memref<100352x16xf32, #tpu.memory_space<vmem_shared>> -> memref<98x16xf32, #tpu.memory_space<vmem_shared>>
      tpu.enqueue_dma source(%arg11 : memref<98x16xf32, #tpu.memory_space<vmem>>) target(%dma_start3A_254 : memref<98x16xf32, #tpu.memory_space<vmem_shared>>) target_semaphore(%run_scoped3A : memref<!tpu.dma_semaphore, #tpu.memory_space<semaphore_mem>>)
      %dma_wait3A = arith.constant 0 : i32
      %dma_wait3A_255 = tpu.memref_slice %arg6[%add3A_27, %dma_wait3A] : memref<100352x16xf32, #tpu.memory_space<vmem_shared>> -> memref<98x16xf32, #tpu.memory_space<vmem_shared>>
      %dma_wait3A_256 = arith.constant 0 : i32
      %dma_wait3A_257 = tpu.memref_slice %arg6[%add3A_27, %dma_wait3A_256] : memref<100352x16xf32, #tpu.memory_space<vmem_shared>> -> memref<98x16xf32, #tpu.memory_space<vmem_shared>>
      tpu.wait_dma2 semaphore(%run_scoped3A : memref<!tpu.dma_semaphore, #tpu.memory_space<semaphore_mem>>) src(%arg11 : memref<98x16xf32, #tpu.memory_space<vmem>>) dst(%dma_wait3A_257 : memref<98x16xf32, #tpu.memory_space<vmem_shared>>)
      tpu.yield
    }) : () -> ()
    %add3A_28 = arith.constant 392 : i32
    %add3A_29 = arith.addi %multiple_of3A, %add3A_28 : i32
    "tpu.region"() ({
      %run_scoped3A = tpu.sem_alloc : memref<!tpu.dma_semaphore, #tpu.memory_space<semaphore_mem>>
      %dma_start3A_251 = arith.constant 0 : i32
      %dma_start3A_252 = tpu.memref_slice %arg6[%add3A_29, %dma_start3A_251] : memref<100352x16xf32, #tpu.memory_space<vmem_shared>> -> memref<98x16xf32, #tpu.memory_space<vmem_shared>>
      %dma_start3A_253 = arith.constant 0 : i32
      %dma_start3A_254 = tpu.memref_slice %arg6[%add3A_29, %dma_start3A_253] : memref<100352x16xf32, #tpu.memory_space<vmem_shared>> -> memref<98x16xf32, #tpu.memory_space<vmem_shared>>
      tpu.enqueue_dma source(%arg11 : memref<98x16xf32, #tpu.memory_space<vmem>>) target(%dma_start3A_254 : memref<98x16xf32, #tpu.memory_space<vmem_shared>>) target_semaphore(%run_scoped3A : memref<!tpu.dma_semaphore, #tpu.memory_space<semaphore_mem>>)
      %dma_wait3A = arith.constant 0 : i32
      %dma_wait3A_255 = tpu.memref_slice %arg6[%add3A_29, %dma_wait3A] : memref<100352x16xf32, #tpu.memory_space<vmem_shared>> -> memref<98x16xf32, #tpu.memory_space<vmem_shared>>
      %dma_wait3A_256 = arith.constant 0 : i32
      %dma_wait3A_257 = tpu.memref_slice %arg6[%add3A_29, %dma_wait3A_256] : memref<100352x16xf32, #tpu.memory_space<vmem_shared>> -> memref<98x16xf32, #tpu.memory_space<vmem_shared>>
      tpu.wait_dma2 semaphore(%run_scoped3A : memref<!tpu.dma_semaphore, #tpu.memory_space<semaphore_mem>>) src(%arg11 : memref<98x16xf32, #tpu.memory_space<vmem>>) dst(%dma_wait3A_257 : memref<98x16xf32, #tpu.memory_space<vmem_shared>>)
      tpu.yield
    }) : () -> ()
    %add3A_30 = arith.constant 490 : i32
    %add3A_31 = arith.addi %multiple_of3A, %add3A_30 : i32
    "tpu.region"() ({
      %run_scoped3A = tpu.sem_alloc : memref<!tpu.dma_semaphore, #tpu.memory_space<semaphore_mem>>
      %dma_start3A_251 = arith.constant 0 : i32
      %dma_start3A_252 = tpu.memref_slice %arg6[%add3A_31, %dma_start3A_251] : memref<100352x16xf32, #tpu.memory_space<vmem_shared>> -> memref<98x16xf32, #tpu.memory_space<vmem_shared>>
      %dma_start3A_253 = arith.constant 0 : i32
      %dma_start3A_254 = tpu.memref_slice %arg6[%add3A_31, %dma_start3A_253] : memref<100352x16xf32, #tpu.memory_space<vmem_shared>> -> memref<98x16xf32, #tpu.memory_space<vmem_shared>>
      tpu.enqueue_dma source(%arg11 : memref<98x16xf32, #tpu.memory_space<vmem>>) target(%dma_start3A_254 : memref<98x16xf32, #tpu.memory_space<vmem_shared>>) target_semaphore(%run_scoped3A : memref<!tpu.dma_semaphore, #tpu.memory_space<semaphore_mem>>)
      %dma_wait3A = arith.constant 0 : i32
      %dma_wait3A_255 = tpu.memref_slice %arg6[%add3A_31, %dma_wait3A] : memref<100352x16xf32, #tpu.memory_space<vmem_shared>> -> memref<98x16xf32, #tpu.memory_space<vmem_shared>>
      %dma_wait3A_256 = arith.constant 0 : i32
      %dma_wait3A_257 = tpu.memref_slice %arg6[%add3A_31, %dma_wait3A_256] : memref<100352x16xf32, #tpu.memory_space<vmem_shared>> -> memref<98x16xf32, #tpu.memory_space<vmem_shared>>
      tpu.wait_dma2 semaphore(%run_scoped3A : memref<!tpu.dma_semaphore, #tpu.memory_space<semaphore_mem>>) src(%arg11 : memref<98x16xf32, #tpu.memory_space<vmem>>) dst(%dma_wait3A_257 : memref<98x16xf32, #tpu.memory_space<vmem_shared>>)
      tpu.yield
    }) : () -> ()
    %add3A_32 = arith.constant 588 : i32
    %add3A_33 = arith.addi %multiple_of3A, %add3A_32 : i32
    "tpu.region"() ({
      %run_scoped3A = tpu.sem_alloc : memref<!tpu.dma_semaphore, #tpu.memory_space<semaphore_mem>>
      %dma_start3A_251 = arith.constant 0 : i32
      %dma_start3A_252 = tpu.memref_slice %arg6[%add3A_33, %dma_start3A_251] : memref<100352x16xf32, #tpu.memory_space<vmem_shared>> -> memref<98x16xf32, #tpu.memory_space<vmem_shared>>
      %dma_start3A_253 = arith.constant 0 : i32
      %dma_start3A_254 = tpu.memref_slice %arg6[%add3A_33, %dma_start3A_253] : memref<100352x16xf32, #tpu.memory_space<vmem_shared>> -> memref<98x16xf32, #tpu.memory_space<vmem_shared>>
      tpu.enqueue_dma source(%arg11 : memref<98x16xf32, #tpu.memory_space<vmem>>) target(%dma_start3A_254 : memref<98x16xf32, #tpu.memory_space<vmem_shared>>) target_semaphore(%run_scoped3A : memref<!tpu.dma_semaphore, #tpu.memory_space<semaphore_mem>>)
      %dma_wait3A = arith.constant 0 : i32
      %dma_wait3A_255 = tpu.memref_slice %arg6[%add3A_33, %dma_wait3A] : memref<100352x16xf32, #tpu.memory_space<vmem_shared>> -> memref<98x16xf32, #tpu.memory_space<vmem_shared>>
      %dma_wait3A_256 = arith.constant 0 : i32
      %dma_wait3A_257 = tpu.memref_slice %arg6[%add3A_33, %dma_wait3A_256] : memref<100352x16xf32, #tpu.memory_space<vmem_shared>> -> memref<98x16xf32, #tpu.memory_space<vmem_shared>>
      tpu.wait_dma2 semaphore(%run_scoped3A : memref<!tpu.dma_semaphore, #tpu.memory_space<semaphore_mem>>) src(%arg11 : memref<98x16xf32, #tpu.memory_space<vmem>>) dst(%dma_wait3A_257 : memref<98x16xf32, #tpu.memory_space<vmem_shared>>)
      tpu.yield
    }) : () -> ()
    %add3A_34 = arith.constant 686 : i32
    %add3A_35 = arith.addi %multiple_of3A, %add3A_34 : i32
    "tpu.region"() ({
      %run_scoped3A = tpu.sem_alloc : memref<!tpu.dma_semaphore, #tpu.memory_space<semaphore_mem>>
      %dma_start3A_251 = arith.constant 0 : i32
      %dma_start3A_252 = tpu.memref_slice %arg6[%add3A_35, %dma_start3A_251] : memref<100352x16xf32, #tpu.memory_space<vmem_shared>> -> memref<98x16xf32, #tpu.memory_space<vmem_shared>>
      %dma_start3A_253 = arith.constant 0 : i32
      %dma_start3A_254 = tpu.memref_slice %arg6[%add3A_35, %dma_start3A_253] : memref<100352x16xf32, #tpu.memory_space<vmem_shared>> -> memref<98x16xf32, #tpu.memory_space<vmem_shared>>
      tpu.enqueue_dma source(%arg11 : memref<98x16xf32, #tpu.memory_space<vmem>>) target(%dma_start3A_254 : memref<98x16xf32, #tpu.memory_space<vmem_shared>>) target_semaphore(%run_scoped3A : memref<!tpu.dma_semaphore, #tpu.memory_space<semaphore_mem>>)
      %dma_wait3A = arith.constant 0 : i32
      %dma_wait3A_255 = tpu.memref_slice %arg6[%add3A_35, %dma_wait3A] : memref<100352x16xf32, #tpu.memory_space<vmem_shared>> -> memref<98x16xf32, #tpu.memory_space<vmem_shared>>
      %dma_wait3A_256 = arith.constant 0 : i32
      %dma_wait3A_257 = tpu.memref_slice %arg6[%add3A_35, %dma_wait3A_256] : memref<100352x16xf32, #tpu.memory_space<vmem_shared>> -> memref<98x16xf32, #tpu.memory_space<vmem_shared>>
      tpu.wait_dma2 semaphore(%run_scoped3A : memref<!tpu.dma_semaphore, #tpu.memory_space<semaphore_mem>>) src(%arg11 : memref<98x16xf32, #tpu.memory_space<vmem>>) dst(%dma_wait3A_257 : memref<98x16xf32, #tpu.memory_space<vmem_shared>>)
      tpu.yield
    }) : () -> ()
    %add3A_36 = arith.constant 784 : i32
    %add3A_37 = arith.addi %multiple_of3A, %add3A_36 : i32
    "tpu.region"() ({
      %run_scoped3A = tpu.sem_alloc : memref<!tpu.dma_semaphore, #tpu.memory_space<semaphore_mem>>
      %dma_start3A_251 = arith.constant 0 : i32
      %dma_start3A_252 = tpu.memref_slice %arg6[%add3A_37, %dma_start3A_251] : memref<100352x16xf32, #tpu.memory_space<vmem_shared>> -> memref<98x16xf32, #tpu.memory_space<vmem_shared>>
      %dma_start3A_253 = arith.constant 0 : i32
      %dma_start3A_254 = tpu.memref_slice %arg6[%add3A_37, %dma_start3A_253] : memref<100352x16xf32, #tpu.memory_space<vmem_shared>> -> memref<98x16xf32, #tpu.memory_space<vmem_shared>>
      tpu.enqueue_dma source(%arg11 : memref<98x16xf32, #tpu.memory_space<vmem>>) target(%dma_start3A_254 : memref<98x16xf32, #tpu.memory_space<vmem_shared>>) target_semaphore(%run_scoped3A : memref<!tpu.dma_semaphore, #tpu.memory_space<semaphore_mem>>)
      %dma_wait3A = arith.constant 0 : i32
      %dma_wait3A_255 = tpu.memref_slice %arg6[%add3A_37, %dma_wait3A] : memref<100352x16xf32, #tpu.memory_space<vmem_shared>> -> memref<98x16xf32, #tpu.memory_space<vmem_shared>>
      %dma_wait3A_256 = arith.constant 0 : i32
      %dma_wait3A_257 = tpu.memref_slice %arg6[%add3A_37, %dma_wait3A_256] : memref<100352x16xf32, #tpu.memory_space<vmem_shared>> -> memref<98x16xf32, #tpu.memory_space<vmem_shared>>
      tpu.wait_dma2 semaphore(%run_scoped3A : memref<!tpu.dma_semaphore, #tpu.memory_space<semaphore_mem>>) src(%arg11 : memref<98x16xf32, #tpu.memory_space<vmem>>) dst(%dma_wait3A_257 : memref<98x16xf32, #tpu.memory_space<vmem_shared>>)
      tpu.yield
    }) : () -> ()
    %add3A_38 = arith.constant 882 : i32
    %add3A_39 = arith.addi %multiple_of3A, %add3A_38 : i32
    "tpu.region"() ({
      %run_scoped3A = tpu.sem_alloc : memref<!tpu.dma_semaphore, #tpu.memory_space<semaphore_mem>>
      %dma_start3A_251 = arith.constant 0 : i32
      %dma_start3A_252 = tpu.memref_slice %arg6[%add3A_39, %dma_start3A_251] : memref<100352x16xf32, #tpu.memory_space<vmem_shared>> -> memref<98x16xf32, #tpu.memory_space<vmem_shared>>
      %dma_start3A_253 = arith.constant 0 : i32
      %dma_start3A_254 = tpu.memref_slice %arg6[%add3A_39, %dma_start3A_253] : memref<100352x16xf32, #tpu.memory_space<vmem_shared>> -> memref<98x16xf32, #tpu.memory_space<vmem_shared>>
      tpu.enqueue_dma source(%arg11 : memref<98x16xf32, #tpu.memory_space<vmem>>) target(%dma_start3A_254 : memref<98x16xf32, #tpu.memory_space<vmem_shared>>) target_semaphore(%run_scoped3A : memref<!tpu.dma_semaphore, #tpu.memory_space<semaphore_mem>>)
      %dma_wait3A = arith.constant 0 : i32
      %dma_wait3A_255 = tpu.memref_slice %arg6[%add3A_39, %dma_wait3A] : memref<100352x16xf32, #tpu.memory_space<vmem_shared>> -> memref<98x16xf32, #tpu.memory_space<vmem_shared>>
      %dma_wait3A_256 = arith.constant 0 : i32
      %dma_wait3A_257 = tpu.memref_slice %arg6[%add3A_39, %dma_wait3A_256] : memref<100352x16xf32, #tpu.memory_space<vmem_shared>> -> memref<98x16xf32, #tpu.memory_space<vmem_shared>>
      tpu.wait_dma2 semaphore(%run_scoped3A : memref<!tpu.dma_semaphore, #tpu.memory_space<semaphore_mem>>) src(%arg11 : memref<98x16xf32, #tpu.memory_space<vmem>>) dst(%dma_wait3A_257 : memref<98x16xf32, #tpu.memory_space<vmem_shared>>)
      tpu.yield
    }) : () -> ()
    %add3A_40 = arith.constant 980 : i32
    %add3A_41 = arith.addi %multiple_of3A, %add3A_40 : i32
    "tpu.region"() ({
      %run_scoped3A = tpu.sem_alloc : memref<!tpu.dma_semaphore, #tpu.memory_space<semaphore_mem>>
      %dma_start3A_251 = arith.constant 0 : i32
      %dma_start3A_252 = tpu.memref_slice %arg6[%add3A_41, %dma_start3A_251] : memref<100352x16xf32, #tpu.memory_space<vmem_shared>> -> memref<98x16xf32, #tpu.memory_space<vmem_shared>>
      %dma_start3A_253 = arith.constant 0 : i32
      %dma_start3A_254 = tpu.memref_slice %arg6[%add3A_41, %dma_start3A_253] : memref<100352x16xf32, #tpu.memory_space<vmem_shared>> -> memref<98x16xf32, #tpu.memory_space<vmem_shared>>
      tpu.enqueue_dma source(%arg11 : memref<98x16xf32, #tpu.memory_space<vmem>>) target(%dma_start3A_254 : memref<98x16xf32, #tpu.memory_space<vmem_shared>>) target_semaphore(%run_scoped3A : memref<!tpu.dma_semaphore, #tpu.memory_space<semaphore_mem>>)
      %dma_wait3A = arith.constant 0 : i32
      %dma_wait3A_255 = tpu.memref_slice %arg6[%add3A_41, %dma_wait3A] : memref<100352x16xf32, #tpu.memory_space<vmem_shared>> -> memref<98x16xf32, #tpu.memory_space<vmem_shared>>
      %dma_wait3A_256 = arith.constant 0 : i32
      %dma_wait3A_257 = tpu.memref_slice %arg6[%add3A_41, %dma_wait3A_256] : memref<100352x16xf32, #tpu.memory_space<vmem_shared>> -> memref<98x16xf32, #tpu.memory_space<vmem_shared>>
      tpu.wait_dma2 semaphore(%run_scoped3A : memref<!tpu.dma_semaphore, #tpu.memory_space<semaphore_mem>>) src(%arg11 : memref<98x16xf32, #tpu.memory_space<vmem>>) dst(%dma_wait3A_257 : memref<98x16xf32, #tpu.memory_space<vmem_shared>>)
      tpu.yield
    }) : () -> ()
    %add3A_42 = arith.constant 1078 : i32
    %add3A_43 = arith.addi %multiple_of3A, %add3A_42 : i32
    "tpu.region"() ({
      %run_scoped3A = tpu.sem_alloc : memref<!tpu.dma_semaphore, #tpu.memory_space<semaphore_mem>>
      %dma_start3A_251 = arith.constant 0 : i32
      %dma_start3A_252 = tpu.memref_slice %arg6[%add3A_43, %dma_start3A_251] : memref<100352x16xf32, #tpu.memory_space<vmem_shared>> -> memref<98x16xf32, #tpu.memory_space<vmem_shared>>
      %dma_start3A_253 = arith.constant 0 : i32
      %dma_start3A_254 = tpu.memref_slice %arg6[%add3A_43, %dma_start3A_253] : memref<100352x16xf32, #tpu.memory_space<vmem_shared>> -> memref<98x16xf32, #tpu.memory_space<vmem_shared>>
      tpu.enqueue_dma source(%arg11 : memref<98x16xf32, #tpu.memory_space<vmem>>) target(%dma_start3A_254 : memref<98x16xf32, #tpu.memory_space<vmem_shared>>) target_semaphore(%run_scoped3A : memref<!tpu.dma_semaphore, #tpu.memory_space<semaphore_mem>>)
      %dma_wait3A = arith.constant 0 : i32
      %dma_wait3A_255 = tpu.memref_slice %arg6[%add3A_43, %dma_wait3A] : memref<100352x16xf32, #tpu.memory_space<vmem_shared>> -> memref<98x16xf32, #tpu.memory_space<vmem_shared>>
      %dma_wait3A_256 = arith.constant 0 : i32
      %dma_wait3A_257 = tpu.memref_slice %arg6[%add3A_43, %dma_wait3A_256] : memref<100352x16xf32, #tpu.memory_space<vmem_shared>> -> memref<98x16xf32, #tpu.memory_space<vmem_shared>>
      tpu.wait_dma2 semaphore(%run_scoped3A : memref<!tpu.dma_semaphore, #tpu.memory_space<semaphore_mem>>) src(%arg11 : memref<98x16xf32, #tpu.memory_space<vmem>>) dst(%dma_wait3A_257 : memref<98x16xf32, #tpu.memory_space<vmem_shared>>)
      tpu.yield
    }) : () -> ()
    %add3A_44 = arith.constant 1176 : i32
    %add3A_45 = arith.addi %multiple_of3A, %add3A_44 : i32
    "tpu.region"() ({
      %run_scoped3A = tpu.sem_alloc : memref<!tpu.dma_semaphore, #tpu.memory_space<semaphore_mem>>
      %dma_start3A_251 = arith.constant 0 : i32
      %dma_start3A_252 = tpu.memref_slice %arg6[%add3A_45, %dma_start3A_251] : memref<100352x16xf32, #tpu.memory_space<vmem_shared>> -> memref<98x16xf32, #tpu.memory_space<vmem_shared>>
      %dma_start3A_253 = arith.constant 0 : i32
      %dma_start3A_254 = tpu.memref_slice %arg6[%add3A_45, %dma_start3A_253] : memref<100352x16xf32, #tpu.memory_space<vmem_shared>> -> memref<98x16xf32, #tpu.memory_space<vmem_shared>>
      tpu.enqueue_dma source(%arg11 : memref<98x16xf32, #tpu.memory_space<vmem>>) target(%dma_start3A_254 : memref<98x16xf32, #tpu.memory_space<vmem_shared>>) target_semaphore(%run_scoped3A : memref<!tpu.dma_semaphore, #tpu.memory_space<semaphore_mem>>)
      %dma_wait3A = arith.constant 0 : i32
      %dma_wait3A_255 = tpu.memref_slice %arg6[%add3A_45, %dma_wait3A] : memref<100352x16xf32, #tpu.memory_space<vmem_shared>> -> memref<98x16xf32, #tpu.memory_space<vmem_shared>>
      %dma_wait3A_256 = arith.constant 0 : i32
      %dma_wait3A_257 = tpu.memref_slice %arg6[%add3A_45, %dma_wait3A_256] : memref<100352x16xf32, #tpu.memory_space<vmem_shared>> -> memref<98x16xf32, #tpu.memory_space<vmem_shared>>
      tpu.wait_dma2 semaphore(%run_scoped3A : memref<!tpu.dma_semaphore, #tpu.memory_space<semaphore_mem>>) src(%arg11 : memref<98x16xf32, #tpu.memory_space<vmem>>) dst(%dma_wait3A_257 : memref<98x16xf32, #tpu.memory_space<vmem_shared>>)
      tpu.yield
    }) : () -> ()
    %add3A_46 = arith.constant 1274 : i32
    %add3A_47 = arith.addi %multiple_of3A, %add3A_46 : i32
    "tpu.region"() ({
      %run_scoped3A = tpu.sem_alloc : memref<!tpu.dma_semaphore, #tpu.memory_space<semaphore_mem>>
      %dma_start3A_251 = arith.constant 0 : i32
      %dma_start3A_252 = tpu.memref_slice %arg6[%add3A_47, %dma_start3A_251] : memref<100352x16xf32, #tpu.memory_space<vmem_shared>> -> memref<98x16xf32, #tpu.memory_space<vmem_shared>>
      %dma_start3A_253 = arith.constant 0 : i32
      %dma_start3A_254 = tpu.memref_slice %arg6[%add3A_47, %dma_start3A_253] : memref<100352x16xf32, #tpu.memory_space<vmem_shared>> -> memref<98x16xf32, #tpu.memory_space<vmem_shared>>
      tpu.enqueue_dma source(%arg11 : memref<98x16xf32, #tpu.memory_space<vmem>>) target(%dma_start3A_254 : memref<98x16xf32, #tpu.memory_space<vmem_shared>>) target_semaphore(%run_scoped3A : memref<!tpu.dma_semaphore, #tpu.memory_space<semaphore_mem>>)
      %dma_wait3A = arith.constant 0 : i32
      %dma_wait3A_255 = tpu.memref_slice %arg6[%add3A_47, %dma_wait3A] : memref<100352x16xf32, #tpu.memory_space<vmem_shared>> -> memref<98x16xf32, #tpu.memory_space<vmem_shared>>
      %dma_wait3A_256 = arith.constant 0 : i32
      %dma_wait3A_257 = tpu.memref_slice %arg6[%add3A_47, %dma_wait3A_256] : memref<100352x16xf32, #tpu.memory_space<vmem_shared>> -> memref<98x16xf32, #tpu.memory_space<vmem_shared>>
      tpu.wait_dma2 semaphore(%run_scoped3A : memref<!tpu.dma_semaphore, #tpu.memory_space<semaphore_mem>>) src(%arg11 : memref<98x16xf32, #tpu.memory_space<vmem>>) dst(%dma_wait3A_257 : memref<98x16xf32, #tpu.memory_space<vmem_shared>>)
      tpu.yield
    }) : () -> ()
    %add3A_48 = arith.constant 1372 : i32
    %add3A_49 = arith.addi %multiple_of3A, %add3A_48 : i32
    "tpu.region"() ({
      %run_scoped3A = tpu.sem_alloc : memref<!tpu.dma_semaphore, #tpu.memory_space<semaphore_mem>>
      %dma_start3A_251 = arith.constant 0 : i32
      %dma_start3A_252 = tpu.memref_slice %arg6[%add3A_49, %dma_start3A_251] : memref<100352x16xf32, #tpu.memory_space<vmem_shared>> -> memref<98x16xf32, #tpu.memory_space<vmem_shared>>
      %dma_start3A_253 = arith.constant 0 : i32
      %dma_start3A_254 = tpu.memref_slice %arg6[%add3A_49, %dma_start3A_253] : memref<100352x16xf32, #tpu.memory_space<vmem_shared>> -> memref<98x16xf32, #tpu.memory_space<vmem_shared>>
      tpu.enqueue_dma source(%arg11 : memref<98x16xf32, #tpu.memory_space<vmem>>) target(%dma_start3A_254 : memref<98x16xf32, #tpu.memory_space<vmem_shared>>) target_semaphore(%run_scoped3A : memref<!tpu.dma_semaphore, #tpu.memory_space<semaphore_mem>>)
      %dma_wait3A = arith.constant 0 : i32
      %dma_wait3A_255 = tpu.memref_slice %arg6[%add3A_49, %dma_wait3A] : memref<100352x16xf32, #tpu.memory_space<vmem_shared>> -> memref<98x16xf32, #tpu.memory_space<vmem_shared>>
      %dma_wait3A_256 = arith.constant 0 : i32
      %dma_wait3A_257 = tpu.memref_slice %arg6[%add3A_49, %dma_wait3A_256] : memref<100352x16xf32, #tpu.memory_space<vmem_shared>> -> memref<98x16xf32, #tpu.memory_space<vmem_shared>>
      tpu.wait_dma2 semaphore(%run_scoped3A : memref<!tpu.dma_semaphore, #tpu.memory_space<semaphore_mem>>) src(%arg11 : memref<98x16xf32, #tpu.memory_space<vmem>>) dst(%dma_wait3A_257 : memref<98x16xf32, #tpu.memory_space<vmem_shared>>)
      tpu.yield
    }) : () -> ()
    %add3A_50 = arith.constant 1470 : i32
    %add3A_51 = arith.addi %multiple_of3A, %add3A_50 : i32
    "tpu.region"() ({
      %run_scoped3A = tpu.sem_alloc : memref<!tpu.dma_semaphore, #tpu.memory_space<semaphore_mem>>
      %dma_start3A_251 = arith.constant 0 : i32
      %dma_start3A_252 = tpu.memref_slice %arg6[%add3A_51, %dma_start3A_251] : memref<100352x16xf32, #tpu.memory_space<vmem_shared>> -> memref<98x16xf32, #tpu.memory_space<vmem_shared>>
      %dma_start3A_253 = arith.constant 0 : i32
      %dma_start3A_254 = tpu.memref_slice %arg6[%add3A_51, %dma_start3A_253] : memref<100352x16xf32, #tpu.memory_space<vmem_shared>> -> memref<98x16xf32, #tpu.memory_space<vmem_shared>>
      tpu.enqueue_dma source(%arg11 : memref<98x16xf32, #tpu.memory_space<vmem>>) target(%dma_start3A_254 : memref<98x16xf32, #tpu.memory_space<vmem_shared>>) target_semaphore(%run_scoped3A : memref<!tpu.dma_semaphore, #tpu.memory_space<semaphore_mem>>)
      %dma_wait3A = arith.constant 0 : i32
      %dma_wait3A_255 = tpu.memref_slice %arg6[%add3A_51, %dma_wait3A] : memref<100352x16xf32, #tpu.memory_space<vmem_shared>> -> memref<98x16xf32, #tpu.memory_space<vmem_shared>>
      %dma_wait3A_256 = arith.constant 0 : i32
      %dma_wait3A_257 = tpu.memref_slice %arg6[%add3A_51, %dma_wait3A_256] : memref<100352x16xf32, #tpu.memory_space<vmem_shared>> -> memref<98x16xf32, #tpu.memory_space<vmem_shared>>
      tpu.wait_dma2 semaphore(%run_scoped3A : memref<!tpu.dma_semaphore, #tpu.memory_space<semaphore_mem>>) src(%arg11 : memref<98x16xf32, #tpu.memory_space<vmem>>) dst(%dma_wait3A_257 : memref<98x16xf32, #tpu.memory_space<vmem_shared>>)
      tpu.yield
    }) : () -> ()
    %add3A_52 = arith.constant 1568 : i32
    %add3A_53 = arith.addi %multiple_of3A, %add3A_52 : i32
    "tpu.region"() ({
      %run_scoped3A = tpu.sem_alloc : memref<!tpu.dma_semaphore, #tpu.memory_space<semaphore_mem>>
      %dma_start3A_251 = arith.constant 0 : i32
      %dma_start3A_252 = tpu.memref_slice %arg6[%add3A_53, %dma_start3A_251] : memref<100352x16xf32, #tpu.memory_space<vmem_shared>> -> memref<98x16xf32, #tpu.memory_space<vmem_shared>>
      %dma_start3A_253 = arith.constant 0 : i32
      %dma_start3A_254 = tpu.memref_slice %arg6[%add3A_53, %dma_start3A_253] : memref<100352x16xf32, #tpu.memory_space<vmem_shared>> -> memref<98x16xf32, #tpu.memory_space<vmem_shared>>
      tpu.enqueue_dma source(%arg11 : memref<98x16xf32, #tpu.memory_space<vmem>>) target(%dma_start3A_254 : memref<98x16xf32, #tpu.memory_space<vmem_shared>>) target_semaphore(%run_scoped3A : memref<!tpu.dma_semaphore, #tpu.memory_space<semaphore_mem>>)
      %dma_wait3A = arith.constant 0 : i32
      %dma_wait3A_255 = tpu.memref_slice %arg6[%add3A_53, %dma_wait3A] : memref<100352x16xf32, #tpu.memory_space<vmem_shared>> -> memref<98x16xf32, #tpu.memory_space<vmem_shared>>
      %dma_wait3A_256 = arith.constant 0 : i32
      %dma_wait3A_257 = tpu.memref_slice %arg6[%add3A_53, %dma_wait3A_256] : memref<100352x16xf32, #tpu.memory_space<vmem_shared>> -> memref<98x16xf32, #tpu.memory_space<vmem_shared>>
      tpu.wait_dma2 semaphore(%run_scoped3A : memref<!tpu.dma_semaphore, #tpu.memory_space<semaphore_mem>>) src(%arg11 : memref<98x16xf32, #tpu.memory_space<vmem>>) dst(%dma_wait3A_257 : memref<98x16xf32, #tpu.memory_space<vmem_shared>>)
      tpu.yield
    }) : () -> ()
    %add3A_54 = arith.constant 1666 : i32
    %add3A_55 = arith.addi %multiple_of3A, %add3A_54 : i32
    "tpu.region"() ({
      %run_scoped3A = tpu.sem_alloc : memref<!tpu.dma_semaphore, #tpu.memory_space<semaphore_mem>>
      %dma_start3A_251 = arith.constant 0 : i32
      %dma_start3A_252 = tpu.memref_slice %arg6[%add3A_55, %dma_start3A_251] : memref<100352x16xf32, #tpu.memory_space<vmem_shared>> -> memref<98x16xf32, #tpu.memory_space<vmem_shared>>
      %dma_start3A_253 = arith.constant 0 : i32
      %dma_start3A_254 = tpu.memref_slice %arg6[%add3A_55, %dma_start3A_253] : memref<100352x16xf32, #tpu.memory_space<vmem_shared>> -> memref<98x16xf32, #tpu.memory_space<vmem_shared>>
      tpu.enqueue_dma source(%arg11 : memref<98x16xf32, #tpu.memory_space<vmem>>) target(%dma_start3A_254 : memref<98x16xf32, #tpu.memory_space<vmem_shared>>) target_semaphore(%run_scoped3A : memref<!tpu.dma_semaphore, #tpu.memory_space<semaphore_mem>>)
      %dma_wait3A = arith.constant 0 : i32
      %dma_wait3A_255 = tpu.memref_slice %arg6[%add3A_55, %dma_wait3A] : memref<100352x16xf32, #tpu.memory_space<vmem_shared>> -> memref<98x16xf32, #tpu.memory_space<vmem_shared>>
      %dma_wait3A_256 = arith.constant 0 : i32
      %dma_wait3A_257 = tpu.memref_slice %arg6[%add3A_55, %dma_wait3A_256] : memref<100352x16xf32, #tpu.memory_space<vmem_shared>> -> memref<98x16xf32, #tpu.memory_space<vmem_shared>>
      tpu.wait_dma2 semaphore(%run_scoped3A : memref<!tpu.dma_semaphore, #tpu.memory_space<semaphore_mem>>) src(%arg11 : memref<98x16xf32, #tpu.memory_space<vmem>>) dst(%dma_wait3A_257 : memref<98x16xf32, #tpu.memory_space<vmem_shared>>)
      tpu.yield
    }) : () -> ()
    %add3A_56 = arith.constant 1764 : i32
    %add3A_57 = arith.addi %multiple_of3A, %add3A_56 : i32
    "tpu.region"() ({
      %run_scoped3A = tpu.sem_alloc : memref<!tpu.dma_semaphore, #tpu.memory_space<semaphore_mem>>
      %dma_start3A_251 = arith.constant 0 : i32
      %dma_start3A_252 = tpu.memref_slice %arg6[%add3A_57, %dma_start3A_251] : memref<100352x16xf32, #tpu.memory_space<vmem_shared>> -> memref<98x16xf32, #tpu.memory_space<vmem_shared>>
      %dma_start3A_253 = arith.constant 0 : i32
      %dma_start3A_254 = tpu.memref_slice %arg6[%add3A_57, %dma_start3A_253] : memref<100352x16xf32, #tpu.memory_space<vmem_shared>> -> memref<98x16xf32, #tpu.memory_space<vmem_shared>>
      tpu.enqueue_dma source(%arg11 : memref<98x16xf32, #tpu.memory_space<vmem>>) target(%dma_start3A_254 : memref<98x16xf32, #tpu.memory_space<vmem_shared>>) target_semaphore(%run_scoped3A : memref<!tpu.dma_semaphore, #tpu.memory_space<semaphore_mem>>)
      %dma_wait3A = arith.constant 0 : i32
      %dma_wait3A_255 = tpu.memref_slice %arg6[%add3A_57, %dma_wait3A] : memref<100352x16xf32, #tpu.memory_space<vmem_shared>> -> memref<98x16xf32, #tpu.memory_space<vmem_shared>>
      %dma_wait3A_256 = arith.constant 0 : i32
      %dma_wait3A_257 = tpu.memref_slice %arg6[%add3A_57, %dma_wait3A_256] : memref<100352x16xf32, #tpu.memory_space<vmem_shared>> -> memref<98x16xf32, #tpu.memory_space<vmem_shared>>
      tpu.wait_dma2 semaphore(%run_scoped3A : memref<!tpu.dma_semaphore, #tpu.memory_space<semaphore_mem>>) src(%arg11 : memref<98x16xf32, #tpu.memory_space<vmem>>) dst(%dma_wait3A_257 : memref<98x16xf32, #tpu.memory_space<vmem_shared>>)
      tpu.yield
    }) : () -> ()
    %add3A_58 = arith.constant 1862 : i32
    %add3A_59 = arith.addi %multiple_of3A, %add3A_58 : i32
    "tpu.region"() ({
      %run_scoped3A = tpu.sem_alloc : memref<!tpu.dma_semaphore, #tpu.memory_space<semaphore_mem>>
      %dma_start3A_251 = arith.constant 0 : i32
      %dma_start3A_252 = tpu.memref_slice %arg6[%add3A_59, %dma_start3A_251] : memref<100352x16xf32, #tpu.memory_space<vmem_shared>> -> memref<98x16xf32, #tpu.memory_space<vmem_shared>>
      %dma_start3A_253 = arith.constant 0 : i32
      %dma_start3A_254 = tpu.memref_slice %arg6[%add3A_59, %dma_start3A_253] : memref<100352x16xf32, #tpu.memory_space<vmem_shared>> -> memref<98x16xf32, #tpu.memory_space<vmem_shared>>
      tpu.enqueue_dma source(%arg11 : memref<98x16xf32, #tpu.memory_space<vmem>>) target(%dma_start3A_254 : memref<98x16xf32, #tpu.memory_space<vmem_shared>>) target_semaphore(%run_scoped3A : memref<!tpu.dma_semaphore, #tpu.memory_space<semaphore_mem>>)
      %dma_wait3A = arith.constant 0 : i32
      %dma_wait3A_255 = tpu.memref_slice %arg6[%add3A_59, %dma_wait3A] : memref<100352x16xf32, #tpu.memory_space<vmem_shared>> -> memref<98x16xf32, #tpu.memory_space<vmem_shared>>
      %dma_wait3A_256 = arith.constant 0 : i32
      %dma_wait3A_257 = tpu.memref_slice %arg6[%add3A_59, %dma_wait3A_256] : memref<100352x16xf32, #tpu.memory_space<vmem_shared>> -> memref<98x16xf32, #tpu.memory_space<vmem_shared>>
      tpu.wait_dma2 semaphore(%run_scoped3A : memref<!tpu.dma_semaphore, #tpu.memory_space<semaphore_mem>>) src(%arg11 : memref<98x16xf32, #tpu.memory_space<vmem>>) dst(%dma_wait3A_257 : memref<98x16xf32, #tpu.memory_space<vmem_shared>>)
      tpu.yield
    }) : () -> ()
    %add3A_60 = arith.constant 1960 : i32
    %add3A_61 = arith.addi %multiple_of3A, %add3A_60 : i32
    "tpu.region"() ({
      %run_scoped3A = tpu.sem_alloc : memref<!tpu.dma_semaphore, #tpu.memory_space<semaphore_mem>>
      %dma_start3A_251 = arith.constant 0 : i32
      %dma_start3A_252 = tpu.memref_slice %arg6[%add3A_61, %dma_start3A_251] : memref<100352x16xf32, #tpu.memory_space<vmem_shared>> -> memref<98x16xf32, #tpu.memory_space<vmem_shared>>
      %dma_start3A_253 = arith.constant 0 : i32
      %dma_start3A_254 = tpu.memref_slice %arg6[%add3A_61, %dma_start3A_253] : memref<100352x16xf32, #tpu.memory_space<vmem_shared>> -> memref<98x16xf32, #tpu.memory_space<vmem_shared>>
      tpu.enqueue_dma source(%arg11 : memref<98x16xf32, #tpu.memory_space<vmem>>) target(%dma_start3A_254 : memref<98x16xf32, #tpu.memory_space<vmem_shared>>) target_semaphore(%run_scoped3A : memref<!tpu.dma_semaphore, #tpu.memory_space<semaphore_mem>>)
      %dma_wait3A = arith.constant 0 : i32
      %dma_wait3A_255 = tpu.memref_slice %arg6[%add3A_61, %dma_wait3A] : memref<100352x16xf32, #tpu.memory_space<vmem_shared>> -> memref<98x16xf32, #tpu.memory_space<vmem_shared>>
      %dma_wait3A_256 = arith.constant 0 : i32
      %dma_wait3A_257 = tpu.memref_slice %arg6[%add3A_61, %dma_wait3A_256] : memref<100352x16xf32, #tpu.memory_space<vmem_shared>> -> memref<98x16xf32, #tpu.memory_space<vmem_shared>>
      tpu.wait_dma2 semaphore(%run_scoped3A : memref<!tpu.dma_semaphore, #tpu.memory_space<semaphore_mem>>) src(%arg11 : memref<98x16xf32, #tpu.memory_space<vmem>>) dst(%dma_wait3A_257 : memref<98x16xf32, #tpu.memory_space<vmem_shared>>)
      tpu.yield
    }) : () -> ()
    %add3A_62 = arith.constant 2058 : i32
    %add3A_63 = arith.addi %multiple_of3A, %add3A_62 : i32
    "tpu.region"() ({
      %run_scoped3A = tpu.sem_alloc : memref<!tpu.dma_semaphore, #tpu.memory_space<semaphore_mem>>
      %dma_start3A_251 = arith.constant 0 : i32
      %dma_start3A_252 = tpu.memref_slice %arg6[%add3A_63, %dma_start3A_251] : memref<100352x16xf32, #tpu.memory_space<vmem_shared>> -> memref<98x16xf32, #tpu.memory_space<vmem_shared>>
      %dma_start3A_253 = arith.constant 0 : i32
      %dma_start3A_254 = tpu.memref_slice %arg6[%add3A_63, %dma_start3A_253] : memref<100352x16xf32, #tpu.memory_space<vmem_shared>> -> memref<98x16xf32, #tpu.memory_space<vmem_shared>>
      tpu.enqueue_dma source(%arg11 : memref<98x16xf32, #tpu.memory_space<vmem>>) target(%dma_start3A_254 : memref<98x16xf32, #tpu.memory_space<vmem_shared>>) target_semaphore(%run_scoped3A : memref<!tpu.dma_semaphore, #tpu.memory_space<semaphore_mem>>)
      %dma_wait3A = arith.constant 0 : i32
      %dma_wait3A_255 = tpu.memref_slice %arg6[%add3A_63, %dma_wait3A] : memref<100352x16xf32, #tpu.memory_space<vmem_shared>> -> memref<98x16xf32, #tpu.memory_space<vmem_shared>>
      %dma_wait3A_256 = arith.constant 0 : i32
      %dma_wait3A_257 = tpu.memref_slice %arg6[%add3A_63, %dma_wait3A_256] : memref<100352x16xf32, #tpu.memory_space<vmem_shared>> -> memref<98x16xf32, #tpu.memory_space<vmem_shared>>
      tpu.wait_dma2 semaphore(%run_scoped3A : memref<!tpu.dma_semaphore, #tpu.memory_space<semaphore_mem>>) src(%arg11 : memref<98x16xf32, #tpu.memory_space<vmem>>) dst(%dma_wait3A_257 : memref<98x16xf32, #tpu.memory_space<vmem_shared>>)
      tpu.yield
    }) : () -> ()
    %add3A_64 = arith.constant 2156 : i32
    %add3A_65 = arith.addi %multiple_of3A, %add3A_64 : i32
    "tpu.region"() ({
      %run_scoped3A = tpu.sem_alloc : memref<!tpu.dma_semaphore, #tpu.memory_space<semaphore_mem>>
      %dma_start3A_251 = arith.constant 0 : i32
      %dma_start3A_252 = tpu.memref_slice %arg6[%add3A_65, %dma_start3A_251] : memref<100352x16xf32, #tpu.memory_space<vmem_shared>> -> memref<98x16xf32, #tpu.memory_space<vmem_shared>>
      %dma_start3A_253 = arith.constant 0 : i32
      %dma_start3A_254 = tpu.memref_slice %arg6[%add3A_65, %dma_start3A_253] : memref<100352x16xf32, #tpu.memory_space<vmem_shared>> -> memref<98x16xf32, #tpu.memory_space<vmem_shared>>
      tpu.enqueue_dma source(%arg11 : memref<98x16xf32, #tpu.memory_space<vmem>>) target(%dma_start3A_254 : memref<98x16xf32, #tpu.memory_space<vmem_shared>>) target_semaphore(%run_scoped3A : memref<!tpu.dma_semaphore, #tpu.memory_space<semaphore_mem>>)
      %dma_wait3A = arith.constant 0 : i32
      %dma_wait3A_255 = tpu.memref_slice %arg6[%add3A_65, %dma_wait3A] : memref<100352x16xf32, #tpu.memory_space<vmem_shared>> -> memref<98x16xf32, #tpu.memory_space<vmem_shared>>
      %dma_wait3A_256 = arith.constant 0 : i32
      %dma_wait3A_257 = tpu.memref_slice %arg6[%add3A_65, %dma_wait3A_256] : memref<100352x16xf32, #tpu.memory_space<vmem_shared>> -> memref<98x16xf32, #tpu.memory_space<vmem_shared>>
      tpu.wait_dma2 semaphore(%run_scoped3A : memref<!tpu.dma_semaphore, #tpu.memory_space<semaphore_mem>>) src(%arg11 : memref<98x16xf32, #tpu.memory_space<vmem>>) dst(%dma_wait3A_257 : memref<98x16xf32, #tpu.memory_space<vmem_shared>>)
      tpu.yield
    }) : () -> ()
    %add3A_66 = arith.constant 2254 : i32
    %add3A_67 = arith.addi %multiple_of3A, %add3A_66 : i32
    "tpu.region"() ({
      %run_scoped3A = tpu.sem_alloc : memref<!tpu.dma_semaphore, #tpu.memory_space<semaphore_mem>>
      %dma_start3A_251 = arith.constant 0 : i32
      %dma_start3A_252 = tpu.memref_slice %arg6[%add3A_67, %dma_start3A_251] : memref<100352x16xf32, #tpu.memory_space<vmem_shared>> -> memref<98x16xf32, #tpu.memory_space<vmem_shared>>
      %dma_start3A_253 = arith.constant 0 : i32
      %dma_start3A_254 = tpu.memref_slice %arg6[%add3A_67, %dma_start3A_253] : memref<100352x16xf32, #tpu.memory_space<vmem_shared>> -> memref<98x16xf32, #tpu.memory_space<vmem_shared>>
      tpu.enqueue_dma source(%arg11 : memref<98x16xf32, #tpu.memory_space<vmem>>) target(%dma_start3A_254 : memref<98x16xf32, #tpu.memory_space<vmem_shared>>) target_semaphore(%run_scoped3A : memref<!tpu.dma_semaphore, #tpu.memory_space<semaphore_mem>>)
      %dma_wait3A = arith.constant 0 : i32
      %dma_wait3A_255 = tpu.memref_slice %arg6[%add3A_67, %dma_wait3A] : memref<100352x16xf32, #tpu.memory_space<vmem_shared>> -> memref<98x16xf32, #tpu.memory_space<vmem_shared>>
      %dma_wait3A_256 = arith.constant 0 : i32
      %dma_wait3A_257 = tpu.memref_slice %arg6[%add3A_67, %dma_wait3A_256] : memref<100352x16xf32, #tpu.memory_space<vmem_shared>> -> memref<98x16xf32, #tpu.memory_space<vmem_shared>>
      tpu.wait_dma2 semaphore(%run_scoped3A : memref<!tpu.dma_semaphore, #tpu.memory_space<semaphore_mem>>) src(%arg11 : memref<98x16xf32, #tpu.memory_space<vmem>>) dst(%dma_wait3A_257 : memref<98x16xf32, #tpu.memory_space<vmem_shared>>)
      tpu.yield
    }) : () -> ()
    %add3A_68 = arith.constant 2352 : i32
    %add3A_69 = arith.addi %multiple_of3A, %add3A_68 : i32
    "tpu.region"() ({
      %run_scoped3A = tpu.sem_alloc : memref<!tpu.dma_semaphore, #tpu.memory_space<semaphore_mem>>
      %dma_start3A_251 = arith.constant 0 : i32
      %dma_start3A_252 = tpu.memref_slice %arg6[%add3A_69, %dma_start3A_251] : memref<100352x16xf32, #tpu.memory_space<vmem_shared>> -> memref<98x16xf32, #tpu.memory_space<vmem_shared>>
      %dma_start3A_253 = arith.constant 0 : i32
      %dma_start3A_254 = tpu.memref_slice %arg6[%add3A_69, %dma_start3A_253] : memref<100352x16xf32, #tpu.memory_space<vmem_shared>> -> memref<98x16xf32, #tpu.memory_space<vmem_shared>>
      tpu.enqueue_dma source(%arg11 : memref<98x16xf32, #tpu.memory_space<vmem>>) target(%dma_start3A_254 : memref<98x16xf32, #tpu.memory_space<vmem_shared>>) target_semaphore(%run_scoped3A : memref<!tpu.dma_semaphore, #tpu.memory_space<semaphore_mem>>)
      %dma_wait3A = arith.constant 0 : i32
      %dma_wait3A_255 = tpu.memref_slice %arg6[%add3A_69, %dma_wait3A] : memref<100352x16xf32, #tpu.memory_space<vmem_shared>> -> memref<98x16xf32, #tpu.memory_space<vmem_shared>>
      %dma_wait3A_256 = arith.constant 0 : i32
      %dma_wait3A_257 = tpu.memref_slice %arg6[%add3A_69, %dma_wait3A_256] : memref<100352x16xf32, #tpu.memory_space<vmem_shared>> -> memref<98x16xf32, #tpu.memory_space<vmem_shared>>
      tpu.wait_dma2 semaphore(%run_scoped3A : memref<!tpu.dma_semaphore, #tpu.memory_space<semaphore_mem>>) src(%arg11 : memref<98x16xf32, #tpu.memory_space<vmem>>) dst(%dma_wait3A_257 : memref<98x16xf32, #tpu.memory_space<vmem_shared>>)
      tpu.yield
    }) : () -> ()
    %add3A_70 = arith.constant 2450 : i32
    %add3A_71 = arith.addi %multiple_of3A, %add3A_70 : i32
    "tpu.region"() ({
      %run_scoped3A = tpu.sem_alloc : memref<!tpu.dma_semaphore, #tpu.memory_space<semaphore_mem>>
      %dma_start3A_251 = arith.constant 0 : i32
      %dma_start3A_252 = tpu.memref_slice %arg6[%add3A_71, %dma_start3A_251] : memref<100352x16xf32, #tpu.memory_space<vmem_shared>> -> memref<98x16xf32, #tpu.memory_space<vmem_shared>>
      %dma_start3A_253 = arith.constant 0 : i32
      %dma_start3A_254 = tpu.memref_slice %arg6[%add3A_71, %dma_start3A_253] : memref<100352x16xf32, #tpu.memory_space<vmem_shared>> -> memref<98x16xf32, #tpu.memory_space<vmem_shared>>
      tpu.enqueue_dma source(%arg11 : memref<98x16xf32, #tpu.memory_space<vmem>>) target(%dma_start3A_254 : memref<98x16xf32, #tpu.memory_space<vmem_shared>>) target_semaphore(%run_scoped3A : memref<!tpu.dma_semaphore, #tpu.memory_space<semaphore_mem>>)
      %dma_wait3A = arith.constant 0 : i32
      %dma_wait3A_255 = tpu.memref_slice %arg6[%add3A_71, %dma_wait3A] : memref<100352x16xf32, #tpu.memory_space<vmem_shared>> -> memref<98x16xf32, #tpu.memory_space<vmem_shared>>
      %dma_wait3A_256 = arith.constant 0 : i32
      %dma_wait3A_257 = tpu.memref_slice %arg6[%add3A_71, %dma_wait3A_256] : memref<100352x16xf32, #tpu.memory_space<vmem_shared>> -> memref<98x16xf32, #tpu.memory_space<vmem_shared>>
      tpu.wait_dma2 semaphore(%run_scoped3A : memref<!tpu.dma_semaphore, #tpu.memory_space<semaphore_mem>>) src(%arg11 : memref<98x16xf32, #tpu.memory_space<vmem>>) dst(%dma_wait3A_257 : memref<98x16xf32, #tpu.memory_space<vmem_shared>>)
      tpu.yield
    }) : () -> ()
    %add3A_72 = arith.constant 2548 : i32
    %add3A_73 = arith.addi %multiple_of3A, %add3A_72 : i32
    "tpu.region"() ({
      %run_scoped3A = tpu.sem_alloc : memref<!tpu.dma_semaphore, #tpu.memory_space<semaphore_mem>>
      %dma_start3A_251 = arith.constant 0 : i32
      %dma_start3A_252 = tpu.memref_slice %arg6[%add3A_73, %dma_start3A_251] : memref<100352x16xf32, #tpu.memory_space<vmem_shared>> -> memref<98x16xf32, #tpu.memory_space<vmem_shared>>
      %dma_start3A_253 = arith.constant 0 : i32
      %dma_start3A_254 = tpu.memref_slice %arg6[%add3A_73, %dma_start3A_253] : memref<100352x16xf32, #tpu.memory_space<vmem_shared>> -> memref<98x16xf32, #tpu.memory_space<vmem_shared>>
      tpu.enqueue_dma source(%arg11 : memref<98x16xf32, #tpu.memory_space<vmem>>) target(%dma_start3A_254 : memref<98x16xf32, #tpu.memory_space<vmem_shared>>) target_semaphore(%run_scoped3A : memref<!tpu.dma_semaphore, #tpu.memory_space<semaphore_mem>>)
      %dma_wait3A = arith.constant 0 : i32
      %dma_wait3A_255 = tpu.memref_slice %arg6[%add3A_73, %dma_wait3A] : memref<100352x16xf32, #tpu.memory_space<vmem_shared>> -> memref<98x16xf32, #tpu.memory_space<vmem_shared>>
      %dma_wait3A_256 = arith.constant 0 : i32
      %dma_wait3A_257 = tpu.memref_slice %arg6[%add3A_73, %dma_wait3A_256] : memref<100352x16xf32, #tpu.memory_space<vmem_shared>> -> memref<98x16xf32, #tpu.memory_space<vmem_shared>>
      tpu.wait_dma2 semaphore(%run_scoped3A : memref<!tpu.dma_semaphore, #tpu.memory_space<semaphore_mem>>) src(%arg11 : memref<98x16xf32, #tpu.memory_space<vmem>>) dst(%dma_wait3A_257 : memref<98x16xf32, #tpu.memory_space<vmem_shared>>)
      tpu.yield
    }) : () -> ()
    %add3A_74 = arith.constant 2646 : i32
    %add3A_75 = arith.addi %multiple_of3A, %add3A_74 : i32
    "tpu.region"() ({
      %run_scoped3A = tpu.sem_alloc : memref<!tpu.dma_semaphore, #tpu.memory_space<semaphore_mem>>
      %dma_start3A_251 = arith.constant 0 : i32
      %dma_start3A_252 = tpu.memref_slice %arg6[%add3A_75, %dma_start3A_251] : memref<100352x16xf32, #tpu.memory_space<vmem_shared>> -> memref<98x16xf32, #tpu.memory_space<vmem_shared>>
      %dma_start3A_253 = arith.constant 0 : i32
      %dma_start3A_254 = tpu.memref_slice %arg6[%add3A_75, %dma_start3A_253] : memref<100352x16xf32, #tpu.memory_space<vmem_shared>> -> memref<98x16xf32, #tpu.memory_space<vmem_shared>>
      tpu.enqueue_dma source(%arg11 : memref<98x16xf32, #tpu.memory_space<vmem>>) target(%dma_start3A_254 : memref<98x16xf32, #tpu.memory_space<vmem_shared>>) target_semaphore(%run_scoped3A : memref<!tpu.dma_semaphore, #tpu.memory_space<semaphore_mem>>)
      %dma_wait3A = arith.constant 0 : i32
      %dma_wait3A_255 = tpu.memref_slice %arg6[%add3A_75, %dma_wait3A] : memref<100352x16xf32, #tpu.memory_space<vmem_shared>> -> memref<98x16xf32, #tpu.memory_space<vmem_shared>>
      %dma_wait3A_256 = arith.constant 0 : i32
      %dma_wait3A_257 = tpu.memref_slice %arg6[%add3A_75, %dma_wait3A_256] : memref<100352x16xf32, #tpu.memory_space<vmem_shared>> -> memref<98x16xf32, #tpu.memory_space<vmem_shared>>
      tpu.wait_dma2 semaphore(%run_scoped3A : memref<!tpu.dma_semaphore, #tpu.memory_space<semaphore_mem>>) src(%arg11 : memref<98x16xf32, #tpu.memory_space<vmem>>) dst(%dma_wait3A_257 : memref<98x16xf32, #tpu.memory_space<vmem_shared>>)
      tpu.yield
    }) : () -> ()
    %add3A_76 = arith.constant 2744 : i32
    %add3A_77 = arith.addi %multiple_of3A, %add3A_76 : i32
    "tpu.region"() ({
      %run_scoped3A = tpu.sem_alloc : memref<!tpu.dma_semaphore, #tpu.memory_space<semaphore_mem>>
      %dma_start3A_251 = arith.constant 0 : i32
      %dma_start3A_252 = tpu.memref_slice %arg6[%add3A_77, %dma_start3A_251] : memref<100352x16xf32, #tpu.memory_space<vmem_shared>> -> memref<98x16xf32, #tpu.memory_space<vmem_shared>>
      %dma_start3A_253 = arith.constant 0 : i32
      %dma_start3A_254 = tpu.memref_slice %arg6[%add3A_77, %dma_start3A_253] : memref<100352x16xf32, #tpu.memory_space<vmem_shared>> -> memref<98x16xf32, #tpu.memory_space<vmem_shared>>
      tpu.enqueue_dma source(%arg11 : memref<98x16xf32, #tpu.memory_space<vmem>>) target(%dma_start3A_254 : memref<98x16xf32, #tpu.memory_space<vmem_shared>>) target_semaphore(%run_scoped3A : memref<!tpu.dma_semaphore, #tpu.memory_space<semaphore_mem>>)
      %dma_wait3A = arith.constant 0 : i32
      %dma_wait3A_255 = tpu.memref_slice %arg6[%add3A_77, %dma_wait3A] : memref<100352x16xf32, #tpu.memory_space<vmem_shared>> -> memref<98x16xf32, #tpu.memory_space<vmem_shared>>
      %dma_wait3A_256 = arith.constant 0 : i32
      %dma_wait3A_257 = tpu.memref_slice %arg6[%add3A_77, %dma_wait3A_256] : memref<100352x16xf32, #tpu.memory_space<vmem_shared>> -> memref<98x16xf32, #tpu.memory_space<vmem_shared>>
      tpu.wait_dma2 semaphore(%run_scoped3A : memref<!tpu.dma_semaphore, #tpu.memory_space<semaphore_mem>>) src(%arg11 : memref<98x16xf32, #tpu.memory_space<vmem>>) dst(%dma_wait3A_257 : memref<98x16xf32, #tpu.memory_space<vmem_shared>>)
      tpu.yield
    }) : () -> ()
    %add3A_78 = arith.constant 2842 : i32
    %add3A_79 = arith.addi %multiple_of3A, %add3A_78 : i32
    "tpu.region"() ({
      %run_scoped3A = tpu.sem_alloc : memref<!tpu.dma_semaphore, #tpu.memory_space<semaphore_mem>>
      %dma_start3A_251 = arith.constant 0 : i32
      %dma_start3A_252 = tpu.memref_slice %arg6[%add3A_79, %dma_start3A_251] : memref<100352x16xf32, #tpu.memory_space<vmem_shared>> -> memref<98x16xf32, #tpu.memory_space<vmem_shared>>
      %dma_start3A_253 = arith.constant 0 : i32
      %dma_start3A_254 = tpu.memref_slice %arg6[%add3A_79, %dma_start3A_253] : memref<100352x16xf32, #tpu.memory_space<vmem_shared>> -> memref<98x16xf32, #tpu.memory_space<vmem_shared>>
      tpu.enqueue_dma source(%arg11 : memref<98x16xf32, #tpu.memory_space<vmem>>) target(%dma_start3A_254 : memref<98x16xf32, #tpu.memory_space<vmem_shared>>) target_semaphore(%run_scoped3A : memref<!tpu.dma_semaphore, #tpu.memory_space<semaphore_mem>>)
      %dma_wait3A = arith.constant 0 : i32
      %dma_wait3A_255 = tpu.memref_slice %arg6[%add3A_79, %dma_wait3A] : memref<100352x16xf32, #tpu.memory_space<vmem_shared>> -> memref<98x16xf32, #tpu.memory_space<vmem_shared>>
      %dma_wait3A_256 = arith.constant 0 : i32
      %dma_wait3A_257 = tpu.memref_slice %arg6[%add3A_79, %dma_wait3A_256] : memref<100352x16xf32, #tpu.memory_space<vmem_shared>> -> memref<98x16xf32, #tpu.memory_space<vmem_shared>>
      tpu.wait_dma2 semaphore(%run_scoped3A : memref<!tpu.dma_semaphore, #tpu.memory_space<semaphore_mem>>) src(%arg11 : memref<98x16xf32, #tpu.memory_space<vmem>>) dst(%dma_wait3A_257 : memref<98x16xf32, #tpu.memory_space<vmem_shared>>)
      tpu.yield
    }) : () -> ()
    %add3A_80 = arith.constant 2940 : i32
    %add3A_81 = arith.addi %multiple_of3A, %add3A_80 : i32
    "tpu.region"() ({
      %run_scoped3A = tpu.sem_alloc : memref<!tpu.dma_semaphore, #tpu.memory_space<semaphore_mem>>
      %dma_start3A_251 = arith.constant 0 : i32
      %dma_start3A_252 = tpu.memref_slice %arg6[%add3A_81, %dma_start3A_251] : memref<100352x16xf32, #tpu.memory_space<vmem_shared>> -> memref<98x16xf32, #tpu.memory_space<vmem_shared>>
      %dma_start3A_253 = arith.constant 0 : i32
      %dma_start3A_254 = tpu.memref_slice %arg6[%add3A_81, %dma_start3A_253] : memref<100352x16xf32, #tpu.memory_space<vmem_shared>> -> memref<98x16xf32, #tpu.memory_space<vmem_shared>>
      tpu.enqueue_dma source(%arg11 : memref<98x16xf32, #tpu.memory_space<vmem>>) target(%dma_start3A_254 : memref<98x16xf32, #tpu.memory_space<vmem_shared>>) target_semaphore(%run_scoped3A : memref<!tpu.dma_semaphore, #tpu.memory_space<semaphore_mem>>)
      %dma_wait3A = arith.constant 0 : i32
      %dma_wait3A_255 = tpu.memref_slice %arg6[%add3A_81, %dma_wait3A] : memref<100352x16xf32, #tpu.memory_space<vmem_shared>> -> memref<98x16xf32, #tpu.memory_space<vmem_shared>>
      %dma_wait3A_256 = arith.constant 0 : i32
      %dma_wait3A_257 = tpu.memref_slice %arg6[%add3A_81, %dma_wait3A_256] : memref<100352x16xf32, #tpu.memory_space<vmem_shared>> -> memref<98x16xf32, #tpu.memory_space<vmem_shared>>
      tpu.wait_dma2 semaphore(%run_scoped3A : memref<!tpu.dma_semaphore, #tpu.memory_space<semaphore_mem>>) src(%arg11 : memref<98x16xf32, #tpu.memory_space<vmem>>) dst(%dma_wait3A_257 : memref<98x16xf32, #tpu.memory_space<vmem_shared>>)
      tpu.yield
    }) : () -> ()
    %add3A_82 = arith.constant 3038 : i32
    %add3A_83 = arith.addi %multiple_of3A, %add3A_82 : i32
    "tpu.region"() ({
      %run_scoped3A = tpu.sem_alloc : memref<!tpu.dma_semaphore, #tpu.memory_space<semaphore_mem>>
      %dma_start3A_251 = arith.constant 0 : i32
      %dma_start3A_252 = tpu.memref_slice %arg6[%add3A_83, %dma_start3A_251] : memref<100352x16xf32, #tpu.memory_space<vmem_shared>> -> memref<98x16xf32, #tpu.memory_space<vmem_shared>>
      %dma_start3A_253 = arith.constant 0 : i32
      %dma_start3A_254 = tpu.memref_slice %arg6[%add3A_83, %dma_start3A_253] : memref<100352x16xf32, #tpu.memory_space<vmem_shared>> -> memref<98x16xf32, #tpu.memory_space<vmem_shared>>
      tpu.enqueue_dma source(%arg11 : memref<98x16xf32, #tpu.memory_space<vmem>>) target(%dma_start3A_254 : memref<98x16xf32, #tpu.memory_space<vmem_shared>>) target_semaphore(%run_scoped3A : memref<!tpu.dma_semaphore, #tpu.memory_space<semaphore_mem>>)
      %dma_wait3A = arith.constant 0 : i32
      %dma_wait3A_255 = tpu.memref_slice %arg6[%add3A_83, %dma_wait3A] : memref<100352x16xf32, #tpu.memory_space<vmem_shared>> -> memref<98x16xf32, #tpu.memory_space<vmem_shared>>
      %dma_wait3A_256 = arith.constant 0 : i32
      %dma_wait3A_257 = tpu.memref_slice %arg6[%add3A_83, %dma_wait3A_256] : memref<100352x16xf32, #tpu.memory_space<vmem_shared>> -> memref<98x16xf32, #tpu.memory_space<vmem_shared>>
      tpu.wait_dma2 semaphore(%run_scoped3A : memref<!tpu.dma_semaphore, #tpu.memory_space<semaphore_mem>>) src(%arg11 : memref<98x16xf32, #tpu.memory_space<vmem>>) dst(%dma_wait3A_257 : memref<98x16xf32, #tpu.memory_space<vmem_shared>>)
      tpu.yield
    }) : () -> ()
    %add3A_84 = arith.constant 3136 : i32
    %add3A_85 = arith.addi %multiple_of3A, %add3A_84 : i32
    "tpu.region"() ({
      %run_scoped3A = tpu.sem_alloc : memref<!tpu.dma_semaphore, #tpu.memory_space<semaphore_mem>>
      %dma_start3A_251 = arith.constant 0 : i32
      %dma_start3A_252 = tpu.memref_slice %arg6[%add3A_85, %dma_start3A_251] : memref<100352x16xf32, #tpu.memory_space<vmem_shared>> -> memref<98x16xf32, #tpu.memory_space<vmem_shared>>
      %dma_start3A_253 = arith.constant 0 : i32
      %dma_start3A_254 = tpu.memref_slice %arg6[%add3A_85, %dma_start3A_253] : memref<100352x16xf32, #tpu.memory_space<vmem_shared>> -> memref<98x16xf32, #tpu.memory_space<vmem_shared>>
      tpu.enqueue_dma source(%arg11 : memref<98x16xf32, #tpu.memory_space<vmem>>) target(%dma_start3A_254 : memref<98x16xf32, #tpu.memory_space<vmem_shared>>) target_semaphore(%run_scoped3A : memref<!tpu.dma_semaphore, #tpu.memory_space<semaphore_mem>>)
      %dma_wait3A = arith.constant 0 : i32
      %dma_wait3A_255 = tpu.memref_slice %arg6[%add3A_85, %dma_wait3A] : memref<100352x16xf32, #tpu.memory_space<vmem_shared>> -> memref<98x16xf32, #tpu.memory_space<vmem_shared>>
      %dma_wait3A_256 = arith.constant 0 : i32
      %dma_wait3A_257 = tpu.memref_slice %arg6[%add3A_85, %dma_wait3A_256] : memref<100352x16xf32, #tpu.memory_space<vmem_shared>> -> memref<98x16xf32, #tpu.memory_space<vmem_shared>>
      tpu.wait_dma2 semaphore(%run_scoped3A : memref<!tpu.dma_semaphore, #tpu.memory_space<semaphore_mem>>) src(%arg11 : memref<98x16xf32, #tpu.memory_space<vmem>>) dst(%dma_wait3A_257 : memref<98x16xf32, #tpu.memory_space<vmem_shared>>)
      tpu.yield
    }) : () -> ()
    %add3A_86 = arith.constant 3234 : i32
    %add3A_87 = arith.addi %multiple_of3A, %add3A_86 : i32
    "tpu.region"() ({
      %run_scoped3A = tpu.sem_alloc : memref<!tpu.dma_semaphore, #tpu.memory_space<semaphore_mem>>
      %dma_start3A_251 = arith.constant 0 : i32
      %dma_start3A_252 = tpu.memref_slice %arg6[%add3A_87, %dma_start3A_251] : memref<100352x16xf32, #tpu.memory_space<vmem_shared>> -> memref<98x16xf32, #tpu.memory_space<vmem_shared>>
      %dma_start3A_253 = arith.constant 0 : i32
      %dma_start3A_254 = tpu.memref_slice %arg6[%add3A_87, %dma_start3A_253] : memref<100352x16xf32, #tpu.memory_space<vmem_shared>> -> memref<98x16xf32, #tpu.memory_space<vmem_shared>>
      tpu.enqueue_dma source(%arg11 : memref<98x16xf32, #tpu.memory_space<vmem>>) target(%dma_start3A_254 : memref<98x16xf32, #tpu.memory_space<vmem_shared>>) target_semaphore(%run_scoped3A : memref<!tpu.dma_semaphore, #tpu.memory_space<semaphore_mem>>)
      %dma_wait3A = arith.constant 0 : i32
      %dma_wait3A_255 = tpu.memref_slice %arg6[%add3A_87, %dma_wait3A] : memref<100352x16xf32, #tpu.memory_space<vmem_shared>> -> memref<98x16xf32, #tpu.memory_space<vmem_shared>>
      %dma_wait3A_256 = arith.constant 0 : i32
      %dma_wait3A_257 = tpu.memref_slice %arg6[%add3A_87, %dma_wait3A_256] : memref<100352x16xf32, #tpu.memory_space<vmem_shared>> -> memref<98x16xf32, #tpu.memory_space<vmem_shared>>
      tpu.wait_dma2 semaphore(%run_scoped3A : memref<!tpu.dma_semaphore, #tpu.memory_space<semaphore_mem>>) src(%arg11 : memref<98x16xf32, #tpu.memory_space<vmem>>) dst(%dma_wait3A_257 : memref<98x16xf32, #tpu.memory_space<vmem_shared>>)
      tpu.yield
    }) : () -> ()
    %add3A_88 = arith.constant 3332 : i32
    %add3A_89 = arith.addi %multiple_of3A, %add3A_88 : i32
    "tpu.region"() ({
      %run_scoped3A = tpu.sem_alloc : memref<!tpu.dma_semaphore, #tpu.memory_space<semaphore_mem>>
      %dma_start3A_251 = arith.constant 0 : i32
      %dma_start3A_252 = tpu.memref_slice %arg6[%add3A_89, %dma_start3A_251] : memref<100352x16xf32, #tpu.memory_space<vmem_shared>> -> memref<98x16xf32, #tpu.memory_space<vmem_shared>>
      %dma_start3A_253 = arith.constant 0 : i32
      %dma_start3A_254 = tpu.memref_slice %arg6[%add3A_89, %dma_start3A_253] : memref<100352x16xf32, #tpu.memory_space<vmem_shared>> -> memref<98x16xf32, #tpu.memory_space<vmem_shared>>
      tpu.enqueue_dma source(%arg11 : memref<98x16xf32, #tpu.memory_space<vmem>>) target(%dma_start3A_254 : memref<98x16xf32, #tpu.memory_space<vmem_shared>>) target_semaphore(%run_scoped3A : memref<!tpu.dma_semaphore, #tpu.memory_space<semaphore_mem>>)
      %dma_wait3A = arith.constant 0 : i32
      %dma_wait3A_255 = tpu.memref_slice %arg6[%add3A_89, %dma_wait3A] : memref<100352x16xf32, #tpu.memory_space<vmem_shared>> -> memref<98x16xf32, #tpu.memory_space<vmem_shared>>
      %dma_wait3A_256 = arith.constant 0 : i32
      %dma_wait3A_257 = tpu.memref_slice %arg6[%add3A_89, %dma_wait3A_256] : memref<100352x16xf32, #tpu.memory_space<vmem_shared>> -> memref<98x16xf32, #tpu.memory_space<vmem_shared>>
      tpu.wait_dma2 semaphore(%run_scoped3A : memref<!tpu.dma_semaphore, #tpu.memory_space<semaphore_mem>>) src(%arg11 : memref<98x16xf32, #tpu.memory_space<vmem>>) dst(%dma_wait3A_257 : memref<98x16xf32, #tpu.memory_space<vmem_shared>>)
      tpu.yield
    }) : () -> ()
    %add3A_90 = arith.constant 3430 : i32
    %add3A_91 = arith.addi %multiple_of3A, %add3A_90 : i32
    "tpu.region"() ({
      %run_scoped3A = tpu.sem_alloc : memref<!tpu.dma_semaphore, #tpu.memory_space<semaphore_mem>>
      %dma_start3A_251 = arith.constant 0 : i32
      %dma_start3A_252 = tpu.memref_slice %arg6[%add3A_91, %dma_start3A_251] : memref<100352x16xf32, #tpu.memory_space<vmem_shared>> -> memref<98x16xf32, #tpu.memory_space<vmem_shared>>
      %dma_start3A_253 = arith.constant 0 : i32
      %dma_start3A_254 = tpu.memref_slice %arg6[%add3A_91, %dma_start3A_253] : memref<100352x16xf32, #tpu.memory_space<vmem_shared>> -> memref<98x16xf32, #tpu.memory_space<vmem_shared>>
      tpu.enqueue_dma source(%arg11 : memref<98x16xf32, #tpu.memory_space<vmem>>) target(%dma_start3A_254 : memref<98x16xf32, #tpu.memory_space<vmem_shared>>) target_semaphore(%run_scoped3A : memref<!tpu.dma_semaphore, #tpu.memory_space<semaphore_mem>>)
      %dma_wait3A = arith.constant 0 : i32
      %dma_wait3A_255 = tpu.memref_slice %arg6[%add3A_91, %dma_wait3A] : memref<100352x16xf32, #tpu.memory_space<vmem_shared>> -> memref<98x16xf32, #tpu.memory_space<vmem_shared>>
      %dma_wait3A_256 = arith.constant 0 : i32
      %dma_wait3A_257 = tpu.memref_slice %arg6[%add3A_91, %dma_wait3A_256] : memref<100352x16xf32, #tpu.memory_space<vmem_shared>> -> memref<98x16xf32, #tpu.memory_space<vmem_shared>>
      tpu.wait_dma2 semaphore(%run_scoped3A : memref<!tpu.dma_semaphore, #tpu.memory_space<semaphore_mem>>) src(%arg11 : memref<98x16xf32, #tpu.memory_space<vmem>>) dst(%dma_wait3A_257 : memref<98x16xf32, #tpu.memory_space<vmem_shared>>)
      tpu.yield
    }) : () -> ()
    %add3A_92 = arith.constant 3528 : i32
    %add3A_93 = arith.addi %multiple_of3A, %add3A_92 : i32
    "tpu.region"() ({
      %run_scoped3A = tpu.sem_alloc : memref<!tpu.dma_semaphore, #tpu.memory_space<semaphore_mem>>
      %dma_start3A_251 = arith.constant 0 : i32
      %dma_start3A_252 = tpu.memref_slice %arg6[%add3A_93, %dma_start3A_251] : memref<100352x16xf32, #tpu.memory_space<vmem_shared>> -> memref<98x16xf32, #tpu.memory_space<vmem_shared>>
      %dma_start3A_253 = arith.constant 0 : i32
      %dma_start3A_254 = tpu.memref_slice %arg6[%add3A_93, %dma_start3A_253] : memref<100352x16xf32, #tpu.memory_space<vmem_shared>> -> memref<98x16xf32, #tpu.memory_space<vmem_shared>>
      tpu.enqueue_dma source(%arg11 : memref<98x16xf32, #tpu.memory_space<vmem>>) target(%dma_start3A_254 : memref<98x16xf32, #tpu.memory_space<vmem_shared>>) target_semaphore(%run_scoped3A : memref<!tpu.dma_semaphore, #tpu.memory_space<semaphore_mem>>)
      %dma_wait3A = arith.constant 0 : i32
      %dma_wait3A_255 = tpu.memref_slice %arg6[%add3A_93, %dma_wait3A] : memref<100352x16xf32, #tpu.memory_space<vmem_shared>> -> memref<98x16xf32, #tpu.memory_space<vmem_shared>>
      %dma_wait3A_256 = arith.constant 0 : i32
      %dma_wait3A_257 = tpu.memref_slice %arg6[%add3A_93, %dma_wait3A_256] : memref<100352x16xf32, #tpu.memory_space<vmem_shared>> -> memref<98x16xf32, #tpu.memory_space<vmem_shared>>
      tpu.wait_dma2 semaphore(%run_scoped3A : memref<!tpu.dma_semaphore, #tpu.memory_space<semaphore_mem>>) src(%arg11 : memref<98x16xf32, #tpu.memory_space<vmem>>) dst(%dma_wait3A_257 : memref<98x16xf32, #tpu.memory_space<vmem_shared>>)
      tpu.yield
    }) : () -> ()
    %add3A_94 = arith.constant 3626 : i32
    %add3A_95 = arith.addi %multiple_of3A, %add3A_94 : i32
    "tpu.region"() ({
      %run_scoped3A = tpu.sem_alloc : memref<!tpu.dma_semaphore, #tpu.memory_space<semaphore_mem>>
      %dma_start3A_251 = arith.constant 0 : i32
      %dma_start3A_252 = tpu.memref_slice %arg6[%add3A_95, %dma_start3A_251] : memref<100352x16xf32, #tpu.memory_space<vmem_shared>> -> memref<98x16xf32, #tpu.memory_space<vmem_shared>>
      %dma_start3A_253 = arith.constant 0 : i32
      %dma_start3A_254 = tpu.memref_slice %arg6[%add3A_95, %dma_start3A_253] : memref<100352x16xf32, #tpu.memory_space<vmem_shared>> -> memref<98x16xf32, #tpu.memory_space<vmem_shared>>
      tpu.enqueue_dma source(%arg11 : memref<98x16xf32, #tpu.memory_space<vmem>>) target(%dma_start3A_254 : memref<98x16xf32, #tpu.memory_space<vmem_shared>>) target_semaphore(%run_scoped3A : memref<!tpu.dma_semaphore, #tpu.memory_space<semaphore_mem>>)
      %dma_wait3A = arith.constant 0 : i32
      %dma_wait3A_255 = tpu.memref_slice %arg6[%add3A_95, %dma_wait3A] : memref<100352x16xf32, #tpu.memory_space<vmem_shared>> -> memref<98x16xf32, #tpu.memory_space<vmem_shared>>
      %dma_wait3A_256 = arith.constant 0 : i32
      %dma_wait3A_257 = tpu.memref_slice %arg6[%add3A_95, %dma_wait3A_256] : memref<100352x16xf32, #tpu.memory_space<vmem_shared>> -> memref<98x16xf32, #tpu.memory_space<vmem_shared>>
      tpu.wait_dma2 semaphore(%run_scoped3A : memref<!tpu.dma_semaphore, #tpu.memory_space<semaphore_mem>>) src(%arg11 : memref<98x16xf32, #tpu.memory_space<vmem>>) dst(%dma_wait3A_257 : memref<98x16xf32, #tpu.memory_space<vmem_shared>>)
      tpu.yield
    }) : () -> ()
    %add3A_96 = arith.constant 3724 : i32
    %add3A_97 = arith.addi %multiple_of3A, %add3A_96 : i32
    "tpu.region"() ({
      %run_scoped3A = tpu.sem_alloc : memref<!tpu.dma_semaphore, #tpu.memory_space<semaphore_mem>>
      %dma_start3A_251 = arith.constant 0 : i32
      %dma_start3A_252 = tpu.memref_slice %arg6[%add3A_97, %dma_start3A_251] : memref<100352x16xf32, #tpu.memory_space<vmem_shared>> -> memref<98x16xf32, #tpu.memory_space<vmem_shared>>
      %dma_start3A_253 = arith.constant 0 : i32
      %dma_start3A_254 = tpu.memref_slice %arg6[%add3A_97, %dma_start3A_253] : memref<100352x16xf32, #tpu.memory_space<vmem_shared>> -> memref<98x16xf32, #tpu.memory_space<vmem_shared>>
      tpu.enqueue_dma source(%arg11 : memref<98x16xf32, #tpu.memory_space<vmem>>) target(%dma_start3A_254 : memref<98x16xf32, #tpu.memory_space<vmem_shared>>) target_semaphore(%run_scoped3A : memref<!tpu.dma_semaphore, #tpu.memory_space<semaphore_mem>>)
      %dma_wait3A = arith.constant 0 : i32
      %dma_wait3A_255 = tpu.memref_slice %arg6[%add3A_97, %dma_wait3A] : memref<100352x16xf32, #tpu.memory_space<vmem_shared>> -> memref<98x16xf32, #tpu.memory_space<vmem_shared>>
      %dma_wait3A_256 = arith.constant 0 : i32
      %dma_wait3A_257 = tpu.memref_slice %arg6[%add3A_97, %dma_wait3A_256] : memref<100352x16xf32, #tpu.memory_space<vmem_shared>> -> memref<98x16xf32, #tpu.memory_space<vmem_shared>>
      tpu.wait_dma2 semaphore(%run_scoped3A : memref<!tpu.dma_semaphore, #tpu.memory_space<semaphore_mem>>) src(%arg11 : memref<98x16xf32, #tpu.memory_space<vmem>>) dst(%dma_wait3A_257 : memref<98x16xf32, #tpu.memory_space<vmem_shared>>)
      tpu.yield
    }) : () -> ()
    %add3A_98 = arith.constant 3822 : i32
    %add3A_99 = arith.addi %multiple_of3A, %add3A_98 : i32
    "tpu.region"() ({
      %run_scoped3A = tpu.sem_alloc : memref<!tpu.dma_semaphore, #tpu.memory_space<semaphore_mem>>
      %dma_start3A_251 = arith.constant 0 : i32
      %dma_start3A_252 = tpu.memref_slice %arg6[%add3A_99, %dma_start3A_251] : memref<100352x16xf32, #tpu.memory_space<vmem_shared>> -> memref<98x16xf32, #tpu.memory_space<vmem_shared>>
      %dma_start3A_253 = arith.constant 0 : i32
      %dma_start3A_254 = tpu.memref_slice %arg6[%add3A_99, %dma_start3A_253] : memref<100352x16xf32, #tpu.memory_space<vmem_shared>> -> memref<98x16xf32, #tpu.memory_space<vmem_shared>>
      tpu.enqueue_dma source(%arg11 : memref<98x16xf32, #tpu.memory_space<vmem>>) target(%dma_start3A_254 : memref<98x16xf32, #tpu.memory_space<vmem_shared>>) target_semaphore(%run_scoped3A : memref<!tpu.dma_semaphore, #tpu.memory_space<semaphore_mem>>)
      %dma_wait3A = arith.constant 0 : i32
      %dma_wait3A_255 = tpu.memref_slice %arg6[%add3A_99, %dma_wait3A] : memref<100352x16xf32, #tpu.memory_space<vmem_shared>> -> memref<98x16xf32, #tpu.memory_space<vmem_shared>>
      %dma_wait3A_256 = arith.constant 0 : i32
      %dma_wait3A_257 = tpu.memref_slice %arg6[%add3A_99, %dma_wait3A_256] : memref<100352x16xf32, #tpu.memory_space<vmem_shared>> -> memref<98x16xf32, #tpu.memory_space<vmem_shared>>
      tpu.wait_dma2 semaphore(%run_scoped3A : memref<!tpu.dma_semaphore, #tpu.memory_space<semaphore_mem>>) src(%arg11 : memref<98x16xf32, #tpu.memory_space<vmem>>) dst(%dma_wait3A_257 : memref<98x16xf32, #tpu.memory_space<vmem_shared>>)
      tpu.yield
    }) : () -> ()
    %add3A_100 = arith.constant 3920 : i32
    %add3A_101 = arith.addi %multiple_of3A, %add3A_100 : i32
    "tpu.region"() ({
      %run_scoped3A = tpu.sem_alloc : memref<!tpu.dma_semaphore, #tpu.memory_space<semaphore_mem>>
      %dma_start3A_251 = arith.constant 0 : i32
      %dma_start3A_252 = tpu.memref_slice %arg6[%add3A_101, %dma_start3A_251] : memref<100352x16xf32, #tpu.memory_space<vmem_shared>> -> memref<98x16xf32, #tpu.memory_space<vmem_shared>>
      %dma_start3A_253 = arith.constant 0 : i32
      %dma_start3A_254 = tpu.memref_slice %arg6[%add3A_101, %dma_start3A_253] : memref<100352x16xf32, #tpu.memory_space<vmem_shared>> -> memref<98x16xf32, #tpu.memory_space<vmem_shared>>
      tpu.enqueue_dma source(%arg11 : memref<98x16xf32, #tpu.memory_space<vmem>>) target(%dma_start3A_254 : memref<98x16xf32, #tpu.memory_space<vmem_shared>>) target_semaphore(%run_scoped3A : memref<!tpu.dma_semaphore, #tpu.memory_space<semaphore_mem>>)
      %dma_wait3A = arith.constant 0 : i32
      %dma_wait3A_255 = tpu.memref_slice %arg6[%add3A_101, %dma_wait3A] : memref<100352x16xf32, #tpu.memory_space<vmem_shared>> -> memref<98x16xf32, #tpu.memory_space<vmem_shared>>
      %dma_wait3A_256 = arith.constant 0 : i32
      %dma_wait3A_257 = tpu.memref_slice %arg6[%add3A_101, %dma_wait3A_256] : memref<100352x16xf32, #tpu.memory_space<vmem_shared>> -> memref<98x16xf32, #tpu.memory_space<vmem_shared>>
      tpu.wait_dma2 semaphore(%run_scoped3A : memref<!tpu.dma_semaphore, #tpu.memory_space<semaphore_mem>>) src(%arg11 : memref<98x16xf32, #tpu.memory_space<vmem>>) dst(%dma_wait3A_257 : memref<98x16xf32, #tpu.memory_space<vmem_shared>>)
      tpu.yield
    }) : () -> ()
    %add3A_102 = arith.constant 4018 : i32
    %add3A_103 = arith.addi %multiple_of3A, %add3A_102 : i32
    "tpu.region"() ({
      %run_scoped3A = tpu.sem_alloc : memref<!tpu.dma_semaphore, #tpu.memory_space<semaphore_mem>>
      %dma_start3A_251 = arith.constant 0 : i32
      %dma_start3A_252 = tpu.memref_slice %arg6[%add3A_103, %dma_start3A_251] : memref<100352x16xf32, #tpu.memory_space<vmem_shared>> -> memref<98x16xf32, #tpu.memory_space<vmem_shared>>
      %dma_start3A_253 = arith.constant 0 : i32
      %dma_start3A_254 = tpu.memref_slice %arg6[%add3A_103, %dma_start3A_253] : memref<100352x16xf32, #tpu.memory_space<vmem_shared>> -> memref<98x16xf32, #tpu.memory_space<vmem_shared>>
      tpu.enqueue_dma source(%arg11 : memref<98x16xf32, #tpu.memory_space<vmem>>) target(%dma_start3A_254 : memref<98x16xf32, #tpu.memory_space<vmem_shared>>) target_semaphore(%run_scoped3A : memref<!tpu.dma_semaphore, #tpu.memory_space<semaphore_mem>>)
      %dma_wait3A = arith.constant 0 : i32
      %dma_wait3A_255 = tpu.memref_slice %arg6[%add3A_103, %dma_wait3A] : memref<100352x16xf32, #tpu.memory_space<vmem_shared>> -> memref<98x16xf32, #tpu.memory_space<vmem_shared>>
      %dma_wait3A_256 = arith.constant 0 : i32
      %dma_wait3A_257 = tpu.memref_slice %arg6[%add3A_103, %dma_wait3A_256] : memref<100352x16xf32, #tpu.memory_space<vmem_shared>> -> memref<98x16xf32, #tpu.memory_space<vmem_shared>>
      tpu.wait_dma2 semaphore(%run_scoped3A : memref<!tpu.dma_semaphore, #tpu.memory_space<semaphore_mem>>) src(%arg11 : memref<98x16xf32, #tpu.memory_space<vmem>>) dst(%dma_wait3A_257 : memref<98x16xf32, #tpu.memory_space<vmem_shared>>)
      tpu.yield
    }) : () -> ()
    %add3A_104 = arith.constant 4116 : i32
    %add3A_105 = arith.addi %multiple_of3A, %add3A_104 : i32
    "tpu.region"() ({
      %run_scoped3A = tpu.sem_alloc : memref<!tpu.dma_semaphore, #tpu.memory_space<semaphore_mem>>
      %dma_start3A_251 = arith.constant 0 : i32
      %dma_start3A_252 = tpu.memref_slice %arg6[%add3A_105, %dma_start3A_251] : memref<100352x16xf32, #tpu.memory_space<vmem_shared>> -> memref<98x16xf32, #tpu.memory_space<vmem_shared>>
      %dma_start3A_253 = arith.constant 0 : i32
      %dma_start3A_254 = tpu.memref_slice %arg6[%add3A_105, %dma_start3A_253] : memref<100352x16xf32, #tpu.memory_space<vmem_shared>> -> memref<98x16xf32, #tpu.memory_space<vmem_shared>>
      tpu.enqueue_dma source(%arg11 : memref<98x16xf32, #tpu.memory_space<vmem>>) target(%dma_start3A_254 : memref<98x16xf32, #tpu.memory_space<vmem_shared>>) target_semaphore(%run_scoped3A : memref<!tpu.dma_semaphore, #tpu.memory_space<semaphore_mem>>)
      %dma_wait3A = arith.constant 0 : i32
      %dma_wait3A_255 = tpu.memref_slice %arg6[%add3A_105, %dma_wait3A] : memref<100352x16xf32, #tpu.memory_space<vmem_shared>> -> memref<98x16xf32, #tpu.memory_space<vmem_shared>>
      %dma_wait3A_256 = arith.constant 0 : i32
      %dma_wait3A_257 = tpu.memref_slice %arg6[%add3A_105, %dma_wait3A_256] : memref<100352x16xf32, #tpu.memory_space<vmem_shared>> -> memref<98x16xf32, #tpu.memory_space<vmem_shared>>
      tpu.wait_dma2 semaphore(%run_scoped3A : memref<!tpu.dma_semaphore, #tpu.memory_space<semaphore_mem>>) src(%arg11 : memref<98x16xf32, #tpu.memory_space<vmem>>) dst(%dma_wait3A_257 : memref<98x16xf32, #tpu.memory_space<vmem_shared>>)
      tpu.yield
    }) : () -> ()
    %add3A_106 = arith.constant 4214 : i32
    %add3A_107 = arith.addi %multiple_of3A, %add3A_106 : i32
    "tpu.region"() ({
      %run_scoped3A = tpu.sem_alloc : memref<!tpu.dma_semaphore, #tpu.memory_space<semaphore_mem>>
      %dma_start3A_251 = arith.constant 0 : i32
      %dma_start3A_252 = tpu.memref_slice %arg6[%add3A_107, %dma_start3A_251] : memref<100352x16xf32, #tpu.memory_space<vmem_shared>> -> memref<98x16xf32, #tpu.memory_space<vmem_shared>>
      %dma_start3A_253 = arith.constant 0 : i32
      %dma_start3A_254 = tpu.memref_slice %arg6[%add3A_107, %dma_start3A_253] : memref<100352x16xf32, #tpu.memory_space<vmem_shared>> -> memref<98x16xf32, #tpu.memory_space<vmem_shared>>
      tpu.enqueue_dma source(%arg11 : memref<98x16xf32, #tpu.memory_space<vmem>>) target(%dma_start3A_254 : memref<98x16xf32, #tpu.memory_space<vmem_shared>>) target_semaphore(%run_scoped3A : memref<!tpu.dma_semaphore, #tpu.memory_space<semaphore_mem>>)
      %dma_wait3A = arith.constant 0 : i32
      %dma_wait3A_255 = tpu.memref_slice %arg6[%add3A_107, %dma_wait3A] : memref<100352x16xf32, #tpu.memory_space<vmem_shared>> -> memref<98x16xf32, #tpu.memory_space<vmem_shared>>
      %dma_wait3A_256 = arith.constant 0 : i32
      %dma_wait3A_257 = tpu.memref_slice %arg6[%add3A_107, %dma_wait3A_256] : memref<100352x16xf32, #tpu.memory_space<vmem_shared>> -> memref<98x16xf32, #tpu.memory_space<vmem_shared>>
      tpu.wait_dma2 semaphore(%run_scoped3A : memref<!tpu.dma_semaphore, #tpu.memory_space<semaphore_mem>>) src(%arg11 : memref<98x16xf32, #tpu.memory_space<vmem>>) dst(%dma_wait3A_257 : memref<98x16xf32, #tpu.memory_space<vmem_shared>>)
      tpu.yield
    }) : () -> ()
    %add3A_108 = arith.constant 4312 : i32
    %add3A_109 = arith.addi %multiple_of3A, %add3A_108 : i32
    "tpu.region"() ({
      %run_scoped3A = tpu.sem_alloc : memref<!tpu.dma_semaphore, #tpu.memory_space<semaphore_mem>>
      %dma_start3A_251 = arith.constant 0 : i32
      %dma_start3A_252 = tpu.memref_slice %arg6[%add3A_109, %dma_start3A_251] : memref<100352x16xf32, #tpu.memory_space<vmem_shared>> -> memref<98x16xf32, #tpu.memory_space<vmem_shared>>
      %dma_start3A_253 = arith.constant 0 : i32
      %dma_start3A_254 = tpu.memref_slice %arg6[%add3A_109, %dma_start3A_253] : memref<100352x16xf32, #tpu.memory_space<vmem_shared>> -> memref<98x16xf32, #tpu.memory_space<vmem_shared>>
      tpu.enqueue_dma source(%arg11 : memref<98x16xf32, #tpu.memory_space<vmem>>) target(%dma_start3A_254 : memref<98x16xf32, #tpu.memory_space<vmem_shared>>) target_semaphore(%run_scoped3A : memref<!tpu.dma_semaphore, #tpu.memory_space<semaphore_mem>>)
      %dma_wait3A = arith.constant 0 : i32
      %dma_wait3A_255 = tpu.memref_slice %arg6[%add3A_109, %dma_wait3A] : memref<100352x16xf32, #tpu.memory_space<vmem_shared>> -> memref<98x16xf32, #tpu.memory_space<vmem_shared>>
      %dma_wait3A_256 = arith.constant 0 : i32
      %dma_wait3A_257 = tpu.memref_slice %arg6[%add3A_109, %dma_wait3A_256] : memref<100352x16xf32, #tpu.memory_space<vmem_shared>> -> memref<98x16xf32, #tpu.memory_space<vmem_shared>>
      tpu.wait_dma2 semaphore(%run_scoped3A : memref<!tpu.dma_semaphore, #tpu.memory_space<semaphore_mem>>) src(%arg11 : memref<98x16xf32, #tpu.memory_space<vmem>>) dst(%dma_wait3A_257 : memref<98x16xf32, #tpu.memory_space<vmem_shared>>)
      tpu.yield
    }) : () -> ()
    %add3A_110 = arith.constant 4410 : i32
    %add3A_111 = arith.addi %multiple_of3A, %add3A_110 : i32
    "tpu.region"() ({
      %run_scoped3A = tpu.sem_alloc : memref<!tpu.dma_semaphore, #tpu.memory_space<semaphore_mem>>
      %dma_start3A_251 = arith.constant 0 : i32
      %dma_start3A_252 = tpu.memref_slice %arg6[%add3A_111, %dma_start3A_251] : memref<100352x16xf32, #tpu.memory_space<vmem_shared>> -> memref<98x16xf32, #tpu.memory_space<vmem_shared>>
      %dma_start3A_253 = arith.constant 0 : i32
      %dma_start3A_254 = tpu.memref_slice %arg6[%add3A_111, %dma_start3A_253] : memref<100352x16xf32, #tpu.memory_space<vmem_shared>> -> memref<98x16xf32, #tpu.memory_space<vmem_shared>>
      tpu.enqueue_dma source(%arg11 : memref<98x16xf32, #tpu.memory_space<vmem>>) target(%dma_start3A_254 : memref<98x16xf32, #tpu.memory_space<vmem_shared>>) target_semaphore(%run_scoped3A : memref<!tpu.dma_semaphore, #tpu.memory_space<semaphore_mem>>)
      %dma_wait3A = arith.constant 0 : i32
      %dma_wait3A_255 = tpu.memref_slice %arg6[%add3A_111, %dma_wait3A] : memref<100352x16xf32, #tpu.memory_space<vmem_shared>> -> memref<98x16xf32, #tpu.memory_space<vmem_shared>>
      %dma_wait3A_256 = arith.constant 0 : i32
      %dma_wait3A_257 = tpu.memref_slice %arg6[%add3A_111, %dma_wait3A_256] : memref<100352x16xf32, #tpu.memory_space<vmem_shared>> -> memref<98x16xf32, #tpu.memory_space<vmem_shared>>
      tpu.wait_dma2 semaphore(%run_scoped3A : memref<!tpu.dma_semaphore, #tpu.memory_space<semaphore_mem>>) src(%arg11 : memref<98x16xf32, #tpu.memory_space<vmem>>) dst(%dma_wait3A_257 : memref<98x16xf32, #tpu.memory_space<vmem_shared>>)
      tpu.yield
    }) : () -> ()
    %add3A_112 = arith.constant 4508 : i32
    %add3A_113 = arith.addi %multiple_of3A, %add3A_112 : i32
    "tpu.region"() ({
      %run_scoped3A = tpu.sem_alloc : memref<!tpu.dma_semaphore, #tpu.memory_space<semaphore_mem>>
      %dma_start3A_251 = arith.constant 0 : i32
      %dma_start3A_252 = tpu.memref_slice %arg6[%add3A_113, %dma_start3A_251] : memref<100352x16xf32, #tpu.memory_space<vmem_shared>> -> memref<98x16xf32, #tpu.memory_space<vmem_shared>>
      %dma_start3A_253 = arith.constant 0 : i32
      %dma_start3A_254 = tpu.memref_slice %arg6[%add3A_113, %dma_start3A_253] : memref<100352x16xf32, #tpu.memory_space<vmem_shared>> -> memref<98x16xf32, #tpu.memory_space<vmem_shared>>
      tpu.enqueue_dma source(%arg11 : memref<98x16xf32, #tpu.memory_space<vmem>>) target(%dma_start3A_254 : memref<98x16xf32, #tpu.memory_space<vmem_shared>>) target_semaphore(%run_scoped3A : memref<!tpu.dma_semaphore, #tpu.memory_space<semaphore_mem>>)
      %dma_wait3A = arith.constant 0 : i32
      %dma_wait3A_255 = tpu.memref_slice %arg6[%add3A_113, %dma_wait3A] : memref<100352x16xf32, #tpu.memory_space<vmem_shared>> -> memref<98x16xf32, #tpu.memory_space<vmem_shared>>
      %dma_wait3A_256 = arith.constant 0 : i32
      %dma_wait3A_257 = tpu.memref_slice %arg6[%add3A_113, %dma_wait3A_256] : memref<100352x16xf32, #tpu.memory_space<vmem_shared>> -> memref<98x16xf32, #tpu.memory_space<vmem_shared>>
      tpu.wait_dma2 semaphore(%run_scoped3A : memref<!tpu.dma_semaphore, #tpu.memory_space<semaphore_mem>>) src(%arg11 : memref<98x16xf32, #tpu.memory_space<vmem>>) dst(%dma_wait3A_257 : memref<98x16xf32, #tpu.memory_space<vmem_shared>>)
      tpu.yield
    }) : () -> ()
    %add3A_114 = arith.constant 4606 : i32
    %add3A_115 = arith.addi %multiple_of3A, %add3A_114 : i32
    "tpu.region"() ({
      %run_scoped3A = tpu.sem_alloc : memref<!tpu.dma_semaphore, #tpu.memory_space<semaphore_mem>>
      %dma_start3A_251 = arith.constant 0 : i32
      %dma_start3A_252 = tpu.memref_slice %arg6[%add3A_115, %dma_start3A_251] : memref<100352x16xf32, #tpu.memory_space<vmem_shared>> -> memref<98x16xf32, #tpu.memory_space<vmem_shared>>
      %dma_start3A_253 = arith.constant 0 : i32
      %dma_start3A_254 = tpu.memref_slice %arg6[%add3A_115, %dma_start3A_253] : memref<100352x16xf32, #tpu.memory_space<vmem_shared>> -> memref<98x16xf32, #tpu.memory_space<vmem_shared>>
      tpu.enqueue_dma source(%arg11 : memref<98x16xf32, #tpu.memory_space<vmem>>) target(%dma_start3A_254 : memref<98x16xf32, #tpu.memory_space<vmem_shared>>) target_semaphore(%run_scoped3A : memref<!tpu.dma_semaphore, #tpu.memory_space<semaphore_mem>>)
      %dma_wait3A = arith.constant 0 : i32
      %dma_wait3A_255 = tpu.memref_slice %arg6[%add3A_115, %dma_wait3A] : memref<100352x16xf32, #tpu.memory_space<vmem_shared>> -> memref<98x16xf32, #tpu.memory_space<vmem_shared>>
      %dma_wait3A_256 = arith.constant 0 : i32
      %dma_wait3A_257 = tpu.memref_slice %arg6[%add3A_115, %dma_wait3A_256] : memref<100352x16xf32, #tpu.memory_space<vmem_shared>> -> memref<98x16xf32, #tpu.memory_space<vmem_shared>>
      tpu.wait_dma2 semaphore(%run_scoped3A : memref<!tpu.dma_semaphore, #tpu.memory_space<semaphore_mem>>) src(%arg11 : memref<98x16xf32, #tpu.memory_space<vmem>>) dst(%dma_wait3A_257 : memref<98x16xf32, #tpu.memory_space<vmem_shared>>)
      tpu.yield
    }) : () -> ()
    %add3A_116 = arith.constant 4704 : i32
    %add3A_117 = arith.addi %multiple_of3A, %add3A_116 : i32
    "tpu.region"() ({
      %run_scoped3A = tpu.sem_alloc : memref<!tpu.dma_semaphore, #tpu.memory_space<semaphore_mem>>
      %dma_start3A_251 = arith.constant 0 : i32
      %dma_start3A_252 = tpu.memref_slice %arg6[%add3A_117, %dma_start3A_251] : memref<100352x16xf32, #tpu.memory_space<vmem_shared>> -> memref<98x16xf32, #tpu.memory_space<vmem_shared>>
      %dma_start3A_253 = arith.constant 0 : i32
      %dma_start3A_254 = tpu.memref_slice %arg6[%add3A_117, %dma_start3A_253] : memref<100352x16xf32, #tpu.memory_space<vmem_shared>> -> memref<98x16xf32, #tpu.memory_space<vmem_shared>>
      tpu.enqueue_dma source(%arg11 : memref<98x16xf32, #tpu.memory_space<vmem>>) target(%dma_start3A_254 : memref<98x16xf32, #tpu.memory_space<vmem_shared>>) target_semaphore(%run_scoped3A : memref<!tpu.dma_semaphore, #tpu.memory_space<semaphore_mem>>)
      %dma_wait3A = arith.constant 0 : i32
      %dma_wait3A_255 = tpu.memref_slice %arg6[%add3A_117, %dma_wait3A] : memref<100352x16xf32, #tpu.memory_space<vmem_shared>> -> memref<98x16xf32, #tpu.memory_space<vmem_shared>>
      %dma_wait3A_256 = arith.constant 0 : i32
      %dma_wait3A_257 = tpu.memref_slice %arg6[%add3A_117, %dma_wait3A_256] : memref<100352x16xf32, #tpu.memory_space<vmem_shared>> -> memref<98x16xf32, #tpu.memory_space<vmem_shared>>
      tpu.wait_dma2 semaphore(%run_scoped3A : memref<!tpu.dma_semaphore, #tpu.memory_space<semaphore_mem>>) src(%arg11 : memref<98x16xf32, #tpu.memory_space<vmem>>) dst(%dma_wait3A_257 : memref<98x16xf32, #tpu.memory_space<vmem_shared>>)
      tpu.yield
    }) : () -> ()
    %add3A_118 = arith.constant 4802 : i32
    %add3A_119 = arith.addi %multiple_of3A, %add3A_118 : i32
    "tpu.region"() ({
      %run_scoped3A = tpu.sem_alloc : memref<!tpu.dma_semaphore, #tpu.memory_space<semaphore_mem>>
      %dma_start3A_251 = arith.constant 0 : i32
      %dma_start3A_252 = tpu.memref_slice %arg6[%add3A_119, %dma_start3A_251] : memref<100352x16xf32, #tpu.memory_space<vmem_shared>> -> memref<98x16xf32, #tpu.memory_space<vmem_shared>>
      %dma_start3A_253 = arith.constant 0 : i32
      %dma_start3A_254 = tpu.memref_slice %arg6[%add3A_119, %dma_start3A_253] : memref<100352x16xf32, #tpu.memory_space<vmem_shared>> -> memref<98x16xf32, #tpu.memory_space<vmem_shared>>
      tpu.enqueue_dma source(%arg11 : memref<98x16xf32, #tpu.memory_space<vmem>>) target(%dma_start3A_254 : memref<98x16xf32, #tpu.memory_space<vmem_shared>>) target_semaphore(%run_scoped3A : memref<!tpu.dma_semaphore, #tpu.memory_space<semaphore_mem>>)
      %dma_wait3A = arith.constant 0 : i32
      %dma_wait3A_255 = tpu.memref_slice %arg6[%add3A_119, %dma_wait3A] : memref<100352x16xf32, #tpu.memory_space<vmem_shared>> -> memref<98x16xf32, #tpu.memory_space<vmem_shared>>
      %dma_wait3A_256 = arith.constant 0 : i32
      %dma_wait3A_257 = tpu.memref_slice %arg6[%add3A_119, %dma_wait3A_256] : memref<100352x16xf32, #tpu.memory_space<vmem_shared>> -> memref<98x16xf32, #tpu.memory_space<vmem_shared>>
      tpu.wait_dma2 semaphore(%run_scoped3A : memref<!tpu.dma_semaphore, #tpu.memory_space<semaphore_mem>>) src(%arg11 : memref<98x16xf32, #tpu.memory_space<vmem>>) dst(%dma_wait3A_257 : memref<98x16xf32, #tpu.memory_space<vmem_shared>>)
      tpu.yield
    }) : () -> ()
    %add3A_120 = arith.constant 4900 : i32
    %add3A_121 = arith.addi %multiple_of3A, %add3A_120 : i32
    "tpu.region"() ({
      %run_scoped3A = tpu.sem_alloc : memref<!tpu.dma_semaphore, #tpu.memory_space<semaphore_mem>>
      %dma_start3A_251 = arith.constant 0 : i32
      %dma_start3A_252 = tpu.memref_slice %arg6[%add3A_121, %dma_start3A_251] : memref<100352x16xf32, #tpu.memory_space<vmem_shared>> -> memref<98x16xf32, #tpu.memory_space<vmem_shared>>
      %dma_start3A_253 = arith.constant 0 : i32
      %dma_start3A_254 = tpu.memref_slice %arg6[%add3A_121, %dma_start3A_253] : memref<100352x16xf32, #tpu.memory_space<vmem_shared>> -> memref<98x16xf32, #tpu.memory_space<vmem_shared>>
      tpu.enqueue_dma source(%arg11 : memref<98x16xf32, #tpu.memory_space<vmem>>) target(%dma_start3A_254 : memref<98x16xf32, #tpu.memory_space<vmem_shared>>) target_semaphore(%run_scoped3A : memref<!tpu.dma_semaphore, #tpu.memory_space<semaphore_mem>>)
      %dma_wait3A = arith.constant 0 : i32
      %dma_wait3A_255 = tpu.memref_slice %arg6[%add3A_121, %dma_wait3A] : memref<100352x16xf32, #tpu.memory_space<vmem_shared>> -> memref<98x16xf32, #tpu.memory_space<vmem_shared>>
      %dma_wait3A_256 = arith.constant 0 : i32
      %dma_wait3A_257 = tpu.memref_slice %arg6[%add3A_121, %dma_wait3A_256] : memref<100352x16xf32, #tpu.memory_space<vmem_shared>> -> memref<98x16xf32, #tpu.memory_space<vmem_shared>>
      tpu.wait_dma2 semaphore(%run_scoped3A : memref<!tpu.dma_semaphore, #tpu.memory_space<semaphore_mem>>) src(%arg11 : memref<98x16xf32, #tpu.memory_space<vmem>>) dst(%dma_wait3A_257 : memref<98x16xf32, #tpu.memory_space<vmem_shared>>)
      tpu.yield
    }) : () -> ()
    %add3A_122 = arith.constant 4998 : i32
    %add3A_123 = arith.addi %multiple_of3A, %add3A_122 : i32
    "tpu.region"() ({
      %run_scoped3A = tpu.sem_alloc : memref<!tpu.dma_semaphore, #tpu.memory_space<semaphore_mem>>
      %dma_start3A_251 = arith.constant 0 : i32
      %dma_start3A_252 = tpu.memref_slice %arg6[%add3A_123, %dma_start3A_251] : memref<100352x16xf32, #tpu.memory_space<vmem_shared>> -> memref<98x16xf32, #tpu.memory_space<vmem_shared>>
      %dma_start3A_253 = arith.constant 0 : i32
      %dma_start3A_254 = tpu.memref_slice %arg6[%add3A_123, %dma_start3A_253] : memref<100352x16xf32, #tpu.memory_space<vmem_shared>> -> memref<98x16xf32, #tpu.memory_space<vmem_shared>>
      tpu.enqueue_dma source(%arg11 : memref<98x16xf32, #tpu.memory_space<vmem>>) target(%dma_start3A_254 : memref<98x16xf32, #tpu.memory_space<vmem_shared>>) target_semaphore(%run_scoped3A : memref<!tpu.dma_semaphore, #tpu.memory_space<semaphore_mem>>)
      %dma_wait3A = arith.constant 0 : i32
      %dma_wait3A_255 = tpu.memref_slice %arg6[%add3A_123, %dma_wait3A] : memref<100352x16xf32, #tpu.memory_space<vmem_shared>> -> memref<98x16xf32, #tpu.memory_space<vmem_shared>>
      %dma_wait3A_256 = arith.constant 0 : i32
      %dma_wait3A_257 = tpu.memref_slice %arg6[%add3A_123, %dma_wait3A_256] : memref<100352x16xf32, #tpu.memory_space<vmem_shared>> -> memref<98x16xf32, #tpu.memory_space<vmem_shared>>
      tpu.wait_dma2 semaphore(%run_scoped3A : memref<!tpu.dma_semaphore, #tpu.memory_space<semaphore_mem>>) src(%arg11 : memref<98x16xf32, #tpu.memory_space<vmem>>) dst(%dma_wait3A_257 : memref<98x16xf32, #tpu.memory_space<vmem_shared>>)
      tpu.yield
    }) : () -> ()
    %add3A_124 = arith.constant 5096 : i32
    %add3A_125 = arith.addi %multiple_of3A, %add3A_124 : i32
    "tpu.region"() ({
      %run_scoped3A = tpu.sem_alloc : memref<!tpu.dma_semaphore, #tpu.memory_space<semaphore_mem>>
      %dma_start3A_251 = arith.constant 0 : i32
      %dma_start3A_252 = tpu.memref_slice %arg6[%add3A_125, %dma_start3A_251] : memref<100352x16xf32, #tpu.memory_space<vmem_shared>> -> memref<98x16xf32, #tpu.memory_space<vmem_shared>>
      %dma_start3A_253 = arith.constant 0 : i32
      %dma_start3A_254 = tpu.memref_slice %arg6[%add3A_125, %dma_start3A_253] : memref<100352x16xf32, #tpu.memory_space<vmem_shared>> -> memref<98x16xf32, #tpu.memory_space<vmem_shared>>
      tpu.enqueue_dma source(%arg11 : memref<98x16xf32, #tpu.memory_space<vmem>>) target(%dma_start3A_254 : memref<98x16xf32, #tpu.memory_space<vmem_shared>>) target_semaphore(%run_scoped3A : memref<!tpu.dma_semaphore, #tpu.memory_space<semaphore_mem>>)
      %dma_wait3A = arith.constant 0 : i32
      %dma_wait3A_255 = tpu.memref_slice %arg6[%add3A_125, %dma_wait3A] : memref<100352x16xf32, #tpu.memory_space<vmem_shared>> -> memref<98x16xf32, #tpu.memory_space<vmem_shared>>
      %dma_wait3A_256 = arith.constant 0 : i32
      %dma_wait3A_257 = tpu.memref_slice %arg6[%add3A_125, %dma_wait3A_256] : memref<100352x16xf32, #tpu.memory_space<vmem_shared>> -> memref<98x16xf32, #tpu.memory_space<vmem_shared>>
      tpu.wait_dma2 semaphore(%run_scoped3A : memref<!tpu.dma_semaphore, #tpu.memory_space<semaphore_mem>>) src(%arg11 : memref<98x16xf32, #tpu.memory_space<vmem>>) dst(%dma_wait3A_257 : memref<98x16xf32, #tpu.memory_space<vmem_shared>>)
      tpu.yield
    }) : () -> ()
    %add3A_126 = arith.constant 5194 : i32
    %add3A_127 = arith.addi %multiple_of3A, %add3A_126 : i32
    "tpu.region"() ({
      %run_scoped3A = tpu.sem_alloc : memref<!tpu.dma_semaphore, #tpu.memory_space<semaphore_mem>>
      %dma_start3A_251 = arith.constant 0 : i32
      %dma_start3A_252 = tpu.memref_slice %arg6[%add3A_127, %dma_start3A_251] : memref<100352x16xf32, #tpu.memory_space<vmem_shared>> -> memref<98x16xf32, #tpu.memory_space<vmem_shared>>
      %dma_start3A_253 = arith.constant 0 : i32
      %dma_start3A_254 = tpu.memref_slice %arg6[%add3A_127, %dma_start3A_253] : memref<100352x16xf32, #tpu.memory_space<vmem_shared>> -> memref<98x16xf32, #tpu.memory_space<vmem_shared>>
      tpu.enqueue_dma source(%arg11 : memref<98x16xf32, #tpu.memory_space<vmem>>) target(%dma_start3A_254 : memref<98x16xf32, #tpu.memory_space<vmem_shared>>) target_semaphore(%run_scoped3A : memref<!tpu.dma_semaphore, #tpu.memory_space<semaphore_mem>>)
      %dma_wait3A = arith.constant 0 : i32
      %dma_wait3A_255 = tpu.memref_slice %arg6[%add3A_127, %dma_wait3A] : memref<100352x16xf32, #tpu.memory_space<vmem_shared>> -> memref<98x16xf32, #tpu.memory_space<vmem_shared>>
      %dma_wait3A_256 = arith.constant 0 : i32
      %dma_wait3A_257 = tpu.memref_slice %arg6[%add3A_127, %dma_wait3A_256] : memref<100352x16xf32, #tpu.memory_space<vmem_shared>> -> memref<98x16xf32, #tpu.memory_space<vmem_shared>>
      tpu.wait_dma2 semaphore(%run_scoped3A : memref<!tpu.dma_semaphore, #tpu.memory_space<semaphore_mem>>) src(%arg11 : memref<98x16xf32, #tpu.memory_space<vmem>>) dst(%dma_wait3A_257 : memref<98x16xf32, #tpu.memory_space<vmem_shared>>)
      tpu.yield
    }) : () -> ()
    %add3A_128 = arith.constant 5292 : i32
    %add3A_129 = arith.addi %multiple_of3A, %add3A_128 : i32
    "tpu.region"() ({
      %run_scoped3A = tpu.sem_alloc : memref<!tpu.dma_semaphore, #tpu.memory_space<semaphore_mem>>
      %dma_start3A_251 = arith.constant 0 : i32
      %dma_start3A_252 = tpu.memref_slice %arg6[%add3A_129, %dma_start3A_251] : memref<100352x16xf32, #tpu.memory_space<vmem_shared>> -> memref<98x16xf32, #tpu.memory_space<vmem_shared>>
      %dma_start3A_253 = arith.constant 0 : i32
      %dma_start3A_254 = tpu.memref_slice %arg6[%add3A_129, %dma_start3A_253] : memref<100352x16xf32, #tpu.memory_space<vmem_shared>> -> memref<98x16xf32, #tpu.memory_space<vmem_shared>>
      tpu.enqueue_dma source(%arg11 : memref<98x16xf32, #tpu.memory_space<vmem>>) target(%dma_start3A_254 : memref<98x16xf32, #tpu.memory_space<vmem_shared>>) target_semaphore(%run_scoped3A : memref<!tpu.dma_semaphore, #tpu.memory_space<semaphore_mem>>)
      %dma_wait3A = arith.constant 0 : i32
      %dma_wait3A_255 = tpu.memref_slice %arg6[%add3A_129, %dma_wait3A] : memref<100352x16xf32, #tpu.memory_space<vmem_shared>> -> memref<98x16xf32, #tpu.memory_space<vmem_shared>>
      %dma_wait3A_256 = arith.constant 0 : i32
      %dma_wait3A_257 = tpu.memref_slice %arg6[%add3A_129, %dma_wait3A_256] : memref<100352x16xf32, #tpu.memory_space<vmem_shared>> -> memref<98x16xf32, #tpu.memory_space<vmem_shared>>
      tpu.wait_dma2 semaphore(%run_scoped3A : memref<!tpu.dma_semaphore, #tpu.memory_space<semaphore_mem>>) src(%arg11 : memref<98x16xf32, #tpu.memory_space<vmem>>) dst(%dma_wait3A_257 : memref<98x16xf32, #tpu.memory_space<vmem_shared>>)
      tpu.yield
    }) : () -> ()
    %add3A_130 = arith.constant 5390 : i32
    %add3A_131 = arith.addi %multiple_of3A, %add3A_130 : i32
    "tpu.region"() ({
      %run_scoped3A = tpu.sem_alloc : memref<!tpu.dma_semaphore, #tpu.memory_space<semaphore_mem>>
      %dma_start3A_251 = arith.constant 0 : i32
      %dma_start3A_252 = tpu.memref_slice %arg6[%add3A_131, %dma_start3A_251] : memref<100352x16xf32, #tpu.memory_space<vmem_shared>> -> memref<98x16xf32, #tpu.memory_space<vmem_shared>>
      %dma_start3A_253 = arith.constant 0 : i32
      %dma_start3A_254 = tpu.memref_slice %arg6[%add3A_131, %dma_start3A_253] : memref<100352x16xf32, #tpu.memory_space<vmem_shared>> -> memref<98x16xf32, #tpu.memory_space<vmem_shared>>
      tpu.enqueue_dma source(%arg11 : memref<98x16xf32, #tpu.memory_space<vmem>>) target(%dma_start3A_254 : memref<98x16xf32, #tpu.memory_space<vmem_shared>>) target_semaphore(%run_scoped3A : memref<!tpu.dma_semaphore, #tpu.memory_space<semaphore_mem>>)
      %dma_wait3A = arith.constant 0 : i32
      %dma_wait3A_255 = tpu.memref_slice %arg6[%add3A_131, %dma_wait3A] : memref<100352x16xf32, #tpu.memory_space<vmem_shared>> -> memref<98x16xf32, #tpu.memory_space<vmem_shared>>
      %dma_wait3A_256 = arith.constant 0 : i32
      %dma_wait3A_257 = tpu.memref_slice %arg6[%add3A_131, %dma_wait3A_256] : memref<100352x16xf32, #tpu.memory_space<vmem_shared>> -> memref<98x16xf32, #tpu.memory_space<vmem_shared>>
      tpu.wait_dma2 semaphore(%run_scoped3A : memref<!tpu.dma_semaphore, #tpu.memory_space<semaphore_mem>>) src(%arg11 : memref<98x16xf32, #tpu.memory_space<vmem>>) dst(%dma_wait3A_257 : memref<98x16xf32, #tpu.memory_space<vmem_shared>>)
      tpu.yield
    }) : () -> ()
    %add3A_132 = arith.constant 5488 : i32
    %add3A_133 = arith.addi %multiple_of3A, %add3A_132 : i32
    "tpu.region"() ({
      %run_scoped3A = tpu.sem_alloc : memref<!tpu.dma_semaphore, #tpu.memory_space<semaphore_mem>>
      %dma_start3A_251 = arith.constant 0 : i32
      %dma_start3A_252 = tpu.memref_slice %arg6[%add3A_133, %dma_start3A_251] : memref<100352x16xf32, #tpu.memory_space<vmem_shared>> -> memref<98x16xf32, #tpu.memory_space<vmem_shared>>
      %dma_start3A_253 = arith.constant 0 : i32
      %dma_start3A_254 = tpu.memref_slice %arg6[%add3A_133, %dma_start3A_253] : memref<100352x16xf32, #tpu.memory_space<vmem_shared>> -> memref<98x16xf32, #tpu.memory_space<vmem_shared>>
      tpu.enqueue_dma source(%arg11 : memref<98x16xf32, #tpu.memory_space<vmem>>) target(%dma_start3A_254 : memref<98x16xf32, #tpu.memory_space<vmem_shared>>) target_semaphore(%run_scoped3A : memref<!tpu.dma_semaphore, #tpu.memory_space<semaphore_mem>>)
      %dma_wait3A = arith.constant 0 : i32
      %dma_wait3A_255 = tpu.memref_slice %arg6[%add3A_133, %dma_wait3A] : memref<100352x16xf32, #tpu.memory_space<vmem_shared>> -> memref<98x16xf32, #tpu.memory_space<vmem_shared>>
      %dma_wait3A_256 = arith.constant 0 : i32
      %dma_wait3A_257 = tpu.memref_slice %arg6[%add3A_133, %dma_wait3A_256] : memref<100352x16xf32, #tpu.memory_space<vmem_shared>> -> memref<98x16xf32, #tpu.memory_space<vmem_shared>>
      tpu.wait_dma2 semaphore(%run_scoped3A : memref<!tpu.dma_semaphore, #tpu.memory_space<semaphore_mem>>) src(%arg11 : memref<98x16xf32, #tpu.memory_space<vmem>>) dst(%dma_wait3A_257 : memref<98x16xf32, #tpu.memory_space<vmem_shared>>)
      tpu.yield
    }) : () -> ()
    %add3A_134 = arith.constant 5586 : i32
    %add3A_135 = arith.addi %multiple_of3A, %add3A_134 : i32
    "tpu.region"() ({
      %run_scoped3A = tpu.sem_alloc : memref<!tpu.dma_semaphore, #tpu.memory_space<semaphore_mem>>
      %dma_start3A_251 = arith.constant 0 : i32
      %dma_start3A_252 = tpu.memref_slice %arg6[%add3A_135, %dma_start3A_251] : memref<100352x16xf32, #tpu.memory_space<vmem_shared>> -> memref<98x16xf32, #tpu.memory_space<vmem_shared>>
      %dma_start3A_253 = arith.constant 0 : i32
      %dma_start3A_254 = tpu.memref_slice %arg6[%add3A_135, %dma_start3A_253] : memref<100352x16xf32, #tpu.memory_space<vmem_shared>> -> memref<98x16xf32, #tpu.memory_space<vmem_shared>>
      tpu.enqueue_dma source(%arg11 : memref<98x16xf32, #tpu.memory_space<vmem>>) target(%dma_start3A_254 : memref<98x16xf32, #tpu.memory_space<vmem_shared>>) target_semaphore(%run_scoped3A : memref<!tpu.dma_semaphore, #tpu.memory_space<semaphore_mem>>)
      %dma_wait3A = arith.constant 0 : i32
      %dma_wait3A_255 = tpu.memref_slice %arg6[%add3A_135, %dma_wait3A] : memref<100352x16xf32, #tpu.memory_space<vmem_shared>> -> memref<98x16xf32, #tpu.memory_space<vmem_shared>>
      %dma_wait3A_256 = arith.constant 0 : i32
      %dma_wait3A_257 = tpu.memref_slice %arg6[%add3A_135, %dma_wait3A_256] : memref<100352x16xf32, #tpu.memory_space<vmem_shared>> -> memref<98x16xf32, #tpu.memory_space<vmem_shared>>
      tpu.wait_dma2 semaphore(%run_scoped3A : memref<!tpu.dma_semaphore, #tpu.memory_space<semaphore_mem>>) src(%arg11 : memref<98x16xf32, #tpu.memory_space<vmem>>) dst(%dma_wait3A_257 : memref<98x16xf32, #tpu.memory_space<vmem_shared>>)
      tpu.yield
    }) : () -> ()
    %add3A_136 = arith.constant 5684 : i32
    %add3A_137 = arith.addi %multiple_of3A, %add3A_136 : i32
    "tpu.region"() ({
      %run_scoped3A = tpu.sem_alloc : memref<!tpu.dma_semaphore, #tpu.memory_space<semaphore_mem>>
      %dma_start3A_251 = arith.constant 0 : i32
      %dma_start3A_252 = tpu.memref_slice %arg6[%add3A_137, %dma_start3A_251] : memref<100352x16xf32, #tpu.memory_space<vmem_shared>> -> memref<98x16xf32, #tpu.memory_space<vmem_shared>>
      %dma_start3A_253 = arith.constant 0 : i32
      %dma_start3A_254 = tpu.memref_slice %arg6[%add3A_137, %dma_start3A_253] : memref<100352x16xf32, #tpu.memory_space<vmem_shared>> -> memref<98x16xf32, #tpu.memory_space<vmem_shared>>
      tpu.enqueue_dma source(%arg11 : memref<98x16xf32, #tpu.memory_space<vmem>>) target(%dma_start3A_254 : memref<98x16xf32, #tpu.memory_space<vmem_shared>>) target_semaphore(%run_scoped3A : memref<!tpu.dma_semaphore, #tpu.memory_space<semaphore_mem>>)
      %dma_wait3A = arith.constant 0 : i32
      %dma_wait3A_255 = tpu.memref_slice %arg6[%add3A_137, %dma_wait3A] : memref<100352x16xf32, #tpu.memory_space<vmem_shared>> -> memref<98x16xf32, #tpu.memory_space<vmem_shared>>
      %dma_wait3A_256 = arith.constant 0 : i32
      %dma_wait3A_257 = tpu.memref_slice %arg6[%add3A_137, %dma_wait3A_256] : memref<100352x16xf32, #tpu.memory_space<vmem_shared>> -> memref<98x16xf32, #tpu.memory_space<vmem_shared>>
      tpu.wait_dma2 semaphore(%run_scoped3A : memref<!tpu.dma_semaphore, #tpu.memory_space<semaphore_mem>>) src(%arg11 : memref<98x16xf32, #tpu.memory_space<vmem>>) dst(%dma_wait3A_257 : memref<98x16xf32, #tpu.memory_space<vmem_shared>>)
      tpu.yield
    }) : () -> ()
    %add3A_138 = arith.constant 5782 : i32
    %add3A_139 = arith.addi %multiple_of3A, %add3A_138 : i32
    "tpu.region"() ({
      %run_scoped3A = tpu.sem_alloc : memref<!tpu.dma_semaphore, #tpu.memory_space<semaphore_mem>>
      %dma_start3A_251 = arith.constant 0 : i32
      %dma_start3A_252 = tpu.memref_slice %arg6[%add3A_139, %dma_start3A_251] : memref<100352x16xf32, #tpu.memory_space<vmem_shared>> -> memref<98x16xf32, #tpu.memory_space<vmem_shared>>
      %dma_start3A_253 = arith.constant 0 : i32
      %dma_start3A_254 = tpu.memref_slice %arg6[%add3A_139, %dma_start3A_253] : memref<100352x16xf32, #tpu.memory_space<vmem_shared>> -> memref<98x16xf32, #tpu.memory_space<vmem_shared>>
      tpu.enqueue_dma source(%arg11 : memref<98x16xf32, #tpu.memory_space<vmem>>) target(%dma_start3A_254 : memref<98x16xf32, #tpu.memory_space<vmem_shared>>) target_semaphore(%run_scoped3A : memref<!tpu.dma_semaphore, #tpu.memory_space<semaphore_mem>>)
      %dma_wait3A = arith.constant 0 : i32
      %dma_wait3A_255 = tpu.memref_slice %arg6[%add3A_139, %dma_wait3A] : memref<100352x16xf32, #tpu.memory_space<vmem_shared>> -> memref<98x16xf32, #tpu.memory_space<vmem_shared>>
      %dma_wait3A_256 = arith.constant 0 : i32
      %dma_wait3A_257 = tpu.memref_slice %arg6[%add3A_139, %dma_wait3A_256] : memref<100352x16xf32, #tpu.memory_space<vmem_shared>> -> memref<98x16xf32, #tpu.memory_space<vmem_shared>>
      tpu.wait_dma2 semaphore(%run_scoped3A : memref<!tpu.dma_semaphore, #tpu.memory_space<semaphore_mem>>) src(%arg11 : memref<98x16xf32, #tpu.memory_space<vmem>>) dst(%dma_wait3A_257 : memref<98x16xf32, #tpu.memory_space<vmem_shared>>)
      tpu.yield
    }) : () -> ()
    %add3A_140 = arith.constant 5880 : i32
    %add3A_141 = arith.addi %multiple_of3A, %add3A_140 : i32
    "tpu.region"() ({
      %run_scoped3A = tpu.sem_alloc : memref<!tpu.dma_semaphore, #tpu.memory_space<semaphore_mem>>
      %dma_start3A_251 = arith.constant 0 : i32
      %dma_start3A_252 = tpu.memref_slice %arg6[%add3A_141, %dma_start3A_251] : memref<100352x16xf32, #tpu.memory_space<vmem_shared>> -> memref<98x16xf32, #tpu.memory_space<vmem_shared>>
      %dma_start3A_253 = arith.constant 0 : i32
      %dma_start3A_254 = tpu.memref_slice %arg6[%add3A_141, %dma_start3A_253] : memref<100352x16xf32, #tpu.memory_space<vmem_shared>> -> memref<98x16xf32, #tpu.memory_space<vmem_shared>>
      tpu.enqueue_dma source(%arg11 : memref<98x16xf32, #tpu.memory_space<vmem>>) target(%dma_start3A_254 : memref<98x16xf32, #tpu.memory_space<vmem_shared>>) target_semaphore(%run_scoped3A : memref<!tpu.dma_semaphore, #tpu.memory_space<semaphore_mem>>)
      %dma_wait3A = arith.constant 0 : i32
      %dma_wait3A_255 = tpu.memref_slice %arg6[%add3A_141, %dma_wait3A] : memref<100352x16xf32, #tpu.memory_space<vmem_shared>> -> memref<98x16xf32, #tpu.memory_space<vmem_shared>>
      %dma_wait3A_256 = arith.constant 0 : i32
      %dma_wait3A_257 = tpu.memref_slice %arg6[%add3A_141, %dma_wait3A_256] : memref<100352x16xf32, #tpu.memory_space<vmem_shared>> -> memref<98x16xf32, #tpu.memory_space<vmem_shared>>
      tpu.wait_dma2 semaphore(%run_scoped3A : memref<!tpu.dma_semaphore, #tpu.memory_space<semaphore_mem>>) src(%arg11 : memref<98x16xf32, #tpu.memory_space<vmem>>) dst(%dma_wait3A_257 : memref<98x16xf32, #tpu.memory_space<vmem_shared>>)
      tpu.yield
    }) : () -> ()
    %add3A_142 = arith.constant 5978 : i32
    %add3A_143 = arith.addi %multiple_of3A, %add3A_142 : i32
    "tpu.region"() ({
      %run_scoped3A = tpu.sem_alloc : memref<!tpu.dma_semaphore, #tpu.memory_space<semaphore_mem>>
      %dma_start3A_251 = arith.constant 0 : i32
      %dma_start3A_252 = tpu.memref_slice %arg6[%add3A_143, %dma_start3A_251] : memref<100352x16xf32, #tpu.memory_space<vmem_shared>> -> memref<98x16xf32, #tpu.memory_space<vmem_shared>>
      %dma_start3A_253 = arith.constant 0 : i32
      %dma_start3A_254 = tpu.memref_slice %arg6[%add3A_143, %dma_start3A_253] : memref<100352x16xf32, #tpu.memory_space<vmem_shared>> -> memref<98x16xf32, #tpu.memory_space<vmem_shared>>
      tpu.enqueue_dma source(%arg11 : memref<98x16xf32, #tpu.memory_space<vmem>>) target(%dma_start3A_254 : memref<98x16xf32, #tpu.memory_space<vmem_shared>>) target_semaphore(%run_scoped3A : memref<!tpu.dma_semaphore, #tpu.memory_space<semaphore_mem>>)
      %dma_wait3A = arith.constant 0 : i32
      %dma_wait3A_255 = tpu.memref_slice %arg6[%add3A_143, %dma_wait3A] : memref<100352x16xf32, #tpu.memory_space<vmem_shared>> -> memref<98x16xf32, #tpu.memory_space<vmem_shared>>
      %dma_wait3A_256 = arith.constant 0 : i32
      %dma_wait3A_257 = tpu.memref_slice %arg6[%add3A_143, %dma_wait3A_256] : memref<100352x16xf32, #tpu.memory_space<vmem_shared>> -> memref<98x16xf32, #tpu.memory_space<vmem_shared>>
      tpu.wait_dma2 semaphore(%run_scoped3A : memref<!tpu.dma_semaphore, #tpu.memory_space<semaphore_mem>>) src(%arg11 : memref<98x16xf32, #tpu.memory_space<vmem>>) dst(%dma_wait3A_257 : memref<98x16xf32, #tpu.memory_space<vmem_shared>>)
      tpu.yield
    }) : () -> ()
    %add3A_144 = arith.constant 6076 : i32
    %add3A_145 = arith.addi %multiple_of3A, %add3A_144 : i32
    "tpu.region"() ({
      %run_scoped3A = tpu.sem_alloc : memref<!tpu.dma_semaphore, #tpu.memory_space<semaphore_mem>>
      %dma_start3A_251 = arith.constant 0 : i32
      %dma_start3A_252 = tpu.memref_slice %arg6[%add3A_145, %dma_start3A_251] : memref<100352x16xf32, #tpu.memory_space<vmem_shared>> -> memref<98x16xf32, #tpu.memory_space<vmem_shared>>
      %dma_start3A_253 = arith.constant 0 : i32
      %dma_start3A_254 = tpu.memref_slice %arg6[%add3A_145, %dma_start3A_253] : memref<100352x16xf32, #tpu.memory_space<vmem_shared>> -> memref<98x16xf32, #tpu.memory_space<vmem_shared>>
      tpu.enqueue_dma source(%arg11 : memref<98x16xf32, #tpu.memory_space<vmem>>) target(%dma_start3A_254 : memref<98x16xf32, #tpu.memory_space<vmem_shared>>) target_semaphore(%run_scoped3A : memref<!tpu.dma_semaphore, #tpu.memory_space<semaphore_mem>>)
      %dma_wait3A = arith.constant 0 : i32
      %dma_wait3A_255 = tpu.memref_slice %arg6[%add3A_145, %dma_wait3A] : memref<100352x16xf32, #tpu.memory_space<vmem_shared>> -> memref<98x16xf32, #tpu.memory_space<vmem_shared>>
      %dma_wait3A_256 = arith.constant 0 : i32
      %dma_wait3A_257 = tpu.memref_slice %arg6[%add3A_145, %dma_wait3A_256] : memref<100352x16xf32, #tpu.memory_space<vmem_shared>> -> memref<98x16xf32, #tpu.memory_space<vmem_shared>>
      tpu.wait_dma2 semaphore(%run_scoped3A : memref<!tpu.dma_semaphore, #tpu.memory_space<semaphore_mem>>) src(%arg11 : memref<98x16xf32, #tpu.memory_space<vmem>>) dst(%dma_wait3A_257 : memref<98x16xf32, #tpu.memory_space<vmem_shared>>)
      tpu.yield
    }) : () -> ()
    %add3A_146 = arith.constant 6174 : i32
    %add3A_147 = arith.addi %multiple_of3A, %add3A_146 : i32
    "tpu.region"() ({
      %run_scoped3A = tpu.sem_alloc : memref<!tpu.dma_semaphore, #tpu.memory_space<semaphore_mem>>
      %dma_start3A_251 = arith.constant 0 : i32
      %dma_start3A_252 = tpu.memref_slice %arg6[%add3A_147, %dma_start3A_251] : memref<100352x16xf32, #tpu.memory_space<vmem_shared>> -> memref<98x16xf32, #tpu.memory_space<vmem_shared>>
      %dma_start3A_253 = arith.constant 0 : i32
      %dma_start3A_254 = tpu.memref_slice %arg6[%add3A_147, %dma_start3A_253] : memref<100352x16xf32, #tpu.memory_space<vmem_shared>> -> memref<98x16xf32, #tpu.memory_space<vmem_shared>>
      tpu.enqueue_dma source(%arg11 : memref<98x16xf32, #tpu.memory_space<vmem>>) target(%dma_start3A_254 : memref<98x16xf32, #tpu.memory_space<vmem_shared>>) target_semaphore(%run_scoped3A : memref<!tpu.dma_semaphore, #tpu.memory_space<semaphore_mem>>)
      %dma_wait3A = arith.constant 0 : i32
      %dma_wait3A_255 = tpu.memref_slice %arg6[%add3A_147, %dma_wait3A] : memref<100352x16xf32, #tpu.memory_space<vmem_shared>> -> memref<98x16xf32, #tpu.memory_space<vmem_shared>>
      %dma_wait3A_256 = arith.constant 0 : i32
      %dma_wait3A_257 = tpu.memref_slice %arg6[%add3A_147, %dma_wait3A_256] : memref<100352x16xf32, #tpu.memory_space<vmem_shared>> -> memref<98x16xf32, #tpu.memory_space<vmem_shared>>
      tpu.wait_dma2 semaphore(%run_scoped3A : memref<!tpu.dma_semaphore, #tpu.memory_space<semaphore_mem>>) src(%arg11 : memref<98x16xf32, #tpu.memory_space<vmem>>) dst(%dma_wait3A_257 : memref<98x16xf32, #tpu.memory_space<vmem_shared>>)
      tpu.yield
    }) : () -> ()
    %add3A_148 = arith.constant 0 : i32
    %add3A_149 = arith.addi %multiple_of3A, %add3A_148 : i32
    "tpu.region"() ({
      %run_scoped3A = tpu.sem_alloc : memref<!tpu.dma_semaphore, #tpu.memory_space<semaphore_mem>>
      %dma_start3A_251 = tpu.memref_slice %arg7[%add3A_149] : memref<100352xf32, #tpu.memory_space<vmem_shared>> -> memref<1568xf32, #tpu.memory_space<vmem_shared>>
      %dma_start3A_252 = tpu.memref_slice %arg7[%add3A_149] : memref<100352xf32, #tpu.memory_space<vmem_shared>> -> memref<1568xf32, #tpu.memory_space<vmem_shared>>
      tpu.enqueue_dma source(%arg12 : memref<1568xf32, #tpu.memory_space<vmem>>) target(%dma_start3A_252 : memref<1568xf32, #tpu.memory_space<vmem_shared>>) target_semaphore(%run_scoped3A : memref<!tpu.dma_semaphore, #tpu.memory_space<semaphore_mem>>)
      %dma_wait3A = tpu.memref_slice %arg7[%add3A_149] : memref<100352xf32, #tpu.memory_space<vmem_shared>> -> memref<1568xf32, #tpu.memory_space<vmem_shared>>
      %dma_wait3A_253 = tpu.memref_slice %arg7[%add3A_149] : memref<100352xf32, #tpu.memory_space<vmem_shared>> -> memref<1568xf32, #tpu.memory_space<vmem_shared>>
      tpu.wait_dma2 semaphore(%run_scoped3A : memref<!tpu.dma_semaphore, #tpu.memory_space<semaphore_mem>>) src(%arg12 : memref<1568xf32, #tpu.memory_space<vmem>>) dst(%dma_wait3A_253 : memref<1568xf32, #tpu.memory_space<vmem_shared>>)
      tpu.yield
    }) : () -> ()
    %add3A_150 = arith.constant 1568 : i32
    %add3A_151 = arith.addi %multiple_of3A, %add3A_150 : i32
    "tpu.region"() ({
      %run_scoped3A = tpu.sem_alloc : memref<!tpu.dma_semaphore, #tpu.memory_space<semaphore_mem>>
      %dma_start3A_251 = tpu.memref_slice %arg7[%add3A_151] : memref<100352xf32, #tpu.memory_space<vmem_shared>> -> memref<1568xf32, #tpu.memory_space<vmem_shared>>
      %dma_start3A_252 = tpu.memref_slice %arg7[%add3A_151] : memref<100352xf32, #tpu.memory_space<vmem_shared>> -> memref<1568xf32, #tpu.memory_space<vmem_shared>>
      tpu.enqueue_dma source(%arg12 : memref<1568xf32, #tpu.memory_space<vmem>>) target(%dma_start3A_252 : memref<1568xf32, #tpu.memory_space<vmem_shared>>) target_semaphore(%run_scoped3A : memref<!tpu.dma_semaphore, #tpu.memory_space<semaphore_mem>>)
      %dma_wait3A = tpu.memref_slice %arg7[%add3A_151] : memref<100352xf32, #tpu.memory_space<vmem_shared>> -> memref<1568xf32, #tpu.memory_space<vmem_shared>>
      %dma_wait3A_253 = tpu.memref_slice %arg7[%add3A_151] : memref<100352xf32, #tpu.memory_space<vmem_shared>> -> memref<1568xf32, #tpu.memory_space<vmem_shared>>
      tpu.wait_dma2 semaphore(%run_scoped3A : memref<!tpu.dma_semaphore, #tpu.memory_space<semaphore_mem>>) src(%arg12 : memref<1568xf32, #tpu.memory_space<vmem>>) dst(%dma_wait3A_253 : memref<1568xf32, #tpu.memory_space<vmem_shared>>)
      tpu.yield
    }) : () -> ()
    %add3A_152 = arith.constant 3136 : i32
    %add3A_153 = arith.addi %multiple_of3A, %add3A_152 : i32
    "tpu.region"() ({
      %run_scoped3A = tpu.sem_alloc : memref<!tpu.dma_semaphore, #tpu.memory_space<semaphore_mem>>
      %dma_start3A_251 = tpu.memref_slice %arg7[%add3A_153] : memref<100352xf32, #tpu.memory_space<vmem_shared>> -> memref<1568xf32, #tpu.memory_space<vmem_shared>>
      %dma_start3A_252 = tpu.memref_slice %arg7[%add3A_153] : memref<100352xf32, #tpu.memory_space<vmem_shared>> -> memref<1568xf32, #tpu.memory_space<vmem_shared>>
      tpu.enqueue_dma source(%arg12 : memref<1568xf32, #tpu.memory_space<vmem>>) target(%dma_start3A_252 : memref<1568xf32, #tpu.memory_space<vmem_shared>>) target_semaphore(%run_scoped3A : memref<!tpu.dma_semaphore, #tpu.memory_space<semaphore_mem>>)
      %dma_wait3A = tpu.memref_slice %arg7[%add3A_153] : memref<100352xf32, #tpu.memory_space<vmem_shared>> -> memref<1568xf32, #tpu.memory_space<vmem_shared>>
      %dma_wait3A_253 = tpu.memref_slice %arg7[%add3A_153] : memref<100352xf32, #tpu.memory_space<vmem_shared>> -> memref<1568xf32, #tpu.memory_space<vmem_shared>>
      tpu.wait_dma2 semaphore(%run_scoped3A : memref<!tpu.dma_semaphore, #tpu.memory_space<semaphore_mem>>) src(%arg12 : memref<1568xf32, #tpu.memory_space<vmem>>) dst(%dma_wait3A_253 : memref<1568xf32, #tpu.memory_space<vmem_shared>>)
      tpu.yield
    }) : () -> ()
    %add3A_154 = arith.constant 4704 : i32
    %add3A_155 = arith.addi %multiple_of3A, %add3A_154 : i32
    "tpu.region"() ({
      %run_scoped3A = tpu.sem_alloc : memref<!tpu.dma_semaphore, #tpu.memory_space<semaphore_mem>>
      %dma_start3A_251 = tpu.memref_slice %arg7[%add3A_155] : memref<100352xf32, #tpu.memory_space<vmem_shared>> -> memref<1568xf32, #tpu.memory_space<vmem_shared>>
      %dma_start3A_252 = tpu.memref_slice %arg7[%add3A_155] : memref<100352xf32, #tpu.memory_space<vmem_shared>> -> memref<1568xf32, #tpu.memory_space<vmem_shared>>
      tpu.enqueue_dma source(%arg12 : memref<1568xf32, #tpu.memory_space<vmem>>) target(%dma_start3A_252 : memref<1568xf32, #tpu.memory_space<vmem_shared>>) target_semaphore(%run_scoped3A : memref<!tpu.dma_semaphore, #tpu.memory_space<semaphore_mem>>)
      %dma_wait3A = tpu.memref_slice %arg7[%add3A_155] : memref<100352xf32, #tpu.memory_space<vmem_shared>> -> memref<1568xf32, #tpu.memory_space<vmem_shared>>
      %dma_wait3A_253 = tpu.memref_slice %arg7[%add3A_155] : memref<100352xf32, #tpu.memory_space<vmem_shared>> -> memref<1568xf32, #tpu.memory_space<vmem_shared>>
      tpu.wait_dma2 semaphore(%run_scoped3A : memref<!tpu.dma_semaphore, #tpu.memory_space<semaphore_mem>>) src(%arg12 : memref<1568xf32, #tpu.memory_space<vmem>>) dst(%dma_wait3A_253 : memref<1568xf32, #tpu.memory_space<vmem_shared>>)
      tpu.yield
    }) : () -> ()
    %barrier3A = arith.constant 0 : index
    tpu.barrier barrier_id(%barrier3A)
    %sub3A = arith.constant 6265 : i32
    %sub3A_156 = arith.subi %sub3A, %arg1 : i32
    %jit3A = arith.constant 16 : i32
    %div3A = arith.divsi %sub3A_156, %jit3A : i32
    %sign3A = arith.constant 0 : i32
    %sign3A_157 = arith.cmpi sgt, %sub3A_156, %sign3A : i32
    %sign3A_158 = arith.extui %sign3A_157 : i1 to i32
    %sign3A_159 = arith.constant 0 : i32
    %sign3A_160 = arith.cmpi slt, %sub3A_156, %sign3A_159 : i32
    %sign3A_161 = arith.extui %sign3A_160 : i1 to i32
    %sign3A_162 = arith.subi %sign3A_158, %sign3A_161 : i32
    %sign3A_163 = arith.constant 0 : i32
    %sign3A_164 = arith.cmpi sgt, %jit3A, %sign3A_163 : i32
    %sign3A_165 = arith.extui %sign3A_164 : i1 to i32
    %sign3A_166 = arith.constant 0 : i32
    %sign3A_167 = arith.cmpi slt, %jit3A, %sign3A_166 : i32
    %sign3A_168 = arith.extui %sign3A_167 : i1 to i32
    %sign3A_169 = arith.subi %sign3A_165, %sign3A_168 : i32
    %ne3A = arith.cmpi ne, %sign3A_162, %sign3A_169 : i32
    %rem3A = arith.remsi %sub3A_156, %jit3A : i32
    %ne3A_170 = arith.constant 0 : i32
    %ne3A_171 = arith.cmpi ne, %rem3A, %ne3A_170 : i32
    %and3A = arith.andi %ne3A, %ne3A_171 : i1
    %sub3A_172 = arith.constant 1 : i32
    %sub3A_173 = arith.subi %div3A, %sub3A_172 : i32
    %select_n3A = arith.select %and3A, %sub3A_173, %div3A : i32
    %add3A_174 = arith.constant 0 : i32
    %add3A_175 = arith.addi %arg1, %add3A_174 : i32
    %mul3A_176 = arith.constant 512 : i32
    %mul3A_177 = arith.muli %add3A_175, %mul3A_176 : i32
    %multiple_of3A_178 = tpu.assume_multiple %mul3A_177, 512 : i32
    %dma_start3A = arith.constant 0 : i32
    %dma_start3A_179 = arith.constant 0 : i32
    %dma_start3A_180 = arith.constant 0 : i32
    %dma_start3A_181 = tpu.memref_slice %arg8[%dma_start3A, %dma_start3A_179, %dma_start3A_180] : memref<2x512x16xf32, #tpu.memory_space<vmem>> -> memref<1x512x16xf32, #tpu.memory_space<vmem>>
    %dma_start3A_182 = tpu.memref_squeeze %dma_start3A_181 : memref<1x512x16xf32, #tpu.memory_space<vmem>> -> memref<512x16xf32, #tpu.memory_space<vmem>>
    %dma_start3A_183 = arith.constant 0 : i32
    %dma_start3A_184 = tpu.memref_slice %arg2[%multiple_of3A_178, %dma_start3A_183] : memref<3200000x16xf32, #tpu.memory_space<hbm>> -> memref<512x16xf32, #tpu.memory_space<hbm>>
    %dma_start3A_185 = arith.constant 0 : i32
    %dma_start3A_186 = arith.constant 0 : i32
    %dma_start3A_187 = tpu.memref_slice %arg8[%dma_start3A, %dma_start3A_185, %dma_start3A_186] : memref<2x512x16xf32, #tpu.memory_space<vmem>> -> memref<1x512x16xf32, #tpu.memory_space<vmem>>
    %dma_start3A_188 = tpu.memref_squeeze %dma_start3A_187 : memref<1x512x16xf32, #tpu.memory_space<vmem>> -> memref<512x16xf32, #tpu.memory_space<vmem>>
    %dma_start3A_189 = arith.constant 0 : i32
    %dma_start3A_190 = tpu.memref_slice %arg2[%multiple_of3A_178, %dma_start3A_189] : memref<3200000x16xf32, #tpu.memory_space<hbm>> -> memref<512x16xf32, #tpu.memory_space<hbm>>
    tpu.enqueue_dma source(%dma_start3A_190 : memref<512x16xf32, #tpu.memory_space<hbm>>) target(%dma_start3A_188 : memref<512x16xf32, #tpu.memory_space<vmem>>) target_semaphore(%arg13 : memref<!tpu.dma_semaphore, #tpu.memory_space<semaphore_mem>>)
    %dma_start3A_191 = arith.constant 0 : i32
    %dma_start3A_192 = arith.constant 0 : i32
    %dma_start3A_193 = tpu.memref_slice %arg9[%dma_start3A_191, %dma_start3A_192] : memref<2x512xi32, #tpu.memory_space<vmem>> -> memref<1x512xi32, #tpu.memory_space<vmem>>
    %dma_start3A_194 = tpu.memref_squeeze %dma_start3A_193 : memref<1x512xi32, #tpu.memory_space<vmem>> -> memref<512xi32, #tpu.memory_space<vmem>>
    %dma_start3A_195 = tpu.memref_slice %arg3[%arg0, %multiple_of3A_178] : memref<2x3200000xi32, #tpu.memory_space<hbm>> -> memref<1x512xi32, #tpu.memory_space<hbm>>
    %dma_start3A_196 = tpu.memref_squeeze %dma_start3A_195 : memref<1x512xi32, #tpu.memory_space<hbm>> -> memref<512xi32, #tpu.memory_space<hbm>>
    %dma_start3A_197 = arith.constant 0 : i32
    %dma_start3A_198 = tpu.memref_slice %arg9[%dma_start3A_191, %dma_start3A_197] : memref<2x512xi32, #tpu.memory_space<vmem>> -> memref<1x512xi32, #tpu.memory_space<vmem>>
    %dma_start3A_199 = tpu.memref_squeeze %dma_start3A_198 : memref<1x512xi32, #tpu.memory_space<vmem>> -> memref<512xi32, #tpu.memory_space<vmem>>
    %dma_start3A_200 = tpu.memref_slice %arg3[%arg0, %multiple_of3A_178] : memref<2x3200000xi32, #tpu.memory_space<hbm>> -> memref<1x512xi32, #tpu.memory_space<hbm>>
    %dma_start3A_201 = tpu.memref_squeeze %dma_start3A_200 : memref<1x512xi32, #tpu.memory_space<hbm>> -> memref<512xi32, #tpu.memory_space<hbm>>
    tpu.enqueue_dma source(%dma_start3A_201 : memref<512xi32, #tpu.memory_space<hbm>>) target(%dma_start3A_199 : memref<512xi32, #tpu.memory_space<vmem>>) target_semaphore(%arg13 : memref<!tpu.dma_semaphore, #tpu.memory_space<semaphore_mem>>)
    %scan3A_202 = arith.constant 0 : i32
    %scan3A_203 = arith.constant 0 : i32
    %scan3A_204 = arith.constant 196 : i32
    %scan3A_205 = arith.addi %scan3A_203, %scan3A_204 : i32
    %scan3A_206 = arith.constant 1 : i32
    scf.for %scan3A_251 = %scan3A_203 to %scan3A_205 step %scan3A_206  : i32 {
      %mul3A_252 = arith.constant 2 : i32
      %mul3A_253 = arith.muli %mul3A_252, %scan3A_251 : i32
      %add3A_254 = arith.constant 0 : i32
      %add3A_255 = arith.addi %mul3A_253, %add3A_254 : i32
      %lt3A_256 = arith.cmpi slt, %add3A_255, %select_n3A : i32
      %convert_element_type3A_257 = arith.extui %lt3A_256 : i1 to i32
      %cond3A_258 = arith.constant 0 : i32
      %cond3A_259 = arith.cmpi ne, %convert_element_type3A_257, %cond3A_258 : i32
      scf.if %cond3A_259 {
        %mul3A_268 = arith.constant 16 : i32
        %mul3A_269 = arith.muli %mul3A_268, %add3A_255 : i32
        %add3A_270 = arith.addi %arg1, %mul3A_269 : i32
        %mul3A_271 = arith.constant 512 : i32
        %mul3A_272 = arith.muli %add3A_270, %mul3A_271 : i32
        %multiple_of3A_273 = tpu.assume_multiple %mul3A_272, 512 : i32
        %dma_wait3A = arith.constant 0 : i32
        %dma_wait3A_274 = arith.constant 0 : i32
        %dma_wait3A_275 = arith.constant 0 : i32
        %dma_wait3A_276 = tpu.memref_slice %arg8[%dma_wait3A, %dma_wait3A_274, %dma_wait3A_275] : memref<2x512x16xf32, #tpu.memory_space<vmem>> -> memref<1x512x16xf32, #tpu.memory_space<vmem>>
        %dma_wait3A_277 = tpu.memref_squeeze %dma_wait3A_276 : memref<1x512x16xf32, #tpu.memory_space<vmem>> -> memref<512x16xf32, #tpu.memory_space<vmem>>
        %dma_wait3A_278 = arith.constant 0 : i32
        %dma_wait3A_279 = tpu.memref_slice %arg2[%multiple_of3A_273, %dma_wait3A_278] : memref<3200000x16xf32, #tpu.memory_space<hbm>> -> memref<512x16xf32, #tpu.memory_space<hbm>>
        %dma_wait3A_280 = arith.constant 0 : i32
        %dma_wait3A_281 = arith.constant 0 : i32
        %dma_wait3A_282 = tpu.memref_slice %arg8[%dma_wait3A, %dma_wait3A_280, %dma_wait3A_281] : memref<2x512x16xf32, #tpu.memory_space<vmem>> -> memref<1x512x16xf32, #tpu.memory_space<vmem>>
        %dma_wait3A_283 = tpu.memref_squeeze %dma_wait3A_282 : memref<1x512x16xf32, #tpu.memory_space<vmem>> -> memref<512x16xf32, #tpu.memory_space<vmem>>
        %dma_wait3A_284 = arith.constant 0 : i32
        %dma_wait3A_285 = tpu.memref_slice %arg2[%multiple_of3A_273, %dma_wait3A_284] : memref<3200000x16xf32, #tpu.memory_space<hbm>> -> memref<512x16xf32, #tpu.memory_space<hbm>>
        tpu.wait_dma2 semaphore(%arg13 : memref<!tpu.dma_semaphore, #tpu.memory_space<semaphore_mem>>) src(%dma_wait3A_285 : memref<512x16xf32, #tpu.memory_space<hbm>>) dst(%dma_wait3A_283 : memref<512x16xf32, #tpu.memory_space<vmem>>)
        %dma_wait3A_286 = arith.constant 0 : i32
        %dma_wait3A_287 = arith.constant 0 : i32
        %dma_wait3A_288 = tpu.memref_slice %arg9[%dma_wait3A_286, %dma_wait3A_287] : memref<2x512xi32, #tpu.memory_space<vmem>> -> memref<1x512xi32, #tpu.memory_space<vmem>>
        %dma_wait3A_289 = tpu.memref_squeeze %dma_wait3A_288 : memref<1x512xi32, #tpu.memory_space<vmem>> -> memref<512xi32, #tpu.memory_space<vmem>>
        %dma_wait3A_290 = tpu.memref_slice %arg3[%arg0, %multiple_of3A_273] : memref<2x3200000xi32, #tpu.memory_space<hbm>> -> memref<1x512xi32, #tpu.memory_space<hbm>>
        %dma_wait3A_291 = tpu.memref_squeeze %dma_wait3A_290 : memref<1x512xi32, #tpu.memory_space<hbm>> -> memref<512xi32, #tpu.memory_space<hbm>>
        %dma_wait3A_292 = arith.constant 0 : i32
        %dma_wait3A_293 = tpu.memref_slice %arg9[%dma_wait3A_286, %dma_wait3A_292] : memref<2x512xi32, #tpu.memory_space<vmem>> -> memref<1x512xi32, #tpu.memory_space<vmem>>
        %dma_wait3A_294 = tpu.memref_squeeze %dma_wait3A_293 : memref<1x512xi32, #tpu.memory_space<vmem>> -> memref<512xi32, #tpu.memory_space<vmem>>
        %dma_wait3A_295 = tpu.memref_slice %arg3[%arg0, %multiple_of3A_273] : memref<2x3200000xi32, #tpu.memory_space<hbm>> -> memref<1x512xi32, #tpu.memory_space<hbm>>
        %dma_wait3A_296 = tpu.memref_squeeze %dma_wait3A_295 : memref<1x512xi32, #tpu.memory_space<hbm>> -> memref<512xi32, #tpu.memory_space<hbm>>
        tpu.wait_dma2 semaphore(%arg13 : memref<!tpu.dma_semaphore, #tpu.memory_space<semaphore_mem>>) src(%dma_wait3A_296 : memref<512xi32, #tpu.memory_space<hbm>>) dst(%dma_wait3A_294 : memref<512xi32, #tpu.memory_space<vmem>>)
        %dma_start3A_297 = arith.constant 0 : i32
        %dma_start3A_298 = arith.constant 0 : i32
        %dma_start3A_299 = arith.constant 0 : i32
        %dma_start3A_300 = arith.constant 0 : i32
        %dma_start3A_301 = tpu.memref_slice %arg8[%dma_start3A_297, %dma_start3A_299, %dma_start3A_300] : memref<2x512x16xf32, #tpu.memory_space<vmem>> -> memref<1x512x16xf32, #tpu.memory_space<vmem>>
        %dma_start3A_302 = tpu.memref_squeeze %dma_start3A_301 : memref<1x512x16xf32, #tpu.memory_space<vmem>> -> memref<512x16xf32, #tpu.memory_space<vmem>>
        %dma_start3A_303 = arith.constant 0 : i32
        %dma_start3A_304 = tpu.memref_slice %arg9[%dma_start3A_298, %dma_start3A_303] : memref<2x512xi32, #tpu.memory_space<vmem>> -> memref<1x512xi32, #tpu.memory_space<vmem>>
        %dma_start3A_305 = tpu.memref_squeeze %dma_start3A_304 : memref<1x512xi32, #tpu.memory_space<vmem>> -> memref<512xi32, #tpu.memory_space<vmem>>
        %dma_start3A_306 = arith.constant 0 : i32
        %dma_start3A_307 = arith.constant 0 : i32
        %dma_start3A_308 = tpu.memref_slice %arg6[%dma_start3A_306, %dma_start3A_307] : memref<100352x16xf32, #tpu.memory_space<vmem_shared>> -> memref<100352x16xf32, #tpu.memory_space<vmem_shared>>
        tpu.enqueue_indirect_dma source(%dma_start3A_302 : memref<512x16xf32, #tpu.memory_space<vmem>>) target(%dma_start3A_308 : memref<100352x16xf32, #tpu.memory_space<vmem_shared>>) offsets(%dma_start3A_305 : memref<512xi32, #tpu.memory_space<vmem>>) semaphore(%arg15 : memref<!tpu.dma_semaphore, #tpu.memory_space<semaphore_mem>>) {add = true}
        %dma_start3A_309 = arith.constant 0 : i32
        %dma_start3A_310 = arith.constant 0 : i32
        %dma_start3A_311 = tpu.memref_slice %arg9[%dma_start3A_309, %dma_start3A_310] : memref<2x512xi32, #tpu.memory_space<vmem>> -> memref<1x512xi32, #tpu.memory_space<vmem>>
        %dma_start3A_312 = tpu.memref_squeeze %dma_start3A_311 : memref<1x512xi32, #tpu.memory_space<vmem>> -> memref<512xi32, #tpu.memory_space<vmem>>
        %dma_start3A_313 = arith.constant 0 : i32
        %dma_start3A_314 = tpu.memref_slice %arg7[%dma_start3A_313] : memref<100352xf32, #tpu.memory_space<vmem_shared>> -> memref<100352xf32, #tpu.memory_space<vmem_shared>>
        tpu.enqueue_indirect_dma source(%arg10 : memref<512xf32, #tpu.memory_space<vmem>>) target(%dma_start3A_314 : memref<100352xf32, #tpu.memory_space<vmem_shared>>) offsets(%dma_start3A_312 : memref<512xi32, #tpu.memory_space<vmem>>) semaphore(%arg15 : memref<!tpu.dma_semaphore, #tpu.memory_space<semaphore_mem>>) {add = true}
        %ge3A = arith.constant 1 : i32
        %ge3A_315 = arith.cmpi sge, %add3A_255, %ge3A : i32
        %convert_element_type3A_316 = arith.extui %ge3A_315 : i1 to i32
        %cond3A_317 = arith.constant 0 : i32
        %cond3A_318 = arith.cmpi ne, %convert_element_type3A_316, %cond3A_317 : i32
        scf.if %cond3A_318 {
          %dma_wait3A_325 = arith.constant 1 : i32
          %dma_wait3A_326 = arith.constant 1 : i32
          %dma_wait3A_327 = arith.constant 0 : i32
          %dma_wait3A_328 = arith.constant 0 : i32
          %dma_wait3A_329 = tpu.memref_slice %arg8[%dma_wait3A_325, %dma_wait3A_327, %dma_wait3A_328] : memref<2x512x16xf32, #tpu.memory_space<vmem>> -> memref<1x512x16xf32, #tpu.memory_space<vmem>>
          %dma_wait3A_330 = tpu.memref_squeeze %dma_wait3A_329 : memref<1x512x16xf32, #tpu.memory_space<vmem>> -> memref<512x16xf32, #tpu.memory_space<vmem>>
          %dma_wait3A_331 = arith.constant 0 : i32
          %dma_wait3A_332 = tpu.memref_slice %arg9[%dma_wait3A_326, %dma_wait3A_331] : memref<2x512xi32, #tpu.memory_space<vmem>> -> memref<1x512xi32, #tpu.memory_space<vmem>>
          %dma_wait3A_333 = tpu.memref_squeeze %dma_wait3A_332 : memref<1x512xi32, #tpu.memory_space<vmem>> -> memref<512xi32, #tpu.memory_space<vmem>>
          %dma_wait3A_334 = arith.constant 0 : i32
          %dma_wait3A_335 = arith.constant 0 : i32
          %dma_wait3A_336 = tpu.memref_slice %arg6[%dma_wait3A_334, %dma_wait3A_335] : memref<100352x16xf32, #tpu.memory_space<vmem_shared>> -> memref<100352x16xf32, #tpu.memory_space<vmem_shared>>
          tpu.wait_indirect_dma semaphore(%arg16 : memref<!tpu.dma_semaphore, #tpu.memory_space<semaphore_mem>>) src(%dma_wait3A_330 : memref<512x16xf32, #tpu.memory_space<vmem>>) dst(%dma_wait3A_336 : memref<100352x16xf32, #tpu.memory_space<vmem_shared>>)
          %dma_wait3A_337 = arith.constant 1 : i32
          %dma_wait3A_338 = arith.constant 0 : i32
          %dma_wait3A_339 = tpu.memref_slice %arg9[%dma_wait3A_337, %dma_wait3A_338] : memref<2x512xi32, #tpu.memory_space<vmem>> -> memref<1x512xi32, #tpu.memory_space<vmem>>
          %dma_wait3A_340 = tpu.memref_squeeze %dma_wait3A_339 : memref<1x512xi32, #tpu.memory_space<vmem>> -> memref<512xi32, #tpu.memory_space<vmem>>
          %dma_wait3A_341 = arith.constant 0 : i32
          %dma_wait3A_342 = tpu.memref_slice %arg7[%dma_wait3A_341] : memref<100352xf32, #tpu.memory_space<vmem_shared>> -> memref<100352xf32, #tpu.memory_space<vmem_shared>>
          tpu.wait_indirect_dma semaphore(%arg16 : memref<!tpu.dma_semaphore, #tpu.memory_space<semaphore_mem>>) src(%arg10 : memref<512xf32, #tpu.memory_space<vmem>>) dst(%dma_wait3A_342 : memref<100352xf32, #tpu.memory_space<vmem_shared>>)
        } else {
        }
        %add3A_319 = arith.constant 1 : i32
        %add3A_320 = arith.addi %add3A_255, %add3A_319 : i32
        %lt3A_321 = arith.cmpi slt, %add3A_320, %select_n3A : i32
        %convert_element_type3A_322 = arith.extui %lt3A_321 : i1 to i32
        %cond3A_323 = arith.constant 0 : i32
        %cond3A_324 = arith.cmpi ne, %convert_element_type3A_322, %cond3A_323 : i32
        scf.if %cond3A_324 {
          %add3A_325 = arith.constant 1 : i32
          %add3A_326 = arith.addi %add3A_255, %add3A_325 : i32
          %mul3A_327 = arith.constant 16 : i32
          %mul3A_328 = arith.muli %mul3A_327, %add3A_326 : i32
          %add3A_329 = arith.addi %arg1, %mul3A_328 : i32
          %mul3A_330 = arith.constant 512 : i32
          %mul3A_331 = arith.muli %add3A_329, %mul3A_330 : i32
          %multiple_of3A_332 = tpu.assume_multiple %mul3A_331, 512 : i32
          %dma_start3A_333 = arith.constant 1 : i32
          %dma_start3A_334 = arith.constant 0 : i32
          %dma_start3A_335 = arith.constant 0 : i32
          %dma_start3A_336 = tpu.memref_slice %arg8[%dma_start3A_333, %dma_start3A_334, %dma_start3A_335] : memref<2x512x16xf32, #tpu.memory_space<vmem>> -> memref<1x512x16xf32, #tpu.memory_space<vmem>>
          %dma_start3A_337 = tpu.memref_squeeze %dma_start3A_336 : memref<1x512x16xf32, #tpu.memory_space<vmem>> -> memref<512x16xf32, #tpu.memory_space<vmem>>
          %dma_start3A_338 = arith.constant 0 : i32
          %dma_start3A_339 = tpu.memref_slice %arg2[%multiple_of3A_332, %dma_start3A_338] : memref<3200000x16xf32, #tpu.memory_space<hbm>> -> memref<512x16xf32, #tpu.memory_space<hbm>>
          %dma_start3A_340 = arith.constant 0 : i32
          %dma_start3A_341 = arith.constant 0 : i32
          %dma_start3A_342 = tpu.memref_slice %arg8[%dma_start3A_333, %dma_start3A_340, %dma_start3A_341] : memref<2x512x16xf32, #tpu.memory_space<vmem>> -> memref<1x512x16xf32, #tpu.memory_space<vmem>>
          %dma_start3A_343 = tpu.memref_squeeze %dma_start3A_342 : memref<1x512x16xf32, #tpu.memory_space<vmem>> -> memref<512x16xf32, #tpu.memory_space<vmem>>
          %dma_start3A_344 = arith.constant 0 : i32
          %dma_start3A_345 = tpu.memref_slice %arg2[%multiple_of3A_332, %dma_start3A_344] : memref<3200000x16xf32, #tpu.memory_space<hbm>> -> memref<512x16xf32, #tpu.memory_space<hbm>>
          tpu.enqueue_dma source(%dma_start3A_345 : memref<512x16xf32, #tpu.memory_space<hbm>>) target(%dma_start3A_343 : memref<512x16xf32, #tpu.memory_space<vmem>>) target_semaphore(%arg14 : memref<!tpu.dma_semaphore, #tpu.memory_space<semaphore_mem>>)
          %dma_start3A_346 = arith.constant 1 : i32
          %dma_start3A_347 = arith.constant 0 : i32
          %dma_start3A_348 = tpu.memref_slice %arg9[%dma_start3A_346, %dma_start3A_347] : memref<2x512xi32, #tpu.memory_space<vmem>> -> memref<1x512xi32, #tpu.memory_space<vmem>>
          %dma_start3A_349 = tpu.memref_squeeze %dma_start3A_348 : memref<1x512xi32, #tpu.memory_space<vmem>> -> memref<512xi32, #tpu.memory_space<vmem>>
          %dma_start3A_350 = tpu.memref_slice %arg3[%arg0, %multiple_of3A_332] : memref<2x3200000xi32, #tpu.memory_space<hbm>> -> memref<1x512xi32, #tpu.memory_space<hbm>>
          %dma_start3A_351 = tpu.memref_squeeze %dma_start3A_350 : memref<1x512xi32, #tpu.memory_space<hbm>> -> memref<512xi32, #tpu.memory_space<hbm>>
          %dma_start3A_352 = arith.constant 0 : i32
          %dma_start3A_353 = tpu.memref_slice %arg9[%dma_start3A_346, %dma_start3A_352] : memref<2x512xi32, #tpu.memory_space<vmem>> -> memref<1x512xi32, #tpu.memory_space<vmem>>
          %dma_start3A_354 = tpu.memref_squeeze %dma_start3A_353 : memref<1x512xi32, #tpu.memory_space<vmem>> -> memref<512xi32, #tpu.memory_space<vmem>>
          %dma_start3A_355 = tpu.memref_slice %arg3[%arg0, %multiple_of3A_332] : memref<2x3200000xi32, #tpu.memory_space<hbm>> -> memref<1x512xi32, #tpu.memory_space<hbm>>
          %dma_start3A_356 = tpu.memref_squeeze %dma_start3A_355 : memref<1x512xi32, #tpu.memory_space<hbm>> -> memref<512xi32, #tpu.memory_space<hbm>>
          tpu.enqueue_dma source(%dma_start3A_356 : memref<512xi32, #tpu.memory_space<hbm>>) target(%dma_start3A_354 : memref<512xi32, #tpu.memory_space<vmem>>) target_semaphore(%arg14 : memref<!tpu.dma_semaphore, #tpu.memory_space<semaphore_mem>>)
        } else {
        }
      } else {
      }
      %mul3A_260 = arith.constant 2 : i32
      %mul3A_261 = arith.muli %mul3A_260, %scan3A_251 : i32
      %add3A_262 = arith.constant 1 : i32
      %add3A_263 = arith.addi %mul3A_261, %add3A_262 : i32
      %lt3A_264 = arith.cmpi slt, %add3A_263, %select_n3A : i32
      %convert_element_type3A_265 = arith.extui %lt3A_264 : i1 to i32
      %cond3A_266 = arith.constant 0 : i32
      %cond3A_267 = arith.cmpi ne, %convert_element_type3A_265, %cond3A_266 : i32
      scf.if %cond3A_267 {
        %mul3A_268 = arith.constant 16 : i32
        %mul3A_269 = arith.muli %mul3A_268, %add3A_263 : i32
        %add3A_270 = arith.addi %arg1, %mul3A_269 : i32
        %mul3A_271 = arith.constant 512 : i32
        %mul3A_272 = arith.muli %add3A_270, %mul3A_271 : i32
        %multiple_of3A_273 = tpu.assume_multiple %mul3A_272, 512 : i32
        %dma_wait3A = arith.constant 1 : i32
        %dma_wait3A_274 = arith.constant 0 : i32
        %dma_wait3A_275 = arith.constant 0 : i32
        %dma_wait3A_276 = tpu.memref_slice %arg8[%dma_wait3A, %dma_wait3A_274, %dma_wait3A_275] : memref<2x512x16xf32, #tpu.memory_space<vmem>> -> memref<1x512x16xf32, #tpu.memory_space<vmem>>
        %dma_wait3A_277 = tpu.memref_squeeze %dma_wait3A_276 : memref<1x512x16xf32, #tpu.memory_space<vmem>> -> memref<512x16xf32, #tpu.memory_space<vmem>>
        %dma_wait3A_278 = arith.constant 0 : i32
        %dma_wait3A_279 = tpu.memref_slice %arg2[%multiple_of3A_273, %dma_wait3A_278] : memref<3200000x16xf32, #tpu.memory_space<hbm>> -> memref<512x16xf32, #tpu.memory_space<hbm>>
        %dma_wait3A_280 = arith.constant 0 : i32
        %dma_wait3A_281 = arith.constant 0 : i32
        %dma_wait3A_282 = tpu.memref_slice %arg8[%dma_wait3A, %dma_wait3A_280, %dma_wait3A_281] : memref<2x512x16xf32, #tpu.memory_space<vmem>> -> memref<1x512x16xf32, #tpu.memory_space<vmem>>
        %dma_wait3A_283 = tpu.memref_squeeze %dma_wait3A_282 : memref<1x512x16xf32, #tpu.memory_space<vmem>> -> memref<512x16xf32, #tpu.memory_space<vmem>>
        %dma_wait3A_284 = arith.constant 0 : i32
        %dma_wait3A_285 = tpu.memref_slice %arg2[%multiple_of3A_273, %dma_wait3A_284] : memref<3200000x16xf32, #tpu.memory_space<hbm>> -> memref<512x16xf32, #tpu.memory_space<hbm>>
        tpu.wait_dma2 semaphore(%arg14 : memref<!tpu.dma_semaphore, #tpu.memory_space<semaphore_mem>>) src(%dma_wait3A_285 : memref<512x16xf32, #tpu.memory_space<hbm>>) dst(%dma_wait3A_283 : memref<512x16xf32, #tpu.memory_space<vmem>>)
        %dma_wait3A_286 = arith.constant 1 : i32
        %dma_wait3A_287 = arith.constant 0 : i32
        %dma_wait3A_288 = tpu.memref_slice %arg9[%dma_wait3A_286, %dma_wait3A_287] : memref<2x512xi32, #tpu.memory_space<vmem>> -> memref<1x512xi32, #tpu.memory_space<vmem>>
        %dma_wait3A_289 = tpu.memref_squeeze %dma_wait3A_288 : memref<1x512xi32, #tpu.memory_space<vmem>> -> memref<512xi32, #tpu.memory_space<vmem>>
        %dma_wait3A_290 = tpu.memref_slice %arg3[%arg0, %multiple_of3A_273] : memref<2x3200000xi32, #tpu.memory_space<hbm>> -> memref<1x512xi32, #tpu.memory_space<hbm>>
        %dma_wait3A_291 = tpu.memref_squeeze %dma_wait3A_290 : memref<1x512xi32, #tpu.memory_space<hbm>> -> memref<512xi32, #tpu.memory_space<hbm>>
        %dma_wait3A_292 = arith.constant 0 : i32
        %dma_wait3A_293 = tpu.memref_slice %arg9[%dma_wait3A_286, %dma_wait3A_292] : memref<2x512xi32, #tpu.memory_space<vmem>> -> memref<1x512xi32, #tpu.memory_space<vmem>>
        %dma_wait3A_294 = tpu.memref_squeeze %dma_wait3A_293 : memref<1x512xi32, #tpu.memory_space<vmem>> -> memref<512xi32, #tpu.memory_space<vmem>>
        %dma_wait3A_295 = tpu.memref_slice %arg3[%arg0, %multiple_of3A_273] : memref<2x3200000xi32, #tpu.memory_space<hbm>> -> memref<1x512xi32, #tpu.memory_space<hbm>>
        %dma_wait3A_296 = tpu.memref_squeeze %dma_wait3A_295 : memref<1x512xi32, #tpu.memory_space<hbm>> -> memref<512xi32, #tpu.memory_space<hbm>>
        tpu.wait_dma2 semaphore(%arg14 : memref<!tpu.dma_semaphore, #tpu.memory_space<semaphore_mem>>) src(%dma_wait3A_296 : memref<512xi32, #tpu.memory_space<hbm>>) dst(%dma_wait3A_294 : memref<512xi32, #tpu.memory_space<vmem>>)
        %dma_start3A_297 = arith.constant 1 : i32
        %dma_start3A_298 = arith.constant 1 : i32
        %dma_start3A_299 = arith.constant 0 : i32
        %dma_start3A_300 = arith.constant 0 : i32
        %dma_start3A_301 = tpu.memref_slice %arg8[%dma_start3A_297, %dma_start3A_299, %dma_start3A_300] : memref<2x512x16xf32, #tpu.memory_space<vmem>> -> memref<1x512x16xf32, #tpu.memory_space<vmem>>
        %dma_start3A_302 = tpu.memref_squeeze %dma_start3A_301 : memref<1x512x16xf32, #tpu.memory_space<vmem>> -> memref<512x16xf32, #tpu.memory_space<vmem>>
        %dma_start3A_303 = arith.constant 0 : i32
        %dma_start3A_304 = tpu.memref_slice %arg9[%dma_start3A_298, %dma_start3A_303] : memref<2x512xi32, #tpu.memory_space<vmem>> -> memref<1x512xi32, #tpu.memory_space<vmem>>
        %dma_start3A_305 = tpu.memref_squeeze %dma_start3A_304 : memref<1x512xi32, #tpu.memory_space<vmem>> -> memref<512xi32, #tpu.memory_space<vmem>>
        %dma_start3A_306 = arith.constant 0 : i32
        %dma_start3A_307 = arith.constant 0 : i32
        %dma_start3A_308 = tpu.memref_slice %arg6[%dma_start3A_306, %dma_start3A_307] : memref<100352x16xf32, #tpu.memory_space<vmem_shared>> -> memref<100352x16xf32, #tpu.memory_space<vmem_shared>>
        tpu.enqueue_indirect_dma source(%dma_start3A_302 : memref<512x16xf32, #tpu.memory_space<vmem>>) target(%dma_start3A_308 : memref<100352x16xf32, #tpu.memory_space<vmem_shared>>) offsets(%dma_start3A_305 : memref<512xi32, #tpu.memory_space<vmem>>) semaphore(%arg16 : memref<!tpu.dma_semaphore, #tpu.memory_space<semaphore_mem>>) {add = true}
        %dma_start3A_309 = arith.constant 1 : i32
        %dma_start3A_310 = arith.constant 0 : i32
        %dma_start3A_311 = tpu.memref_slice %arg9[%dma_start3A_309, %dma_start3A_310] : memref<2x512xi32, #tpu.memory_space<vmem>> -> memref<1x512xi32, #tpu.memory_space<vmem>>
        %dma_start3A_312 = tpu.memref_squeeze %dma_start3A_311 : memref<1x512xi32, #tpu.memory_space<vmem>> -> memref<512xi32, #tpu.memory_space<vmem>>
        %dma_start3A_313 = arith.constant 0 : i32
        %dma_start3A_314 = tpu.memref_slice %arg7[%dma_start3A_313] : memref<100352xf32, #tpu.memory_space<vmem_shared>> -> memref<100352xf32, #tpu.memory_space<vmem_shared>>
        tpu.enqueue_indirect_dma source(%arg10 : memref<512xf32, #tpu.memory_space<vmem>>) target(%dma_start3A_314 : memref<100352xf32, #tpu.memory_space<vmem_shared>>) offsets(%dma_start3A_312 : memref<512xi32, #tpu.memory_space<vmem>>) semaphore(%arg16 : memref<!tpu.dma_semaphore, #tpu.memory_space<semaphore_mem>>) {add = true}
        %ge3A = arith.constant 1 : i32
        %ge3A_315 = arith.cmpi sge, %add3A_263, %ge3A : i32
        %convert_element_type3A_316 = arith.extui %ge3A_315 : i1 to i32
        %cond3A_317 = arith.constant 0 : i32
        %cond3A_318 = arith.cmpi ne, %convert_element_type3A_316, %cond3A_317 : i32
        scf.if %cond3A_318 {
          %dma_wait3A_325 = arith.constant 0 : i32
          %dma_wait3A_326 = arith.constant 0 : i32
          %dma_wait3A_327 = arith.constant 0 : i32
          %dma_wait3A_328 = arith.constant 0 : i32
          %dma_wait3A_329 = tpu.memref_slice %arg8[%dma_wait3A_325, %dma_wait3A_327, %dma_wait3A_328] : memref<2x512x16xf32, #tpu.memory_space<vmem>> -> memref<1x512x16xf32, #tpu.memory_space<vmem>>
          %dma_wait3A_330 = tpu.memref_squeeze %dma_wait3A_329 : memref<1x512x16xf32, #tpu.memory_space<vmem>> -> memref<512x16xf32, #tpu.memory_space<vmem>>
          %dma_wait3A_331 = arith.constant 0 : i32
          %dma_wait3A_332 = tpu.memref_slice %arg9[%dma_wait3A_326, %dma_wait3A_331] : memref<2x512xi32, #tpu.memory_space<vmem>> -> memref<1x512xi32, #tpu.memory_space<vmem>>
          %dma_wait3A_333 = tpu.memref_squeeze %dma_wait3A_332 : memref<1x512xi32, #tpu.memory_space<vmem>> -> memref<512xi32, #tpu.memory_space<vmem>>
          %dma_wait3A_334 = arith.constant 0 : i32
          %dma_wait3A_335 = arith.constant 0 : i32
          %dma_wait3A_336 = tpu.memref_slice %arg6[%dma_wait3A_334, %dma_wait3A_335] : memref<100352x16xf32, #tpu.memory_space<vmem_shared>> -> memref<100352x16xf32, #tpu.memory_space<vmem_shared>>
          tpu.wait_indirect_dma semaphore(%arg15 : memref<!tpu.dma_semaphore, #tpu.memory_space<semaphore_mem>>) src(%dma_wait3A_330 : memref<512x16xf32, #tpu.memory_space<vmem>>) dst(%dma_wait3A_336 : memref<100352x16xf32, #tpu.memory_space<vmem_shared>>)
          %dma_wait3A_337 = arith.constant 0 : i32
          %dma_wait3A_338 = arith.constant 0 : i32
          %dma_wait3A_339 = tpu.memref_slice %arg9[%dma_wait3A_337, %dma_wait3A_338] : memref<2x512xi32, #tpu.memory_space<vmem>> -> memref<1x512xi32, #tpu.memory_space<vmem>>
          %dma_wait3A_340 = tpu.memref_squeeze %dma_wait3A_339 : memref<1x512xi32, #tpu.memory_space<vmem>> -> memref<512xi32, #tpu.memory_space<vmem>>
          %dma_wait3A_341 = arith.constant 0 : i32
          %dma_wait3A_342 = tpu.memref_slice %arg7[%dma_wait3A_341] : memref<100352xf32, #tpu.memory_space<vmem_shared>> -> memref<100352xf32, #tpu.memory_space<vmem_shared>>
          tpu.wait_indirect_dma semaphore(%arg15 : memref<!tpu.dma_semaphore, #tpu.memory_space<semaphore_mem>>) src(%arg10 : memref<512xf32, #tpu.memory_space<vmem>>) dst(%dma_wait3A_342 : memref<100352xf32, #tpu.memory_space<vmem_shared>>)
        } else {
        }
        %add3A_319 = arith.constant 1 : i32
        %add3A_320 = arith.addi %add3A_263, %add3A_319 : i32
        %lt3A_321 = arith.cmpi slt, %add3A_320, %select_n3A : i32
        %convert_element_type3A_322 = arith.extui %lt3A_321 : i1 to i32
        %cond3A_323 = arith.constant 0 : i32
        %cond3A_324 = arith.cmpi ne, %convert_element_type3A_322, %cond3A_323 : i32
        scf.if %cond3A_324 {
          %add3A_325 = arith.constant 1 : i32
          %add3A_326 = arith.addi %add3A_263, %add3A_325 : i32
          %mul3A_327 = arith.constant 16 : i32
          %mul3A_328 = arith.muli %mul3A_327, %add3A_326 : i32
          %add3A_329 = arith.addi %arg1, %mul3A_328 : i32
          %mul3A_330 = arith.constant 512 : i32
          %mul3A_331 = arith.muli %add3A_329, %mul3A_330 : i32
          %multiple_of3A_332 = tpu.assume_multiple %mul3A_331, 512 : i32
          %dma_start3A_333 = arith.constant 0 : i32
          %dma_start3A_334 = arith.constant 0 : i32
          %dma_start3A_335 = arith.constant 0 : i32
          %dma_start3A_336 = tpu.memref_slice %arg8[%dma_start3A_333, %dma_start3A_334, %dma_start3A_335] : memref<2x512x16xf32, #tpu.memory_space<vmem>> -> memref<1x512x16xf32, #tpu.memory_space<vmem>>
          %dma_start3A_337 = tpu.memref_squeeze %dma_start3A_336 : memref<1x512x16xf32, #tpu.memory_space<vmem>> -> memref<512x16xf32, #tpu.memory_space<vmem>>
          %dma_start3A_338 = arith.constant 0 : i32
          %dma_start3A_339 = tpu.memref_slice %arg2[%multiple_of3A_332, %dma_start3A_338] : memref<3200000x16xf32, #tpu.memory_space<hbm>> -> memref<512x16xf32, #tpu.memory_space<hbm>>
          %dma_start3A_340 = arith.constant 0 : i32
          %dma_start3A_341 = arith.constant 0 : i32
          %dma_start3A_342 = tpu.memref_slice %arg8[%dma_start3A_333, %dma_start3A_340, %dma_start3A_341] : memref<2x512x16xf32, #tpu.memory_space<vmem>> -> memref<1x512x16xf32, #tpu.memory_space<vmem>>
          %dma_start3A_343 = tpu.memref_squeeze %dma_start3A_342 : memref<1x512x16xf32, #tpu.memory_space<vmem>> -> memref<512x16xf32, #tpu.memory_space<vmem>>
          %dma_start3A_344 = arith.constant 0 : i32
          %dma_start3A_345 = tpu.memref_slice %arg2[%multiple_of3A_332, %dma_start3A_344] : memref<3200000x16xf32, #tpu.memory_space<hbm>> -> memref<512x16xf32, #tpu.memory_space<hbm>>
          tpu.enqueue_dma source(%dma_start3A_345 : memref<512x16xf32, #tpu.memory_space<hbm>>) target(%dma_start3A_343 : memref<512x16xf32, #tpu.memory_space<vmem>>) target_semaphore(%arg13 : memref<!tpu.dma_semaphore, #tpu.memory_space<semaphore_mem>>)
          %dma_start3A_346 = arith.constant 0 : i32
          %dma_start3A_347 = arith.constant 0 : i32
          %dma_start3A_348 = tpu.memref_slice %arg9[%dma_start3A_346, %dma_start3A_347] : memref<2x512xi32, #tpu.memory_space<vmem>> -> memref<1x512xi32, #tpu.memory_space<vmem>>
          %dma_start3A_349 = tpu.memref_squeeze %dma_start3A_348 : memref<1x512xi32, #tpu.memory_space<vmem>> -> memref<512xi32, #tpu.memory_space<vmem>>
          %dma_start3A_350 = tpu.memref_slice %arg3[%arg0, %multiple_of3A_332] : memref<2x3200000xi32, #tpu.memory_space<hbm>> -> memref<1x512xi32, #tpu.memory_space<hbm>>
          %dma_start3A_351 = tpu.memref_squeeze %dma_start3A_350 : memref<1x512xi32, #tpu.memory_space<hbm>> -> memref<512xi32, #tpu.memory_space<hbm>>
          %dma_start3A_352 = arith.constant 0 : i32
          %dma_start3A_353 = tpu.memref_slice %arg9[%dma_start3A_346, %dma_start3A_352] : memref<2x512xi32, #tpu.memory_space<vmem>> -> memref<1x512xi32, #tpu.memory_space<vmem>>
          %dma_start3A_354 = tpu.memref_squeeze %dma_start3A_353 : memref<1x512xi32, #tpu.memory_space<vmem>> -> memref<512xi32, #tpu.memory_space<vmem>>
          %dma_start3A_355 = tpu.memref_slice %arg3[%arg0, %multiple_of3A_332] : memref<2x3200000xi32, #tpu.memory_space<hbm>> -> memref<1x512xi32, #tpu.memory_space<hbm>>
          %dma_start3A_356 = tpu.memref_squeeze %dma_start3A_355 : memref<1x512xi32, #tpu.memory_space<hbm>> -> memref<512xi32, #tpu.memory_space<hbm>>
          tpu.enqueue_dma source(%dma_start3A_356 : memref<512xi32, #tpu.memory_space<hbm>>) target(%dma_start3A_354 : memref<512xi32, #tpu.memory_space<vmem>>) target_semaphore(%arg13 : memref<!tpu.dma_semaphore, #tpu.memory_space<semaphore_mem>>)
        } else {
        }
      } else {
      }
    }
    %scan3A_207 = arith.constant 196 : i32
    %sub3A_208 = arith.constant 1 : i32
    %sub3A_209 = arith.subi %select_n3A, %sub3A_208 : i32
    %jit3A_210 = arith.constant 2 : i32
    %eq3A = arith.constant 0 : i32
    %eq3A_211 = arith.cmpi eq, %jit3A_210, %eq3A : i32
    %jit3A_212 = arith.constant 1 : i32
    %select_n3A_213 = arith.select %eq3A_211, %jit3A_212, %jit3A_210 : i32
    %rem3A_214 = arith.remsi %sub3A_209, %select_n3A_213 : i32
    %ne3A_215 = arith.constant 0 : i32
    %ne3A_216 = arith.cmpi ne, %rem3A_214, %ne3A_215 : i32
    %lt3A = arith.constant 0 : i32
    %lt3A_217 = arith.cmpi slt, %rem3A_214, %lt3A : i32
    %lt3A_218 = arith.constant 0 : i32
    %lt3A_219 = arith.cmpi slt, %select_n3A_213, %lt3A_218 : i32
    %ne3A_220 = arith.xori %lt3A_217, %lt3A_219 : i1
    %and3A_221 = arith.andi %ne3A_220, %ne3A_216 : i1
    %add3A_222 = arith.addi %rem3A_214, %select_n3A_213 : i32
    %select_n3A_223 = arith.select %and3A_221, %add3A_222, %rem3A_214 : i32
    %eq3A_224 = arith.constant 0 : i32
    %eq3A_225 = arith.cmpi eq, %select_n3A_223, %eq3A_224 : i32
    %convert_element_type3A = arith.extui %eq3A_225 : i1 to i32
    %cond3A = arith.constant 0 : i32
    %cond3A_226 = arith.cmpi ne, %convert_element_type3A, %cond3A : i32
    scf.if %cond3A_226 {
      %dma_wait3A = arith.constant 0 : i32
      %dma_wait3A_251 = arith.constant 0 : i32
      %dma_wait3A_252 = arith.constant 0 : i32
      %dma_wait3A_253 = arith.constant 0 : i32
      %dma_wait3A_254 = tpu.memref_slice %arg8[%dma_wait3A, %dma_wait3A_252, %dma_wait3A_253] : memref<2x512x16xf32, #tpu.memory_space<vmem>> -> memref<1x512x16xf32, #tpu.memory_space<vmem>>
      %dma_wait3A_255 = tpu.memref_squeeze %dma_wait3A_254 : memref<1x512x16xf32, #tpu.memory_space<vmem>> -> memref<512x16xf32, #tpu.memory_space<vmem>>
      %dma_wait3A_256 = arith.constant 0 : i32
      %dma_wait3A_257 = tpu.memref_slice %arg9[%dma_wait3A_251, %dma_wait3A_256] : memref<2x512xi32, #tpu.memory_space<vmem>> -> memref<1x512xi32, #tpu.memory_space<vmem>>
      %dma_wait3A_258 = tpu.memref_squeeze %dma_wait3A_257 : memref<1x512xi32, #tpu.memory_space<vmem>> -> memref<512xi32, #tpu.memory_space<vmem>>
      %dma_wait3A_259 = arith.constant 0 : i32
      %dma_wait3A_260 = arith.constant 0 : i32
      %dma_wait3A_261 = tpu.memref_slice %arg6[%dma_wait3A_259, %dma_wait3A_260] : memref<100352x16xf32, #tpu.memory_space<vmem_shared>> -> memref<100352x16xf32, #tpu.memory_space<vmem_shared>>
      tpu.wait_indirect_dma semaphore(%arg15 : memref<!tpu.dma_semaphore, #tpu.memory_space<semaphore_mem>>) src(%dma_wait3A_255 : memref<512x16xf32, #tpu.memory_space<vmem>>) dst(%dma_wait3A_261 : memref<100352x16xf32, #tpu.memory_space<vmem_shared>>)
      %dma_wait3A_262 = arith.constant 0 : i32
      %dma_wait3A_263 = arith.constant 0 : i32
      %dma_wait3A_264 = tpu.memref_slice %arg9[%dma_wait3A_262, %dma_wait3A_263] : memref<2x512xi32, #tpu.memory_space<vmem>> -> memref<1x512xi32, #tpu.memory_space<vmem>>
      %dma_wait3A_265 = tpu.memref_squeeze %dma_wait3A_264 : memref<1x512xi32, #tpu.memory_space<vmem>> -> memref<512xi32, #tpu.memory_space<vmem>>
      %dma_wait3A_266 = arith.constant 0 : i32
      %dma_wait3A_267 = tpu.memref_slice %arg7[%dma_wait3A_266] : memref<100352xf32, #tpu.memory_space<vmem_shared>> -> memref<100352xf32, #tpu.memory_space<vmem_shared>>
      tpu.wait_indirect_dma semaphore(%arg15 : memref<!tpu.dma_semaphore, #tpu.memory_space<semaphore_mem>>) src(%arg10 : memref<512xf32, #tpu.memory_space<vmem>>) dst(%dma_wait3A_267 : memref<100352xf32, #tpu.memory_space<vmem_shared>>)
    } else {
    }
    %sub3A_227 = arith.constant 1 : i32
    %sub3A_228 = arith.subi %select_n3A, %sub3A_227 : i32
    %jit3A_229 = arith.constant 2 : i32
    %eq3A_230 = arith.constant 0 : i32
    %eq3A_231 = arith.cmpi eq, %jit3A_229, %eq3A_230 : i32
    %jit3A_232 = arith.constant 1 : i32
    %select_n3A_233 = arith.select %eq3A_231, %jit3A_232, %jit3A_229 : i32
    %rem3A_234 = arith.remsi %sub3A_228, %select_n3A_233 : i32
    %ne3A_235 = arith.constant 0 : i32
    %ne3A_236 = arith.cmpi ne, %rem3A_234, %ne3A_235 : i32
    %lt3A_237 = arith.constant 0 : i32
    %lt3A_238 = arith.cmpi slt, %rem3A_234, %lt3A_237 : i32
    %lt3A_239 = arith.constant 0 : i32
    %lt3A_240 = arith.cmpi slt, %select_n3A_233, %lt3A_239 : i32
    %ne3A_241 = arith.xori %lt3A_238, %lt3A_240 : i1
    %and3A_242 = arith.andi %ne3A_241, %ne3A_236 : i1
    %add3A_243 = arith.addi %rem3A_234, %select_n3A_233 : i32
    %select_n3A_244 = arith.select %and3A_242, %add3A_243, %rem3A_234 : i32
    %eq3A_245 = arith.constant 1 : i32
    %eq3A_246 = arith.cmpi eq, %select_n3A_244, %eq3A_245 : i32
    %convert_element_type3A_247 = arith.extui %eq3A_246 : i1 to i32
    %cond3A_248 = arith.constant 0 : i32
    %cond3A_249 = arith.cmpi ne, %convert_element_type3A_247, %cond3A_248 : i32
    scf.if %cond3A_249 {
      %dma_wait3A = arith.constant 1 : i32
      %dma_wait3A_251 = arith.constant 1 : i32
      %dma_wait3A_252 = arith.constant 0 : i32
      %dma_wait3A_253 = arith.constant 0 : i32
      %dma_wait3A_254 = tpu.memref_slice %arg8[%dma_wait3A, %dma_wait3A_252, %dma_wait3A_253] : memref<2x512x16xf32, #tpu.memory_space<vmem>> -> memref<1x512x16xf32, #tpu.memory_space<vmem>>
      %dma_wait3A_255 = tpu.memref_squeeze %dma_wait3A_254 : memref<1x512x16xf32, #tpu.memory_space<vmem>> -> memref<512x16xf32, #tpu.memory_space<vmem>>
      %dma_wait3A_256 = arith.constant 0 : i32
      %dma_wait3A_257 = tpu.memref_slice %arg9[%dma_wait3A_251, %dma_wait3A_256] : memref<2x512xi32, #tpu.memory_space<vmem>> -> memref<1x512xi32, #tpu.memory_space<vmem>>
      %dma_wait3A_258 = tpu.memref_squeeze %dma_wait3A_257 : memref<1x512xi32, #tpu.memory_space<vmem>> -> memref<512xi32, #tpu.memory_space<vmem>>
      %dma_wait3A_259 = arith.constant 0 : i32
      %dma_wait3A_260 = arith.constant 0 : i32
      %dma_wait3A_261 = tpu.memref_slice %arg6[%dma_wait3A_259, %dma_wait3A_260] : memref<100352x16xf32, #tpu.memory_space<vmem_shared>> -> memref<100352x16xf32, #tpu.memory_space<vmem_shared>>
      tpu.wait_indirect_dma semaphore(%arg16 : memref<!tpu.dma_semaphore, #tpu.memory_space<semaphore_mem>>) src(%dma_wait3A_255 : memref<512x16xf32, #tpu.memory_space<vmem>>) dst(%dma_wait3A_261 : memref<100352x16xf32, #tpu.memory_space<vmem_shared>>)
      %dma_wait3A_262 = arith.constant 1 : i32
      %dma_wait3A_263 = arith.constant 0 : i32
      %dma_wait3A_264 = tpu.memref_slice %arg9[%dma_wait3A_262, %dma_wait3A_263] : memref<2x512xi32, #tpu.memory_space<vmem>> -> memref<1x512xi32, #tpu.memory_space<vmem>>
      %dma_wait3A_265 = tpu.memref_squeeze %dma_wait3A_264 : memref<1x512xi32, #tpu.memory_space<vmem>> -> memref<512xi32, #tpu.memory_space<vmem>>
      %dma_wait3A_266 = arith.constant 0 : i32
      %dma_wait3A_267 = tpu.memref_slice %arg7[%dma_wait3A_266] : memref<100352xf32, #tpu.memory_space<vmem_shared>> -> memref<100352xf32, #tpu.memory_space<vmem_shared>>
      tpu.wait_indirect_dma semaphore(%arg16 : memref<!tpu.dma_semaphore, #tpu.memory_space<semaphore_mem>>) src(%arg10 : memref<512xf32, #tpu.memory_space<vmem>>) dst(%dma_wait3A_267 : memref<100352xf32, #tpu.memory_space<vmem_shared>>)
    } else {
    }
    %barrier3A_250 = arith.constant 0 : index
    tpu.barrier barrier_id(%barrier3A_250)
    "tpu.region"() ({
      %run_scoped3A = tpu.sem_alloc : memref<!tpu.dma_semaphore, #tpu.memory_space<semaphore_mem>>
      %dma_start3A_251 = arith.constant 0 : i32
      %dma_start3A_252 = tpu.memref_slice %arg4[%arg0, %multiple_of3A, %dma_start3A_251] : memref<2x100352x16xf32, #tpu.memory_space<hbm>> -> memref<1x6272x16xf32, #tpu.memory_space<hbm>>
      %dma_start3A_253 = tpu.memref_squeeze %dma_start3A_252 : memref<1x6272x16xf32, #tpu.memory_space<hbm>> -> memref<6272x16xf32, #tpu.memory_space<hbm>>
      %dma_start3A_254 = arith.constant 0 : i32
      %dma_start3A_255 = tpu.memref_slice %arg6[%multiple_of3A, %dma_start3A_254] : memref<100352x16xf32, #tpu.memory_space<vmem_shared>> -> memref<6272x16xf32, #tpu.memory_space<vmem_shared>>
      tpu.enqueue_dma source(%dma_start3A_255 : memref<6272x16xf32, #tpu.memory_space<vmem_shared>>) target(%dma_start3A_253 : memref<6272x16xf32, #tpu.memory_space<hbm>>) target_semaphore(%run_scoped3A : memref<!tpu.dma_semaphore, #tpu.memory_space<semaphore_mem>>)
      %dma_wait3A = arith.constant 0 : i32
      %dma_wait3A_256 = tpu.memref_slice %arg4[%arg0, %multiple_of3A, %dma_wait3A] : memref<2x100352x16xf32, #tpu.memory_space<hbm>> -> memref<1x6272x16xf32, #tpu.memory_space<hbm>>
      %dma_wait3A_257 = tpu.memref_squeeze %dma_wait3A_256 : memref<1x6272x16xf32, #tpu.memory_space<hbm>> -> memref<6272x16xf32, #tpu.memory_space<hbm>>
      %dma_wait3A_258 = arith.constant 0 : i32
      %dma_wait3A_259 = tpu.memref_slice %arg6[%multiple_of3A, %dma_wait3A_258] : memref<100352x16xf32, #tpu.memory_space<vmem_shared>> -> memref<6272x16xf32, #tpu.memory_space<vmem_shared>>
      tpu.wait_dma2 semaphore(%run_scoped3A : memref<!tpu.dma_semaphore, #tpu.memory_space<semaphore_mem>>) src(%dma_wait3A_259 : memref<6272x16xf32, #tpu.memory_space<vmem_shared>>) dst(%dma_wait3A_257 : memref<6272x16xf32, #tpu.memory_space<hbm>>)
      tpu.yield
    }) : () -> ()
    "tpu.region"() ({
      %run_scoped3A = tpu.sem_alloc : memref<!tpu.dma_semaphore, #tpu.memory_space<semaphore_mem>>
      %dma_start3A_251 = arith.constant 0 : i32
      %dma_start3A_252 = tpu.memref_slice %arg5[%arg0, %arg1, %dma_start3A_251] : memref<2x16x6272xf32, #tpu.memory_space<hbm>> -> memref<1x1x6272xf32, #tpu.memory_space<hbm>>
      %dma_start3A_253 = tpu.memref_squeeze %dma_start3A_252 : memref<1x1x6272xf32, #tpu.memory_space<hbm>> -> memref<6272xf32, #tpu.memory_space<hbm>>
      %dma_start3A_254 = tpu.memref_slice %arg7[%multiple_of3A] : memref<100352xf32, #tpu.memory_space<vmem_shared>> -> memref<6272xf32, #tpu.memory_space<vmem_shared>>
      tpu.enqueue_dma source(%dma_start3A_254 : memref<6272xf32, #tpu.memory_space<vmem_shared>>) target(%dma_start3A_253 : memref<6272xf32, #tpu.memory_space<hbm>>) target_semaphore(%run_scoped3A : memref<!tpu.dma_semaphore, #tpu.memory_space<semaphore_mem>>)
      %dma_wait3A = arith.constant 0 : i32
      %dma_wait3A_255 = tpu.memref_slice %arg5[%arg0, %arg1, %dma_wait3A] : memref<2x16x6272xf32, #tpu.memory_space<hbm>> -> memref<1x1x6272xf32, #tpu.memory_space<hbm>>
      %dma_wait3A_256 = tpu.memref_squeeze %dma_wait3A_255 : memref<1x1x6272xf32, #tpu.memory_space<hbm>> -> memref<6272xf32, #tpu.memory_space<hbm>>
      %dma_wait3A_257 = tpu.memref_slice %arg7[%multiple_of3A] : memref<100352xf32, #tpu.memory_space<vmem_shared>> -> memref<6272xf32, #tpu.memory_space<vmem_shared>>
      tpu.wait_dma2 semaphore(%run_scoped3A : memref<!tpu.dma_semaphore, #tpu.memory_space<semaphore_mem>>) src(%dma_wait3A_257 : memref<6272xf32, #tpu.memory_space<vmem_shared>>) dst(%dma_wait3A_256 : memref<6272xf32, #tpu.memory_space<hbm>>)
      tpu.yield
    }) : () -> ()
    return
  }
}

module attributes {stable_mosaic.version = 14 : i64} {
  func.func @_mlp_body(%arg0: i32, %arg1: memref<2x1000x16xf32, #tpu.memory_space<vmem>>, %arg2: memref<2x1000x1xf32, #tpu.memory_space<vmem>>, %arg3: memref<32x16xf32, #tpu.memory_space<vmem>>, %arg4: memref<1x16xf32, #tpu.memory_space<vmem>>, %arg5: memref<16x128xf32, #tpu.memory_space<vmem>>, %arg6: memref<1x128xf32, #tpu.memory_space<vmem>>, %arg7: memref<1000x128xf32, #tpu.memory_space<vmem>>) attributes {dimension_semantics = [#tpu.dimension_semantics<arbitrary>], iteration_bounds = array<i64: 100>, scalar_prefetch = 0 : i64, scratch_operands = 0 : i64, tpu.core_type = #tpu.core_type<tc>, window_params = [{transform_indices = @transform_0, window_bounds = array<i64: 2, 1000, 16>}, {transform_indices = @transform_1, window_bounds = array<i64: 2, 1000, 1>}, {pipeline_mode = #tpu.pipeline_mode<synchronous>, transform_indices = @transform_2, window_bounds = array<i64: 32, 16>}, {pipeline_mode = #tpu.pipeline_mode<synchronous>, transform_indices = @transform_3, window_bounds = array<i64: 1, 16>}, {pipeline_mode = #tpu.pipeline_mode<synchronous>, transform_indices = @transform_4, window_bounds = array<i64: 16, 128>}, {pipeline_mode = #tpu.pipeline_mode<synchronous>, transform_indices = @transform_5, window_bounds = array<i64: 1, 128>}, {transform_indices = @transform_6, window_bounds = array<i64: 1000, 128>}]} {
    %get3A = arith.constant 0 : index
    %get3A_0 = arith.constant 0 : index
    %get3A_1 = arith.constant 0 : index
    %get3A_2 = vector.load %arg1[%get3A, %get3A_0, %get3A_1] : memref<2x1000x16xf32, #tpu.memory_space<vmem>>, vector<1x1000x16xf32>
    %get3A_3 = vector.shape_cast %get3A_2 : vector<1x1000x16xf32> to vector<1000x16xf32>
    %get3A_4 = arith.constant 1 : index
    %get3A_5 = arith.constant 0 : index
    %get3A_6 = arith.constant 0 : index
    %get3A_7 = vector.load %arg1[%get3A_4, %get3A_5, %get3A_6] : memref<2x1000x16xf32, #tpu.memory_space<vmem>>, vector<1x1000x16xf32>
    %get3A_8 = vector.shape_cast %get3A_7 : vector<1x1000x16xf32> to vector<1000x16xf32>
    %get3A_9 = arith.constant 0 : index
    %get3A_10 = arith.constant 0 : index
    %get3A_11 = arith.constant 0 : index
    %get3A_12 = vector.load %arg2[%get3A_9, %get3A_10, %get3A_11] : memref<2x1000x1xf32, #tpu.memory_space<vmem>>, vector<1x1000x1xf32>
    %get3A_13 = vector.shape_cast %get3A_12 : vector<1x1000x1xf32> to vector<1000x1xf32>
    %max3A = arith.constant 1.000000e+00 : f32
    %max3A_14 = vector.broadcast %max3A : f32 to vector<1000x1xf32>
    %max3A_15 = arith.maximumf %get3A_13, %max3A_14 : vector<1000x1xf32>
    %get3A_16 = arith.constant 1 : index
    %get3A_17 = arith.constant 0 : index
    %get3A_18 = arith.constant 0 : index
    %get3A_19 = vector.load %arg2[%get3A_16, %get3A_17, %get3A_18] : memref<2x1000x1xf32, #tpu.memory_space<vmem>>, vector<1x1000x1xf32>
    %get3A_20 = vector.shape_cast %get3A_19 : vector<1x1000x1xf32> to vector<1000x1xf32>
    %max3A_21 = arith.constant 1.000000e+00 : f32
    %max3A_22 = vector.broadcast %max3A_21 : f32 to vector<1000x1xf32>
    %max3A_23 = arith.maximumf %get3A_20, %max3A_22 : vector<1000x1xf32>
    %div3A = vector.broadcast %max3A_15 : vector<1000x1xf32> to vector<1000x16xf32>
    %div3A_24 = arith.divf %get3A_3, %div3A : vector<1000x16xf32>
    %div3A_25 = vector.broadcast %max3A_23 : vector<1000x1xf32> to vector<1000x16xf32>
    %div3A_26 = arith.divf %get3A_8, %div3A_25 : vector<1000x16xf32>
    %concatenate3A = tpu.concatenate %div3A_24, %div3A_26 in 1 : vector<1000x16xf32>, vector<1000x16xf32> -> vector<1000x32xf32>
    %get3A_27 = arith.constant 0 : index
    %get3A_28 = arith.constant 0 : index
    %get3A_29 = vector.load %arg3[%get3A_27, %get3A_28] : memref<32x16xf32, #tpu.memory_space<vmem>>, vector<32x16xf32>
    %dot_general3A = arith.constant dense<0.000000e+00> : vector<1000x16xf32>
    %dot_general3A_30 = tpu.matmul %concatenate3A, %get3A_29, %dot_general3A {dimension_numbers = #tpu.dot_dimension_numbers<[1], [0], [0], [1], [0, 0, 1, 1], [], []>, transpose_lhs_hint = false} : vector<1000x32xf32>, vector<32x16xf32>, vector<1000x16xf32> -> vector<1000x16xf32>
    %get3A_31 = arith.constant 0 : index
    %get3A_32 = arith.constant 0 : index
    %get3A_33 = vector.load %arg4[%get3A_31, %get3A_32] : memref<1x16xf32, #tpu.memory_space<vmem>>, vector<1x16xf32>
    %add3A = vector.broadcast %get3A_33 : vector<1x16xf32> to vector<1000x16xf32>
    %add3A_34 = arith.addf %dot_general3A_30, %add3A : vector<1000x16xf32>
    %max3A_35 = arith.constant 0.000000e+00 : f32
    %max3A_36 = vector.broadcast %max3A_35 : f32 to vector<1000x16xf32>
    %max3A_37 = arith.maximumf %add3A_34, %max3A_36 : vector<1000x16xf32>
    %get3A_38 = arith.constant 0 : index
    %get3A_39 = arith.constant 0 : index
    %get3A_40 = vector.load %arg5[%get3A_38, %get3A_39] : memref<16x128xf32, #tpu.memory_space<vmem>>, vector<16x128xf32>
    %dot_general3A_41 = arith.constant dense<0.000000e+00> : vector<1000x128xf32>
    %dot_general3A_42 = tpu.matmul %max3A_37, %get3A_40, %dot_general3A_41 {dimension_numbers = #tpu.dot_dimension_numbers<[1], [0], [0], [1], [0, 0, 1, 1], [], []>, transpose_lhs_hint = false} : vector<1000x16xf32>, vector<16x128xf32>, vector<1000x128xf32> -> vector<1000x128xf32>
    %get3A_43 = arith.constant 0 : index
    %get3A_44 = arith.constant 0 : index
    %get3A_45 = vector.load %arg6[%get3A_43, %get3A_44] : memref<1x128xf32, #tpu.memory_space<vmem>>, vector<1x128xf32>
    %add3A_46 = vector.broadcast %get3A_45 : vector<1x128xf32> to vector<1000x128xf32>
    %add3A_47 = arith.addf %dot_general3A_42, %add3A_46 : vector<1000x128xf32>
    %logistic3A = arith.negf %add3A_47 : vector<1000x128xf32>
    %logistic3A_48 = math.exp %logistic3A : vector<1000x128xf32>
    %logistic3A_49 = arith.constant 1.000000e+00 : f32
    %logistic3A_50 = vector.broadcast %logistic3A_49 : f32 to vector<1000x128xf32>
    %logistic3A_51 = arith.addf %logistic3A_50, %logistic3A_48 : vector<1000x128xf32>
    %logistic3A_52 = arith.divf %logistic3A_50, %logistic3A_51 : vector<1000x128xf32>
    %swap3A = arith.constant 0 : index
    %swap3A_53 = arith.constant 0 : index
    %swap3A_54 = vector.load %arg7[%swap3A, %swap3A_53] : memref<1000x128xf32, #tpu.memory_space<vmem>>, vector<1000x128xf32>
    tpu.vector_store %arg7[%swap3A, %swap3A_53], %logistic3A_52 {strides = array<i32>} : memref<1000x128xf32, #tpu.memory_space<vmem>>, vector<1000x128xf32>,
    return
  }
  func.func @transform_0(%arg0: i32) -> (i32, i32, i32) {
    %c0_i32 = arith.constant 0 : i32
    %c0_i32_0 = arith.constant 0 : i32
    %c0_i32_1 = arith.constant 0 : i32
    return %c0_i32, %arg0, %c0_i32_0 : i32, i32, i32
  }
  func.func @transform_1(%arg0: i32) -> (i32, i32, i32) {
    %c0_i32 = arith.constant 0 : i32
    %c0_i32_0 = arith.constant 0 : i32
    %c0_i32_1 = arith.constant 0 : i32
    return %c0_i32, %arg0, %c0_i32_0 : i32, i32, i32
  }
  func.func @transform_2(%arg0: i32) -> (i32, i32) {
    %c0_i32 = arith.constant 0 : i32
    %c0_i32_0 = arith.constant 0 : i32
    %c0_i32_1 = arith.constant 0 : i32
    return %c0_i32, %c0_i32_0 : i32, i32
  }
  func.func @transform_3(%arg0: i32) -> (i32, i32) {
    %c0_i32 = arith.constant 0 : i32
    %c0_i32_0 = arith.constant 0 : i32
    %c0_i32_1 = arith.constant 0 : i32
    return %c0_i32, %c0_i32_0 : i32, i32
  }
  func.func @transform_4(%arg0: i32) -> (i32, i32) {
    %c0_i32 = arith.constant 0 : i32
    %c0_i32_0 = arith.constant 0 : i32
    %c0_i32_1 = arith.constant 0 : i32
    return %c0_i32, %c0_i32_0 : i32, i32
  }
  func.func @transform_5(%arg0: i32) -> (i32, i32) {
    %c0_i32 = arith.constant 0 : i32
    %c0_i32_0 = arith.constant 0 : i32
    %c0_i32_1 = arith.constant 0 : i32
    return %c0_i32, %c0_i32_0 : i32, i32
  }
  func.func @transform_6(%arg0: i32) -> (i32, i32) {
    %c0_i32 = arith.constant 0 : i32
    %c0_i32_0 = arith.constant 0 : i32
    return %arg0, %c0_i32 : i32, i32
  }
}

</mosaic_0001>

<sc_bundles>
// kernel: kernel.4.cloned.1.call-start
scs
__scs_entry_jumppad:
0x0: {  	(pc) =	sbr.rel $0x88, $3  }
0x1: {  	(tag) =	ssettag $0x0;
	lr =	simm.s32 $0x1  }
0x2: {  	[smem:$0x3F9B] =	sst lr;
	_ =	strace $0xD0000000  }
0x3: {  	_ = 	snop  }
0x4: {  	_ = 	snop  }
0x5: {  	_ = 	snop  }
0x6: {  	_ = 	snop  }
0x7: {  	_ = 	snop  }
__scs_overlays_trampoline_lowered:
0x8: {  	[smem:$0x3FAA] =	sst s0  }
0x9: {  	[smem:$0x3FAB] =	sst s1  }
0xa: {  	[smem:$0x3FAC] =	sst s2  }
0xb: {  	[smem:$0x3FAD] =	sst s3  }
0xc: {  	[smem:$0x3FAE] =	sst s4  }
0xd: {  	[smem:$0x3FAF] =	sst s5  }
0xe: {  	[smem:$0x3FB0] =	sst s6  }
0xf: {  	[smem:$0x3FB1] =	sst s7  }
0x10: {  	[smem:$0x3FB2] =	sst s8  }
0x11: {  	[smem:$0x3FB3] =	sst s9;
	s0 =	simm.s32 @!p0 $0x0  }
0x12: {  	s1 =	sld [smem:$0x3F99];
	s0 =	simm.s32 @p0 $0x1  }
0x13: {  	[smem:$0x3FB4] =	sst s0;
	s0 =	simm.s32 @!p1 $0x0  }
0x14: {  	s2 =	sld [smem:$0x3F98];
	s0 =	simm.s32 @p1 $0x1  }
0x15: {  	[smem:$0x3FB5] =	sst s0;
	s0 =	simm.s32 @!p2 $0x0  }
0x16: {  	s3 =	sld [smem:$0x3FDB];
	s0 =	simm.s32 @p2 $0x1  }
0x17: {  	s4 =	simm.s32 $0x1BF5;
	[smem:$0x3FB7] =	sst s0  }
0x18: {  	s0 =	sld [smem:$0x3F9A];
	_ =	swait.ge [sflag:s4], $0x0  }
0x19: {  	s7 =	sld [smem:$0x3F9B]  }
0x1a: {  	s8 =	sadd.s32 $0xFFFFE003, lr  }
0x1b: {  	s9 =	sadd.s32 $0xFFFFFEF7, lr;
	s5 =	simm.s32 $0xFFFFFFFF;
	p2 =	slt.u32 s8, $0xFFFFF086  }
0x1c: {  	p1 =	slt.u32 s9, $0xF7A;
	s5 =	simm.s32 @!p2 $0x0  }
0x1d: {  	s5 =	simm.s32 @p1 $0x1;
	p0 =	seq.s32 s7, s2  }
0x1e: {  	s7 =	smul.u32 @!p0 $0xF7A, s2;
	p2 =	seq.s32 @!p0 s5, $0x0  }
0x1f: {  	s9 =	smul.u32 $0xF7A, s1;
	s8 =	simm.s32 @!p0 $0x1BF5;
	p2 =	por !p2, p0  }
0x20: {  	[sflag:s8] =	ssyncset.s32 @!p0 $0xFFFFF086;
	s6 =	sadd.s32 @!p0 s3, s7;
	s7 =	simm.s32 @!p0 $0x108  }
0x21: {  	s3 =	sadd.s32 s3, s9;
	s6 =	sadd.s32 @!p0 $0x88, s6;
	s7 =	simm.s32 @p2 $0x1082  }
0x22: {  	[simem:s7], [sflag:s8] =	dma.local @!p0 [hbm:s6], $0xF7A  }
0x23: {  	s9 =	sor.u32 $0xD0000000, s2;
	s6 =	simm.s32 $0x108;
	_ =	swait.ge @!p0 [sflag:s8], $0x0  }
0x24: {  	s3 =	sadd.s32 $0x88, s3;
	s6 =	simm.s32 @!p1 $0x1082;
	[sflag:s4] =	ssyncset.s32 $0xFFFFF086  }
0x25: {  	[simem:s6], [sflag:s4] =	dma.local [hbm:s3], $0xF7A  }
0x26: {  	[smem:$0x3F9B] =	sst s1;
	(tag) =	ssettag s2;
	_ =	strace s9  }
0x27: {  	s1 =	sld [smem:$0x3FAB]  }
0x28: {  	s2 =	sld [smem:$0x3FAC]  }
0x29: {  	s4 =	sld [smem:$0x3FAE]  }
0x2a: {  	p0 =	seq.s32 s5, $0x0;
	s5 =	sld [smem:$0x3FAF]  }
0x2b: {  	s6 =	sld [smem:$0x3FB0]  }
0x2c: {  	s7 =	sld [smem:$0x3FB1]  }
0x2d: {  	s3 =	simm.s32 $0x108;
	s8 =	sld [smem:$0x3FB2]  }
0x2e: {  	s3 =	simm.s32 @!p0 $0x1082;
	s9 =	sld [smem:$0x3FB3]  }
0x2f: {  	lr =	sadd.s32 s0, s3;
	s0 =	sld [smem:$0x3FAA]  }
0x30: {  	s3 =	sld [smem:$0x3FAD]  }
0x31: {  	[smem:$0x3FB6] =	sst s10  }
0x32: {  	s10 =	sld [smem:$0x3FB4];
	_ =	sdelay $0x3  }
0x33: {  	p0 =	seq.s32 s10, $0x1;
	s10 =	sld [smem:$0x3FB6];
	_ =	sdelay $0x3  }
0x34: {  	[smem:$0x3FB6] =	sst s10  }
0x35: {  	s10 =	sld [smem:$0x3FB5];
	_ =	sdelay $0x3  }
0x36: {  	p1 =	seq.s32 s10, $0x1;
	s10 =	sld [smem:$0x3FB6];
	_ =	sdelay $0x3  }
0x37: {  	[smem:$0x3FB6] =	sst s10  }
0x38: {  	s10 =	sld [smem:$0x3FB7]  }
0x39: {  	_ = 	snop;
	(pc) =	sbr.ind lr, $3  }
0x3a: {  	_ = 	snop  }
0x3b: {  	_ = 	snop  }
0x3c: {  	p2 =	seq.s32 s10, $0x1;
	s10 =	sld [smem:$0x3FB6]  }
0x3d: {  	_ =	shalt  }
0x3e: {  	_ =	shalt  }
0x3f: {  	_ =	shalt  }
0x40: {  	_ =	shalt  }
0x41: {  	_ =	shalt  }
0x42: {  	_ =	shalt  }
0x43: {  	_ =	shalt  }
0x44: {  	_ =	shalt  }
0x45: {  	_ =	shalt  }
0x46: {  	_ =	shalt  }
0x47: {  	_ =	shalt  }
0x48: {  	_ =	shalt  }
0x49: {  	_ =	shalt  }
0x4a: {  	_ =	shalt  }
0x4b: {  	_ =	shalt  }
0x4c: {  	_ =	shalt  }
0x4d: {  	_ =	shalt  }
0x4e: {  	_ =	shalt  }
0x4f: {  	_ =	shalt  }
0x50: {  	_ =	shalt  }
0x51: {  	_ =	shalt  }
0x52: {  	_ =	shalt  }
0x53: {  	_ =	shalt  }
0x54: {  	_ =	shalt  }
0x55: {  	_ =	shalt  }
0x56: {  	_ =	shalt  }
0x57: {  	_ =	shalt  }
0x58: {  	_ =	shalt  }
0x59: {  	_ =	shalt  }
0x5a: {  	_ =	shalt  }
0x5b: {  	_ =	shalt  }
0x5c: {  	_ =	shalt  }
0x5d: {  	_ =	shalt  }
0x5e: {  	_ =	shalt  }
0x5f: {  	_ =	shalt  }
0x60: {  	_ =	shalt  }
0x61: {  	_ =	shalt  }
0x62: {  	_ =	shalt  }
0x63: {  	_ =	shalt  }
0x64: {  	_ =	shalt  }
0x65: {  	_ =	shalt  }
0x66: {  	_ =	shalt  }
0x67: {  	_ =	shalt  }
0x68: {  	_ =	shalt  }
0x69: {  	_ =	shalt  }
0x6a: {  	_ =	shalt  }
0x6b: {  	_ =	shalt  }
0x6c: {  	_ =	shalt  }
0x6d: {  	_ =	shalt  }
0x6e: {  	_ =	shalt  }
0x6f: {  	_ =	shalt  }
0x70: {  	_ =	shalt  }
0x71: {  	_ =	shalt  }
0x72: {  	_ =	shalt  }
0x73: {  	_ =	shalt  }
0x74: {  	_ =	shalt  }
0x75: {  	_ =	shalt  }
0x76: {  	_ =	shalt  }
0x77: {  	_ =	shalt  }
0x78: {  	_ =	shalt  }
0x79: {  	_ =	shalt  }
0x7a: {  	_ =	shalt  }
0x7b: {  	_ =	shalt  }
0x7c: {  	_ =	shalt  }
0x7d: {  	_ =	shalt  }
0x7e: {  	_ =	shalt  }
0x7f: {  	_ =	shalt  }
0x80: {  	_ =	shalt  }
0x81: {  	_ =	shalt  }
0x82: {  	_ =	shalt  }
0x83: {  	_ =	shalt  }
0x84: {  	_ =	shalt  }
0x85: {  	_ =	shalt  }
0x86: {  	_ =	shalt  }
0x87: {  	_ =	shalt  }
.Lfunc_end0:
.L_simem_size_0:
called_computation_lowered:
.L_overlay_start_0:
0x88: {  	s2 =	sld [smem:$0x3FD9]  }
0x89: {  	s3 =	sld [smem:$0x3FFE];
	_ =	sdelay $0x1  }
0x8a: {  	s1 =	srdreg.scid  }
0x8b: {  	s0 =	sand.u32 $0x1, s1  }
0x8c: {  	s17 =	sshll.u32 s0, $0xA;
	s2 =	sadd.s32 s3, s2  }
0x8d: {  	s2 =	sadd.s32 s2, s17  }
0x8e: {  	[smem:$0x3FC2] =	sst s2  }
0x8f: {  	_ = 	snop  }
0x90: {  	s2 =	sld [smem:$0x3FD0];
	(tm) =	ssettm $0x1  }
0x91: {  	s18 =	sld [smem:$0x3FFB];
	_ =	sdelay $0x3  }
0x92: {  	_ =	strace s18  }
0x93: {  	s3 =	sld [smem:$0x3FFC];
	_ =	sdelay $0x3  }
0x94: {  	_ =	strace s3  }
0x95: {  	s3 =	sld [smem:$0x3FFD];
	_ =	sdelay $0x3  }
0x96: {  	_ =	strace s3  }
0x97: {  	_ =	strace $0x8FFFFFFF  }
0x98: {  	s19 =	sld [smem:$0x3FDB];
	_ =	sdelay $0x1  }
0x99: {  	s4 =	simm.s32 $_scs_section_size  }
0x9a: {  	s5 =	simm.s32 $_size__tile_overlayer_lowered;
	s6 =	simm.s32 $_tile_overlayer_lowered  }
0x9b: {  	s22 =	simm.s32 $0x1BFF;
	s21 =	sshll.u32 s6, $0x1;
	s3 =	sadd.s32 s4, s19  }
0x9c: {  	s7 =	simm.s32 $0x0;
	s20 =	sshll.u32 s5, $0x1;
	s5 =	sadd.s32 s21, s3  }
0x9d: {  	[timem:s7], [sflag:s22] =	dma.local [hbm:s5], s20  }
0x9e: {  	_ =	swait.ge [sflag:s22], s20  }
0x9f: {  	s4 =	ssub.s32 $0x0, s20;
	[sflag:s22] =	ssyncset.done $0x0  }
0xa0: {  	[sflag:s22] =	ssyncadd.s32 s4;
	_ =	sdelay $0x1  }
0xa1: {  	s23 =	simm.s32 $0x1B8B  }
0xa2: {  	_ =	swait.ge [sflag:s23], $0x1  }
0xa3: {  	[sflag:s23] =	ssyncset.done $0x0  }
0xa4: {  	s25 =	simm.s32 $0x1B8E;
	s24 =	sld [smem:$0x3FFE];
	[sflag:s23] =	ssyncadd.s32 $0xFFFFFFFF  }
0xa5: {  	s26 =	simm.s32 $execute0_lowered;
	[smem:$0x3FD2] =	sst s25  }
0xa6: {  	s5 =	sshll.u32 s26, $0x1;
	_ =	strace $0x80000046;
	[dreg:$0x1] =	wrdreg $0xFFFFFFFF  }
0xa7: {  	s28 =	simm.s32 $_size_execute0_lowered;
	s3 =	sadd.s32 s3, s5;
	[dreg:$0x0] =	wrdreg $0x0  }
0xa8: {  	s5 =	sshll.u32 s28, $0x1;
	[dreg:$0x2] =	wrdreg s3  }
0xa9: {  	[dreg:$0x3] =	wrdreg s5  }
0xaa: {  	[dreg:$0x4] =	wrdreg $0xC0  }
0xab: {  	_ =	task [dreg:s7], $0x5FFFF  }
0xac: {  	[dreg:$0x1] =	wrdreg $0xFFFFFFFF  }
0xad: {  	[dreg:$0x0] =	wrdreg $0x60  }
0xae: {  	[dreg:$0x2] =	wrdreg s24  }
0xaf: {  	[dreg:$0x3] =	wrdreg s2  }
0xb0: {  	[dreg:$0x4] =	wrdreg $0x0  }
0xb1: {  	[dreg:$0x5] =	wrdreg $0x188000  }
0xb2: {  	[dreg:$0x6] =	wrdreg $0x9  }
0xb3: {  	_ =	task.clear_ibuf [dreg:s7], $0x7FFFF;
	_ =	strace $0x90000046  }
0xb4: {  	s29 =	simm.s32 $0x9;
	_ =	strace $0x80000048  }
0xb5: {  	_ =	swait.ge [sflag:s29], $0x1  }
0xb6: {  	[sflag:s29] =	ssyncadd.s32 $0xFFFFFFFF  }
0xb7: {  	_ =	strace $0x90000048  }
0xb8: {  	_ =	sfence  }
0xb9: {  	s30 =	sld [smem:$0x0];
	_ =	sdelay $0x2  }
0xba: {  	s31 =	sshll.u32 s1, $0xD;
	s1 =	sshrl.u32 s1, $0x2  }
0xbb: {  	s3 =	sand.u32 $0x4000, s31;
	s1 =	sadd.s32 s1, s30  }
0xbc: {  	s0 =	sor.u32 s3, s0;
	s1 =	sshll.u32 s1, $0x11  }
0xbd: {  	s0 =	sor.u32 s1, s0  }
0xbe: {  	s0 =	sadd.s32 $0x8F2B, s0  }
0xbf: {  	[sflag:s0] =	ssyncadd.remote.s32 $0x1  }
0xc0: {  	_ =	sfence.sel $0xFFFF  }
0xc1: {  	[dreg:$0x0] =	wrdreg $0xFFFFFFFF;
	(pc) =	sbr.abs _section_cstart, $3  }
0xc2: {  	[dreg:$0x1] =	wrdreg $0xFFFFFFFF  }
0xc3: {  	_ =	task.clear_ibuf [dreg:s7], $0x2FFFF;
	_ =	strace $0x9FFFFFFF  }
0xc4: {  	(tm) =	ssettm $0x7FFFFFFF  }
0xc5: {  	_ =	shalt  }
tec
execute0_lowered:
.L_overlay_start_1:
0x0: {  	(tag) =	ssettag $0x1  }
0x1: {  	s6 =	rddreg [dreg:$0x0]  }
0x2: {  	s2 =	rddreg [dreg:$0x1]  }
0x3: {  	s3 =	rddreg [dreg:$0x2];
	s16 =	stileid.u32  }
0x4: {  	s0 =	srdreg.scid;
	s1 =	simm.s32 $0x0;
	s11 =	smul.u32 $0x18800, s16  }
0x5: {  	[smem:$0x7FF] =	sst s1;
	s1 =	smul.u32 $0x1880, s16  }
0x6: {  	s4 =	rddreg [dreg:$0x3];
	s10 =	sand.u32 $0x1, s0;
	s20 =	smul.u32 $0x62000, s16  }
0x7: {  	s5 =	sshll.u32 s16, $0xA;
	s26 =	ssub.s32 $0x1879, s16;
	s0 =	smul.u32 $0x188000, s10  }
0x8: {  	s16 =	sshll.u32 s16, $0x9;
	s8 =	smul.u32 $0x18800, s10;
	s9 =	ssub.s32 $0x2, s10  }
0x9: {  	s12 =	sshrl.u32 s9, $0x1;
	s13 =	sshrl.u32 s20, $0x2;
	s14 =	sadd.s32 $0x1260, s1  }
0xa: {  	s7 =	sadd.s32 s11, s0;
	s8 =	sadd.s32 s1, s8;
	s18 =	sshll.u32 s14, $0x4  }
0xb: {  	s19 =	sshrl.u32 s7, $0x3;
	s8 =	sshrl.u32 s8, $0x3;
	s20 =	sadd.s32 s18, s3  }
0xc: {  	s7 =	sadd.s32 s8, s6;
	s8 =	ssub.s32 s9, s12;
	s9 =	sadd.s32 s13, s3  }
0xd: {  	_ =	strace $0x80000047;
	[dreg:$0xd] =	wrdreg s20;
	s21 =	sadd.s32 $0x620, s9  }
0xe: {  	s10 =	smul.u32 $0x30D400, s10;
	s22 =	sadd.s32 $0xC40, s9;
	[dreg:$0x6] =	wrdreg s21  }
0xf: {  	s0 =	sadd.s32 s5, s6;
	s23 =	sadd.s32 $0x1260, s9;
	[dreg:$0x7] =	wrdreg s22  }
0x10: {  	s10 =	sadd.s32 s16, s10;
	s24 =	sadd.s32 $0x1880, s9;
	[dreg:$0x8] =	wrdreg s23  }
0x11: {  	s12 =	sshrl.u32 s26, $0x4;
	s25 =	sadd.s32 $0x1EA0, s9;
	[dreg:$0x9] =	wrdreg s24  }
0x12: {  	s5 =	sadd.s32 s19, s6;
	s17 =	sadd.s32 $0xFFFFFFFF, s12;
	[dreg:$0xa] =	wrdreg s25  }
0x13: {  	s6 =	sadd.s32 s11, s3;
	s26 =	sadd.s32 $0x4360, s9;
	[dreg:$0x5] =	wrdreg s17  }
0x14: {  	s11 =	sadd.s32 $0x620, s1;
	s16 =	sadd.s32 $0x55C0, s9;
	[dreg:$0x13] =	wrdreg s26  }
0x15: {  	s13 =	sadd.s32 $0xC40, s1;
	s18 =	sadd.s32 $0x6820, s9;
	[dreg:$0x16] =	wrdreg s16  }
0x16: {  	s15 =	sshll.u32 s11, $0x4;
	s20 =	sadd.s32 $0x7460, s9;
	[dreg:$0x18] =	wrdreg s18  }
0x17: {  	s31 =	sshll.u32 s13, $0x4;
	s15 =	sadd.s32 s15, s3;
	[dreg:$0x1a] =	wrdreg s20  }
0x18: {  	s19 =	sadd.s32 s31, s3;
	[dreg:$0xb] =	wrdreg s15  }
0x19: {  	s21 =	sadd.s32 $0x24C0, s9;
	[dreg:$0xc] =	wrdreg s19  }
0x1a: {  	s22 =	sadd.s32 $0x2AE0, s9;
	[dreg:$0xe] =	wrdreg s21  }
0x1b: {  	s23 =	sadd.s32 $0x3100, s9;
	[dreg:$0xf] =	wrdreg s22  }
0x1c: {  	s24 =	sadd.s32 $0x3720, s9;
	[dreg:$0x10] =	wrdreg s23  }
0x1d: {  	s30 =	sand.u32 $0x1, s12;
	s25 =	sadd.s32 $0x3D40, s9;
	[dreg:$0x11] =	wrdreg s24  }
0x1e: {  	p0 =	seq.s32 s30, $0x1;
	s30 =	sadd.s32 $0x4980, s9;
	[dreg:$0x12] =	wrdreg s25  }
0x1f: {  	s31 =	sadd.s32 $0x4FA0, s9;
	[dreg:$0x14] =	wrdreg s30  }
0x20: {  	s17 =	sadd.s32 $0x5BE0, s9;
	[dreg:$0x15] =	wrdreg s31  }
0x21: {  	s26 =	sadd.s32 $0x9920, s9;
	[dreg:$0x17] =	wrdreg s17  }
0x22: {  	s16 =	sadd.s32 $0xAB80, s9;
	[smem:$0x7D4] =	sst s26  }
0x23: {  	s18 =	sadd.s32 $0xB7C0, s9;
	[smem:$0x7D7] =	sst s16  }
0x24: {  	s20 =	sadd.s32 $0xCA20, s9;
	[smem:$0x7D9] =	sst s18  }
0x25: {  	s19 =	sadd.s32 $0x6E40, s9;
	[smem:$0x7DB] =	sst s20  }
0x26: {  	s21 =	sadd.s32 $0x7A80, s9;
	[dreg:$0x19] =	wrdreg s19  }
0x27: {  	s22 =	sadd.s32 $0x80A0, s9;
	[dreg:$0x1b] =	wrdreg s21  }
0x28: {  	s23 =	sadd.s32 $0x86C0, s9;
	[dreg:$0x1c] =	wrdreg s22  }
0x29: {  	s24 =	sadd.s32 $0x8CE0, s9;
	[dreg:$0x1d] =	wrdreg s23  }
0x2a: {  	s25 =	sadd.s32 $0x9300, s9;
	[dreg:$0x1e] =	wrdreg s24  }
0x2b: {  	s30 =	sadd.s32 $0x9F40, s9;
	[dreg:$0x1f] =	wrdreg s25  }
0x2c: {  	s31 =	sadd.s32 $0xA560, s9;
	[smem:$0x7D5] =	sst s30  }
0x2d: {  	s17 =	sadd.s32 $0xB1A0, s9;
	[smem:$0x7D6] =	sst s31  }
0x2e: {  	s26 =	sadd.s32 $0xEEE0, s9;
	[smem:$0x7D8] =	sst s17  }
0x2f: {  	s16 =	sadd.s32 $0x10140, s9;
	[smem:$0x7E1] =	sst s26  }
0x30: {  	s18 =	sadd.s32 $0x10D80, s9;
	[smem:$0x7E4] =	sst s16  }
0x31: {  	s20 =	sadd.s32 $0x119C0, s9;
	[smem:$0x7E6] =	sst s18  }
0x32: {  	s19 =	sadd.s32 $0xBDE0, s9;
	[smem:$0x7E8] =	sst s20  }
0x33: {  	s21 =	sadd.s32 $0xD040, s9;
	[smem:$0x7DA] =	sst s19  }
0x34: {  	s22 =	sadd.s32 $0xD660, s9;
	[smem:$0x7DC] =	sst s21  }
0x35: {  	s23 =	sadd.s32 $0xDC80, s9;
	[smem:$0x7DD] =	sst s22  }
0x36: {  	s24 =	sadd.s32 $0xE2A0, s9;
	[smem:$0x7DE] =	sst s23  }
0x37: {  	s25 =	sadd.s32 $0xE8C0, s9;
	[smem:$0x7DF] =	sst s24  }
0x38: {  	s30 =	sadd.s32 $0xF500, s9;
	[smem:$0x7E0] =	sst s25  }
0x39: {  	s31 =	sadd.s32 $0xFB20, s9;
	[smem:$0x7E2] =	sst s30  }
0x3a: {  	s17 =	sadd.s32 $0x10760, s9;
	[smem:$0x7E3] =	sst s31  }
0x3b: {  	s26 =	sadd.s32 $0x144A0, s9;
	[smem:$0x7E5] =	sst s17  }
0x3c: {  	s16 =	sadd.s32 $0x15700, s9;
	[smem:$0x7EE] =	sst s26  }
0x3d: {  	s18 =	sadd.s32 $0x16340, s9;
	[smem:$0x7F1] =	sst s16  }
0x3e: {  	s20 =	sadd.s32 $0x16F80, s9;
	[smem:$0x7F3] =	sst s18  }
0x3f: {  	s19 =	sadd.s32 $0x113A0, s9;
	[smem:$0x7F5] =	sst s20  }
0x40: {  	s21 =	sadd.s32 $0x11FE0, s9;
	[smem:$0x7E7] =	sst s19  }
0x41: {  	s22 =	sadd.s32 $0x12C20, s9;
	[smem:$0x7E9] =	sst s21  }
0x42: {  	s23 =	sadd.s32 $0x13240, s9;
	[smem:$0x7EA] =	sst s22  }
0x43: {  	s24 =	sadd.s32 $0x13860, s9;
	[smem:$0x7EB] =	sst s23  }
0x44: {  	s25 =	sadd.s32 $0x13E80, s9;
	[smem:$0x7EC] =	sst s24  }
0x45: {  	s30 =	sadd.s32 $0x14AC0, s9;
	[smem:$0x7ED] =	sst s25  }
0x46: {  	s28 =	simm.s32 $0x3;
	s31 =	sadd.s32 $0x150E0, s9;
	[smem:$0x7EF] =	sst s30  }
0x47: {  	s29 =	sadd.s32 $0x30D5400, s0;
	s17 =	sadd.s32 $0x15D20, s9;
	[smem:$0x7F0] =	sst s31  }
0x48: {  	s28 =	simm.s32 @!p0 $0x4;
	[smem:$0x7F2] =	sst s17;
	s19 =	sadd.s32 $0x16960, s9  }
0x49: {  	s26 =	sshrl.u32 s10, $0x3;
	s21 =	sadd.s32 $0x175A0, s9;
	[smem:$0x7F4] =	sst s19  }
0x4a: {  	s16 =	sadd.s32 $0x30DD400, s0;
	s22 =	sadd.s32 $0x17BC0, s9;
	[smem:$0x7F6] =	sst s21  }
0x4b: {  	s9 =	sadd.s32 $0x181E0, s9;
	s23 =	sadd.s32 s11, s4;
	[smem:$0x7F7] =	sst s22  }
0x4c: {  	s24 =	sadd.s32 s13, s4;
	s25 =	sadd.s32 s14, s4;
	[smem:$0x7F8] =	sst s9  }
0x4d: {  	s30 =	sadd.s32 $0x1400, s5;
	s31 =	sadd.s32 $0x2000, s10;
	[smem:$0x7F9] =	sst s23  }
0x4e: {  	s17 =	sadd.s32 $0x4000, s10;
	s5 =	simm.s32 $0x5;
	[smem:$0x7FA] =	sst s24  }
0x4f: {  	s19 =	sadd.s32 s1, s4;
	[smem:$0x7FB] =	sst s25;
	s1 =	sadd.s32 s2, s26  }
0x50: {  	[smem:$0x7FD] =	sst s30;
	s25 =	sadd.s32 $0x63400, s7;
	s26 =	smax.u32 s8, $0x1  }
0x51: {  	s7 =	simm.s32 $0x1ECA0;
	[smem:$0x7FC] =	sst s1;
	s1 =	sshrl.u32 s31, $0x3  }
0x52: {  	v0 =	vimm.f32 $0.0e+00;
	v1 =	vimm.f32 $1.000000000e+00;
	s8 =	simm.s32 $0x0;
	s0 =	sadd.s32 s1, s2;
	s1 =	simm.s32 $0x1E680  }
.LBB2_1:
0x53: {  	s9 =	simm.s32 $0x0  }
.LBB2_2:
0x54: {  	p0 =	sne.s32 s9, $0x1840  }
.Ltmp0:
0x55: {  	_ = 	snop;
	(pc) =	sbr.rel @p0 .LBB2_2-.Ltmp0, $3  }
0x56: {  	_ =	sdelay $0x1  }
0x57: {  	s10 =	sshra.s32 s9, $0x2  }
0x58: {  	s9 =	sadd.s32 $0x40, s9;
	[tilespmem:s10+$0x1E680] =	vst v0  }
0x59: {  	s9 =	simm.s32 $0x40;
	s10 =	simm.s32 $0x0  }
.LBB2_4:
0x5a: {  	p0 =	sne.s32 s9, $0x1840;
	[tilespmem:s10+$0x1ECA0] =	vst v0;
	s10 =	smov.u32 s9;
	s9 =	sadd.s32 $0x40, s9  }
.Ltmp1:
0x5b: {  	(pc) =	sbr.rel @p0 .LBB2_4-.Ltmp1, $2  }
0x5c: {  	_ =	sdelay $0x2  }
0x5d: {  	s10 =	sshra.s32 s10, $0x2  }
0x5e: {  	[tilespmem:s10+$0x1ECA0] =	vst v0  }
0x5f: {  	[tilespmem:$0x1E480] =	vst v1  }
0x60: {  	[tilespmem:$0x1E490] =	vst v1  }
0x61: {  	[tilespmem:$0x1E4A0] =	vst v1  }
0x62: {  	[tilespmem:$0x1E4B0] =	vst v1  }
0x63: {  	[tilespmem:$0x1E4C0] =	vst v1  }
0x64: {  	[tilespmem:$0x1E4D0] =	vst v1  }
0x65: {  	[tilespmem:$0x1E4E0] =	vst v1  }
0x66: {  	[tilespmem:$0x1E4F0] =	vst v1  }
0x67: {  	[tilespmem:$0x1E500] =	vst v1  }
0x68: {  	[tilespmem:$0x1E510] =	vst v1  }
0x69: {  	[tilespmem:$0x1E520] =	vst v1  }
0x6a: {  	[tilespmem:$0x1E530] =	vst v1  }
0x6b: {  	[tilespmem:$0x1E540] =	vst v1  }
0x6c: {  	[tilespmem:$0x1E550] =	vst v1  }
0x6d: {  	[tilespmem:$0x1E560] =	vst v1  }
0x6e: {  	[tilespmem:$0x1E570] =	vst v1  }
0x6f: {  	[tilespmem:$0x1E580] =	vst v1  }
0x70: {  	[tilespmem:$0x1E590] =	vst v1  }
0x71: {  	[tilespmem:$0x1E5A0] =	vst v1  }
0x72: {  	[tilespmem:$0x1E5B0] =	vst v1  }
0x73: {  	[tilespmem:$0x1E5C0] =	vst v1  }
0x74: {  	[tilespmem:$0x1E5D0] =	vst v1  }
0x75: {  	[tilespmem:$0x1E5E0] =	vst v1  }
0x76: {  	[tilespmem:$0x1E5F0] =	vst v1  }
0x77: {  	[tilespmem:$0x1E600] =	vst v1  }
0x78: {  	[tilespmem:$0x1E610] =	vst v1  }
0x79: {  	[tilespmem:$0x1E620] =	vst v1  }
0x7a: {  	[tilespmem:$0x1E630] =	vst v1  }
0x7b: {  	[tilespmem:$0x1E640] =	vst v1  }
0x7c: {  	[tilespmem:$0x1E650] =	vst v1  }
0x7d: {  	[tilespmem:$0x1E660] =	vst v1  }
0x7e: {  	[tilespmem:$0x1E670] =	vst v1  }
0x7f: {  	[spmem:s6] =	stream.linear.scatter [tilespmem:s1], [sflag:$0x5], $0x620, $0x38;
	[tilespmem:$0x1F2C0] =	vst v63  }
0x80: {  	_ =	swait.ge [sflag:s5], $0x620  }
0x81: {  	[sflag:s5] =	ssyncset.done $0x0  }
0x82: {  	s9 =	rddreg [dreg:$0x6];
	[sflag:s5] =	ssyncadd.s32 $0xFFFFF9E0  }
0x83: {  	[spmem:s9] =	stream.linear.scatter [tilespmem:s1], [sflag:$0x5], $0x620, $0x38;
	[tilespmem:$0x1F2C0] =	vst v63  }
0x84: {  	_ =	swait.ge [sflag:s5], $0x620  }
0x85: {  	[sflag:s5] =	ssyncset.done $0x0  }
0x86: {  	s22 =	rddreg [dreg:$0x7];
	[sflag:s5] =	ssyncadd.s32 $0xFFFFF9E0  }
0x87: {  	[spmem:s22] =	stream.linear.scatter [tilespmem:s1], [sflag:$0x5], $0x620, $0x38;
	[tilespmem:$0x1F2C0] =	vst v63  }
0x88: {  	_ =	swait.ge [sflag:s5], $0x620  }
0x89: {  	[sflag:s5] =	ssyncset.done $0x0  }
0x8a: {  	s23 =	rddreg [dreg:$0x8];
	[sflag:s5] =	ssyncadd.s32 $0xFFFFF9E0  }
0x8b: {  	[spmem:s23] =	stream.linear.scatter [tilespmem:s1], [sflag:$0x5], $0x620, $0x38;
	[tilespmem:$0x1F2C0] =	vst v63  }
0x8c: {  	_ =	swait.ge [sflag:s5], $0x620  }
0x8d: {  	[sflag:s5] =	ssyncset.done $0x0  }
0x8e: {  	s24 =	rddreg [dreg:$0x9];
	[sflag:s5] =	ssyncadd.s32 $0xFFFFF9E0  }
0x8f: {  	[spmem:s24] =	stream.linear.scatter [tilespmem:s1], [sflag:$0x5], $0x620, $0x38;
	[tilespmem:$0x1F2C0] =	vst v63  }
0x90: {  	_ =	swait.ge [sflag:s5], $0x620  }
0x91: {  	[sflag:s5] =	ssyncset.done $0x0  }
0x92: {  	s10 =	rddreg [dreg:$0xa];
	[sflag:s5] =	ssyncadd.s32 $0xFFFFF9E0  }
0x93: {  	[spmem:s10] =	stream.linear.scatter [tilespmem:s1], [sflag:$0x5], $0x620, $0x38;
	[tilespmem:$0x1F2C0] =	vst v63  }
0x94: {  	_ =	swait.ge [sflag:s5], $0x620  }
0x95: {  	[sflag:s5] =	ssyncset.done $0x0  }
0x96: {  	s11 =	rddreg [dreg:$0xe];
	[sflag:s5] =	ssyncadd.s32 $0xFFFFF9E0  }
0x97: {  	[spmem:s11] =	stream.linear.scatter [tilespmem:s1], [sflag:$0x5], $0x620, $0x38;
	[tilespmem:$0x1F2C0] =	vst v63  }
0x98: {  	_ =	swait.ge [sflag:s5], $0x620  }
0x99: {  	[sflag:s5] =	ssyncset.done $0x0  }
0x9a: {  	s13 =	rddreg [dreg:$0xf];
	[sflag:s5] =	ssyncadd.s32 $0xFFFFF9E0  }
0x9b: {  	[spmem:s13] =	stream.linear.scatter [tilespmem:s1], [sflag:$0x5], $0x620, $0x38;
	[tilespmem:$0x1F2C0] =	vst v63  }
0x9c: {  	_ =	swait.ge [sflag:s5], $0x620  }
0x9d: {  	[sflag:s5] =	ssyncset.done $0x0  }
0x9e: {  	s14 =	rddreg [dreg:$0x10];
	[sflag:s5] =	ssyncadd.s32 $0xFFFFF9E0  }
0x9f: {  	[spmem:s14] =	stream.linear.scatter [tilespmem:s1], [sflag:$0x5], $0x620, $0x38;
	[tilespmem:$0x1F2C0] =	vst v63  }
0xa0: {  	_ =	swait.ge [sflag:s5], $0x620  }
0xa1: {  	[sflag:s5] =	ssyncset.done $0x0  }
0xa2: {  	s15 =	rddreg [dreg:$0x11];
	[sflag:s5] =	ssyncadd.s32 $0xFFFFF9E0  }
0xa3: {  	[spmem:s15] =	stream.linear.scatter [tilespmem:s1], [sflag:$0x5], $0x620, $0x38;
	[tilespmem:$0x1F2C0] =	vst v63  }
0xa4: {  	_ =	swait.ge [sflag:s5], $0x620  }
0xa5: {  	[sflag:s5] =	ssyncset.done $0x0  }
0xa6: {  	s18 =	rddreg [dreg:$0x12];
	[sflag:s5] =	ssyncadd.s32 $0xFFFFF9E0  }
0xa7: {  	[spmem:s18] =	stream.linear.scatter [tilespmem:s1], [sflag:$0x5], $0x620, $0x38;
	[tilespmem:$0x1F2C0] =	vst v63  }
0xa8: {  	_ =	swait.ge [sflag:s5], $0x620  }
0xa9: {  	[sflag:s5] =	ssyncset.done $0x0  }
0xaa: {  	s20 =	rddreg [dreg:$0x13];
	[sflag:s5] =	ssyncadd.s32 $0xFFFFF9E0  }
0xab: {  	[spmem:s20] =	stream.linear.scatter [tilespmem:s1], [sflag:$0x5], $0x620, $0x38;
	[tilespmem:$0x1F2C0] =	vst v63  }
0xac: {  	_ =	swait.ge [sflag:s5], $0x620  }
0xad: {  	[sflag:s5] =	ssyncset.done $0x0  }
0xae: {  	s21 =	rddreg [dreg:$0x14];
	[sflag:s5] =	ssyncadd.s32 $0xFFFFF9E0  }
0xaf: {  	[spmem:s21] =	stream.linear.scatter [tilespmem:s1], [sflag:$0x5], $0x620, $0x38;
	[tilespmem:$0x1F2C0] =	vst v63  }
0xb0: {  	_ =	swait.ge [sflag:s5], $0x620  }
0xb1: {  	[sflag:s5] =	ssyncset.done $0x0  }
0xb2: {  	s22 =	rddreg [dreg:$0x15];
	[sflag:s5] =	ssyncadd.s32 $0xFFFFF9E0  }
0xb3: {  	[spmem:s22] =	stream.linear.scatter [tilespmem:s1], [sflag:$0x5], $0x620, $0x38;
	[tilespmem:$0x1F2C0] =	vst v63  }
0xb4: {  	_ =	swait.ge [sflag:s5], $0x620  }
0xb5: {  	[sflag:s5] =	ssyncset.done $0x0  }
0xb6: {  	s23 =	rddreg [dreg:$0x16];
	[sflag:s5] =	ssyncadd.s32 $0xFFFFF9E0  }
0xb7: {  	[spmem:s23] =	stream.linear.scatter [tilespmem:s1], [sflag:$0x5], $0x620, $0x38;
	[tilespmem:$0x1F2C0] =	vst v63  }
0xb8: {  	_ =	swait.ge [sflag:s5], $0x620  }
0xb9: {  	[sflag:s5] =	ssyncset.done $0x0  }
0xba: {  	s24 =	rddreg [dreg:$0x17];
	[sflag:s5] =	ssyncadd.s32 $0xFFFFF9E0  }
0xbb: {  	[spmem:s24] =	stream.linear.scatter [tilespmem:s1], [sflag:$0x5], $0x620, $0x38;
	[tilespmem:$0x1F2C0] =	vst v63  }
0xbc: {  	_ =	swait.ge [sflag:s5], $0x620  }
0xbd: {  	[sflag:s5] =	ssyncset.done $0x0  }
0xbe: {  	s10 =	rddreg [dreg:$0xb];
	[sflag:s5] =	ssyncadd.s32 $0xFFFFF9E0  }
0xbf: {  	[spmem:s10] =	stream.linear.scatter [tilespmem:s1], [sflag:$0x5], $0x620, $0x38;
	[tilespmem:$0x1F2C0] =	vst v63  }
0xc0: {  	_ =	swait.ge [sflag:s5], $0x620  }
0xc1: {  	[sflag:s5] =	ssyncset.done $0x0  }
0xc2: {  	s11 =	rddreg [dreg:$0x18];
	[sflag:s5] =	ssyncadd.s32 $0xFFFFF9E0  }
0xc3: {  	[spmem:s11] =	stream.linear.scatter [tilespmem:s1], [sflag:$0x5], $0x620, $0x38;
	[tilespmem:$0x1F2C0] =	vst v63  }
0xc4: {  	_ =	swait.ge [sflag:s5], $0x620  }
0xc5: {  	[sflag:s5] =	ssyncset.done $0x0  }
0xc6: {  	s13 =	rddreg [dreg:$0x19];
	[sflag:s5] =	ssyncadd.s32 $0xFFFFF9E0  }
0xc7: {  	[spmem:s13] =	stream.linear.scatter [tilespmem:s1], [sflag:$0x5], $0x620, $0x38;
	[tilespmem:$0x1F2C0] =	vst v63  }
0xc8: {  	_ =	swait.ge [sflag:s5], $0x620  }
0xc9: {  	[sflag:s5] =	ssyncset.done $0x0  }
0xca: {  	s14 =	rddreg [dreg:$0x1a];
	[sflag:s5] =	ssyncadd.s32 $0xFFFFF9E0  }
0xcb: {  	[spmem:s14] =	stream.linear.scatter [tilespmem:s1], [sflag:$0x5], $0x620, $0x38;
	[tilespmem:$0x1F2C0] =	vst v63  }
0xcc: {  	_ =	swait.ge [sflag:s5], $0x620  }
0xcd: {  	[sflag:s5] =	ssyncset.done $0x0  }
0xce: {  	s15 =	rddreg [dreg:$0x1b];
	[sflag:s5] =	ssyncadd.s32 $0xFFFFF9E0  }
0xcf: {  	[spmem:s15] =	stream.linear.scatter [tilespmem:s1], [sflag:$0x5], $0x620, $0x38;
	[tilespmem:$0x1F2C0] =	vst v63  }
0xd0: {  	_ =	swait.ge [sflag:s5], $0x620  }
0xd1: {  	[sflag:s5] =	ssyncset.done $0x0  }
0xd2: {  	s18 =	rddreg [dreg:$0x1c];
	[sflag:s5] =	ssyncadd.s32 $0xFFFFF9E0  }
0xd3: {  	[spmem:s18] =	stream.linear.scatter [tilespmem:s1], [sflag:$0x5], $0x620, $0x38;
	[tilespmem:$0x1F2C0] =	vst v63  }
0xd4: {  	_ =	swait.ge [sflag:s5], $0x620  }
0xd5: {  	[sflag:s5] =	ssyncset.done $0x0  }
0xd6: {  	s20 =	rddreg [dreg:$0x1d];
	[sflag:s5] =	ssyncadd.s32 $0xFFFFF9E0  }
0xd7: {  	[spmem:s20] =	stream.linear.scatter [tilespmem:s1], [sflag:$0x5], $0x620, $0x38;
	[tilespmem:$0x1F2C0] =	vst v63  }
0xd8: {  	_ =	swait.ge [sflag:s5], $0x620  }
0xd9: {  	[sflag:s5] =	ssyncset.done $0x0  }
0xda: {  	s21 =	rddreg [dreg:$0x1e];
	[sflag:s5] =	ssyncadd.s32 $0xFFFFF9E0  }
0xdb: {  	[spmem:s21] =	stream.linear.scatter [tilespmem:s1], [sflag:$0x5], $0x620, $0x38;
	[tilespmem:$0x1F2C0] =	vst v63  }
0xdc: {  	_ =	swait.ge [sflag:s5], $0x620  }
0xdd: {  	[sflag:s5] =	ssyncset.done $0x0  }
0xde: {  	s22 =	rddreg [dreg:$0x1f];
	[sflag:s5] =	ssyncadd.s32 $0xFFFFF9E0  }
0xdf: {  	[spmem:s22] =	stream.linear.scatter [tilespmem:s1], [sflag:$0x5], $0x620, $0x38;
	[tilespmem:$0x1F2C0] =	vst v63  }
0xe0: {  	_ =	swait.ge [sflag:s5], $0x620  }
0xe1: {  	s23 =	sld [smem:$0x7D4]  }
0xe2: {  	[sflag:s5] =	ssyncset.done $0x0  }
0xe3: {  	[sflag:s5] =	ssyncadd.s32 $0xFFFFF9E0  }
0xe4: {  	[spmem:s23] =	stream.linear.scatter [tilespmem:s1], [sflag:$0x5], $0x620, $0x38;
	[tilespmem:$0x1F2C0] =	vst v63  }
0xe5: {  	_ =	swait.ge [sflag:s5], $0x620  }
0xe6: {  	s24 =	sld [smem:$0x7D5]  }
0xe7: {  	[sflag:s5] =	ssyncset.done $0x0  }
0xe8: {  	[sflag:s5] =	ssyncadd.s32 $0xFFFFF9E0  }
0xe9: {  	[spmem:s24] =	stream.linear.scatter [tilespmem:s1], [sflag:$0x5], $0x620, $0x38;
	[tilespmem:$0x1F2C0] =	vst v63  }
0xea: {  	_ =	swait.ge [sflag:s5], $0x620  }
0xeb: {  	s10 =	sld [smem:$0x7D6]  }
0xec: {  	[sflag:s5] =	ssyncset.done $0x0  }
0xed: {  	[sflag:s5] =	ssyncadd.s32 $0xFFFFF9E0  }
0xee: {  	[spmem:s10] =	stream.linear.scatter [tilespmem:s1], [sflag:$0x5], $0x620, $0x38;
	[tilespmem:$0x1F2C0] =	vst v63  }
0xef: {  	_ =	swait.ge [sflag:s5], $0x620  }
0xf0: {  	s11 =	sld [smem:$0x7D7]  }
0xf1: {  	[sflag:s5] =	ssyncset.done $0x0  }
0xf2: {  	[sflag:s5] =	ssyncadd.s32 $0xFFFFF9E0  }
0xf3: {  	[spmem:s11] =	stream.linear.scatter [tilespmem:s1], [sflag:$0x5], $0x620, $0x38;
	[tilespmem:$0x1F2C0] =	vst v63  }
0xf4: {  	_ =	swait.ge [sflag:s5], $0x620  }
0xf5: {  	s13 =	sld [smem:$0x7D8]  }
0xf6: {  	[sflag:s5] =	ssyncset.done $0x0  }
0xf7: {  	[sflag:s5] =	ssyncadd.s32 $0xFFFFF9E0  }
0xf8: {  	[spmem:s13] =	stream.linear.scatter [tilespmem:s1], [sflag:$0x5], $0x620, $0x38;
	[tilespmem:$0x1F2C0] =	vst v63  }
0xf9: {  	_ =	swait.ge [sflag:s5], $0x620  }
0xfa: {  	s14 =	sld [smem:$0x7D9]  }
0xfb: {  	[sflag:s5] =	ssyncset.done $0x0  }
0xfc: {  	[sflag:s5] =	ssyncadd.s32 $0xFFFFF9E0  }
0xfd: {  	[spmem:s14] =	stream.linear.scatter [tilespmem:s1], [sflag:$0x5], $0x620, $0x38;
	[tilespmem:$0x1F2C0] =	vst v63  }
0xfe: {  	_ =	swait.ge [sflag:s5], $0x620  }
0xff: {  	s15 =	sld [smem:$0x7DA]  }
0x100: {  	[sflag:s5] =	ssyncset.done $0x0  }
0x101: {  	[sflag:s5] =	ssyncadd.s32 $0xFFFFF9E0  }
0x102: {  	[spmem:s15] =	stream.linear.scatter [tilespmem:s1], [sflag:$0x5], $0x620, $0x38;
	[tilespmem:$0x1F2C0] =	vst v63  }
0x103: {  	_ =	swait.ge [sflag:s5], $0x620  }
0x104: {  	[sflag:s5] =	ssyncset.done $0x0  }
0x105: {  	s18 =	rddreg [dreg:$0xc];
	[sflag:s5] =	ssyncadd.s32 $0xFFFFF9E0  }
0x106: {  	[spmem:s18] =	stream.linear.scatter [tilespmem:s1], [sflag:$0x5], $0x620, $0x38;
	[tilespmem:$0x1F2C0] =	vst v63  }
0x107: {  	_ =	swait.ge [sflag:s5], $0x620  }
0x108: {  	s20 =	sld [smem:$0x7DB]  }
0x109: {  	[sflag:s5] =	ssyncset.done $0x0  }
0x10a: {  	[sflag:s5] =	ssyncadd.s32 $0xFFFFF9E0  }
0x10b: {  	[spmem:s20] =	stream.linear.scatter [tilespmem:s1], [sflag:$0x5], $0x620, $0x38;
	[tilespmem:$0x1F2C0] =	vst v63  }
0x10c: {  	_ =	swait.ge [sflag:s5], $0x620  }
0x10d: {  	s21 =	sld [smem:$0x7DC]  }
0x10e: {  	[sflag:s5] =	ssyncset.done $0x0  }
0x10f: {  	[sflag:s5] =	ssyncadd.s32 $0xFFFFF9E0  }
0x110: {  	[spmem:s21] =	stream.linear.scatter [tilespmem:s1], [sflag:$0x5], $0x620, $0x38;
	[tilespmem:$0x1F2C0] =	vst v63  }
0x111: {  	_ =	swait.ge [sflag:s5], $0x620  }
0x112: {  	s22 =	sld [smem:$0x7DD]  }
0x113: {  	[sflag:s5] =	ssyncset.done $0x0  }
0x114: {  	[sflag:s5] =	ssyncadd.s32 $0xFFFFF9E0  }
0x115: {  	[spmem:s22] =	stream.linear.scatter [tilespmem:s1], [sflag:$0x5], $0x620, $0x38;
	[tilespmem:$0x1F2C0] =	vst v63  }
0x116: {  	_ =	swait.ge [sflag:s5], $0x620  }
0x117: {  	s23 =	sld [smem:$0x7DE]  }
0x118: {  	[sflag:s5] =	ssyncset.done $0x0  }
0x119: {  	[sflag:s5] =	ssyncadd.s32 $0xFFFFF9E0  }
0x11a: {  	[spmem:s23] =	stream.linear.scatter [tilespmem:s1], [sflag:$0x5], $0x620, $0x38;
	[tilespmem:$0x1F2C0] =	vst v63  }
0x11b: {  	_ =	swait.ge [sflag:s5], $0x620  }
0x11c: {  	s24 =	sld [smem:$0x7DF]  }
0x11d: {  	[sflag:s5] =	ssyncset.done $0x0  }
0x11e: {  	[sflag:s5] =	ssyncadd.s32 $0xFFFFF9E0  }
0x11f: {  	[spmem:s24] =	stream.linear.scatter [tilespmem:s1], [sflag:$0x5], $0x620, $0x38;
	[tilespmem:$0x1F2C0] =	vst v63  }
0x120: {  	_ =	swait.ge [sflag:s5], $0x620  }
0x121: {  	s10 =	sld [smem:$0x7E0]  }
0x122: {  	[sflag:s5] =	ssyncset.done $0x0  }
0x123: {  	[sflag:s5] =	ssyncadd.s32 $0xFFFFF9E0  }
0x124: {  	[spmem:s10] =	stream.linear.scatter [tilespmem:s1], [sflag:$0x5], $0x620, $0x38;
	[tilespmem:$0x1F2C0] =	vst v63  }
0x125: {  	_ =	swait.ge [sflag:s5], $0x620  }
0x126: {  	s11 =	sld [smem:$0x7E1]  }
0x127: {  	[sflag:s5] =	ssyncset.done $0x0  }
0x128: {  	[sflag:s5] =	ssyncadd.s32 $0xFFFFF9E0  }
0x129: {  	[spmem:s11] =	stream.linear.scatter [tilespmem:s1], [sflag:$0x5], $0x620, $0x38;
	[tilespmem:$0x1F2C0] =	vst v63  }
0x12a: {  	_ =	swait.ge [sflag:s5], $0x620  }
0x12b: {  	s13 =	sld [smem:$0x7E2]  }
0x12c: {  	[sflag:s5] =	ssyncset.done $0x0  }
0x12d: {  	[sflag:s5] =	ssyncadd.s32 $0xFFFFF9E0  }
0x12e: {  	[spmem:s13] =	stream.linear.scatter [tilespmem:s1], [sflag:$0x5], $0x620, $0x38;
	[tilespmem:$0x1F2C0] =	vst v63  }
0x12f: {  	_ =	swait.ge [sflag:s5], $0x620  }
0x130: {  	s14 =	sld [smem:$0x7E3]  }
0x131: {  	[sflag:s5] =	ssyncset.done $0x0  }
0x132: {  	[sflag:s5] =	ssyncadd.s32 $0xFFFFF9E0  }
0x133: {  	[spmem:s14] =	stream.linear.scatter [tilespmem:s1], [sflag:$0x5], $0x620, $0x38;
	[tilespmem:$0x1F2C0] =	vst v63  }
0x134: {  	_ =	swait.ge [sflag:s5], $0x620  }
0x135: {  	s15 =	sld [smem:$0x7E4]  }
0x136: {  	[sflag:s5] =	ssyncset.done $0x0  }
0x137: {  	[sflag:s5] =	ssyncadd.s32 $0xFFFFF9E0  }
0x138: {  	[spmem:s15] =	stream.linear.scatter [tilespmem:s1], [sflag:$0x5], $0x620, $0x38;
	[tilespmem:$0x1F2C0] =	vst v63  }
0x139: {  	_ =	swait.ge [sflag:s5], $0x620  }
0x13a: {  	s18 =	sld [smem:$0x7E5]  }
0x13b: {  	[sflag:s5] =	ssyncset.done $0x0  }
0x13c: {  	[sflag:s5] =	ssyncadd.s32 $0xFFFFF9E0  }
0x13d: {  	[spmem:s18] =	stream.linear.scatter [tilespmem:s1], [sflag:$0x5], $0x620, $0x38;
	[tilespmem:$0x1F2C0] =	vst v63  }
0x13e: {  	_ =	swait.ge [sflag:s5], $0x620  }
0x13f: {  	s20 =	sld [smem:$0x7E6]  }
0x140: {  	[sflag:s5] =	ssyncset.done $0x0  }
0x141: {  	[sflag:s5] =	ssyncadd.s32 $0xFFFFF9E0  }
0x142: {  	[spmem:s20] =	stream.linear.scatter [tilespmem:s1], [sflag:$0x5], $0x620, $0x38;
	[tilespmem:$0x1F2C0] =	vst v63  }
0x143: {  	_ =	swait.ge [sflag:s5], $0x620  }
0x144: {  	s21 =	sld [smem:$0x7E7]  }
0x145: {  	[sflag:s5] =	ssyncset.done $0x0  }
0x146: {  	[sflag:s5] =	ssyncadd.s32 $0xFFFFF9E0  }
0x147: {  	[spmem:s21] =	stream.linear.scatter [tilespmem:s1], [sflag:$0x5], $0x620, $0x38;
	[tilespmem:$0x1F2C0] =	vst v63  }
0x148: {  	_ =	swait.ge [sflag:s5], $0x620  }
0x149: {  	s22 =	sld [smem:$0x7E8]  }
0x14a: {  	[sflag:s5] =	ssyncset.done $0x0  }
0x14b: {  	[sflag:s5] =	ssyncadd.s32 $0xFFFFF9E0  }
0x14c: {  	[spmem:s22] =	stream.linear.scatter [tilespmem:s1], [sflag:$0x5], $0x620, $0x38;
	[tilespmem:$0x1F2C0] =	vst v63  }
0x14d: {  	_ =	swait.ge [sflag:s5], $0x620  }
0x14e: {  	s23 =	sld [smem:$0x7E9]  }
0x14f: {  	[sflag:s5] =	ssyncset.done $0x0  }
0x150: {  	[sflag:s5] =	ssyncadd.s32 $0xFFFFF9E0  }
0x151: {  	[spmem:s23] =	stream.linear.scatter [tilespmem:s1], [sflag:$0x5], $0x620, $0x38;
	[tilespmem:$0x1F2C0] =	vst v63  }
0x152: {  	_ =	swait.ge [sflag:s5], $0x620  }
0x153: {  	[sflag:s5] =	ssyncset.done $0x0  }
0x154: {  	s24 =	rddreg [dreg:$0xd];
	[sflag:s5] =	ssyncadd.s32 $0xFFFFF9E0  }
0x155: {  	[spmem:s24] =	stream.linear.scatter [tilespmem:s1], [sflag:$0x5], $0x620, $0x38;
	[tilespmem:$0x1F2C0] =	vst v63  }
0x156: {  	_ =	swait.ge [sflag:s5], $0x620  }
0x157: {  	s10 =	sld [smem:$0x7EA]  }
0x158: {  	[sflag:s5] =	ssyncset.done $0x0  }
0x159: {  	[sflag:s5] =	ssyncadd.s32 $0xFFFFF9E0  }
0x15a: {  	[spmem:s10] =	stream.linear.scatter [tilespmem:s1], [sflag:$0x5], $0x620, $0x38;
	[tilespmem:$0x1F2C0] =	vst v63  }
0x15b: {  	_ =	swait.ge [sflag:s5], $0x620  }
0x15c: {  	s11 =	sld [smem:$0x7EB]  }
0x15d: {  	[sflag:s5] =	ssyncset.done $0x0  }
0x15e: {  	[sflag:s5] =	ssyncadd.s32 $0xFFFFF9E0  }
0x15f: {  	[spmem:s11] =	stream.linear.scatter [tilespmem:s1], [sflag:$0x5], $0x620, $0x38;
	[tilespmem:$0x1F2C0] =	vst v63  }
0x160: {  	_ =	swait.ge [sflag:s5], $0x620  }
0x161: {  	s13 =	sld [smem:$0x7EC]  }
0x162: {  	[sflag:s5] =	ssyncset.done $0x0  }
0x163: {  	[sflag:s5] =	ssyncadd.s32 $0xFFFFF9E0  }
0x164: {  	[spmem:s13] =	stream.linear.scatter [tilespmem:s1], [sflag:$0x5], $0x620, $0x38;
	[tilespmem:$0x1F2C0] =	vst v63  }
0x165: {  	_ =	swait.ge [sflag:s5], $0x620  }
0x166: {  	s14 =	sld [smem:$0x7ED]  }
0x167: {  	[sflag:s5] =	ssyncset.done $0x0  }
0x168: {  	[sflag:s5] =	ssyncadd.s32 $0xFFFFF9E0  }
0x169: {  	[spmem:s14] =	stream.linear.scatter [tilespmem:s1], [sflag:$0x5], $0x620, $0x38;
	[tilespmem:$0x1F2C0] =	vst v63  }
0x16a: {  	_ =	swait.ge [sflag:s5], $0x620  }
0x16b: {  	s15 =	sld [smem:$0x7EE]  }
0x16c: {  	[sflag:s5] =	ssyncset.done $0x0  }
0x16d: {  	[sflag:s5] =	ssyncadd.s32 $0xFFFFF9E0  }
0x16e: {  	[spmem:s15] =	stream.linear.scatter [tilespmem:s1], [sflag:$0x5], $0x620, $0x38;
	[tilespmem:$0x1F2C0] =	vst v63  }
0x16f: {  	_ =	swait.ge [sflag:s5], $0x620  }
0x170: {  	s18 =	sld [smem:$0x7EF]  }
0x171: {  	[sflag:s5] =	ssyncset.done $0x0  }
0x172: {  	[sflag:s5] =	ssyncadd.s32 $0xFFFFF9E0  }
0x173: {  	[spmem:s18] =	stream.linear.scatter [tilespmem:s1], [sflag:$0x5], $0x620, $0x38;
	[tilespmem:$0x1F2C0] =	vst v63  }
0x174: {  	_ =	swait.ge [sflag:s5], $0x620  }
0x175: {  	s20 =	sld [smem:$0x7F0]  }
0x176: {  	[sflag:s5] =	ssyncset.done $0x0  }
0x177: {  	[sflag:s5] =	ssyncadd.s32 $0xFFFFF9E0  }
0x178: {  	[spmem:s20] =	stream.linear.scatter [tilespmem:s1], [sflag:$0x5], $0x620, $0x38;
	[tilespmem:$0x1F2C0] =	vst v63  }
0x179: {  	_ =	swait.ge [sflag:s5], $0x620  }
0x17a: {  	s21 =	sld [smem:$0x7F1]  }
0x17b: {  	[sflag:s5] =	ssyncset.done $0x0  }
0x17c: {  	[sflag:s5] =	ssyncadd.s32 $0xFFFFF9E0  }
0x17d: {  	[spmem:s21] =	stream.linear.scatter [tilespmem:s1], [sflag:$0x5], $0x620, $0x38;
	[tilespmem:$0x1F2C0] =	vst v63  }
0x17e: {  	_ =	swait.ge [sflag:s5], $0x620  }
0x17f: {  	s22 =	sld [smem:$0x7F2]  }
0x180: {  	[sflag:s5] =	ssyncset.done $0x0  }
0x181: {  	[sflag:s5] =	ssyncadd.s32 $0xFFFFF9E0  }
0x182: {  	[spmem:s22] =	stream.linear.scatter [tilespmem:s1], [sflag:$0x5], $0x620, $0x38;
	[tilespmem:$0x1F2C0] =	vst v63  }
0x183: {  	_ =	swait.ge [sflag:s5], $0x620  }
0x184: {  	s23 =	sld [smem:$0x7F3]  }
0x185: {  	[sflag:s5] =	ssyncset.done $0x0  }
0x186: {  	[sflag:s5] =	ssyncadd.s32 $0xFFFFF9E0  }
0x187: {  	[spmem:s23] =	stream.linear.scatter [tilespmem:s1], [sflag:$0x5], $0x620, $0x38;
	[tilespmem:$0x1F2C0] =	vst v63  }
0x188: {  	_ =	swait.ge [sflag:s5], $0x620  }
0x189: {  	s24 =	sld [smem:$0x7F4]  }
0x18a: {  	[sflag:s5] =	ssyncset.done $0x0  }
0x18b: {  	[sflag:s5] =	ssyncadd.s32 $0xFFFFF9E0  }
0x18c: {  	[spmem:s24] =	stream.linear.scatter [tilespmem:s1], [sflag:$0x5], $0x620, $0x38;
	[tilespmem:$0x1F2C0] =	vst v63  }
0x18d: {  	_ =	swait.ge [sflag:s5], $0x620  }
0x18e: {  	s10 =	sld [smem:$0x7F5]  }
0x18f: {  	[sflag:s5] =	ssyncset.done $0x0  }
0x190: {  	[sflag:s5] =	ssyncadd.s32 $0xFFFFF9E0  }
0x191: {  	[spmem:s10] =	stream.linear.scatter [tilespmem:s1], [sflag:$0x5], $0x620, $0x38;
	[tilespmem:$0x1F2C0] =	vst v63  }
0x192: {  	_ =	swait.ge [sflag:s5], $0x620  }
0x193: {  	s11 =	sld [smem:$0x7F6]  }
0x194: {  	[sflag:s5] =	ssyncset.done $0x0  }
0x195: {  	[sflag:s5] =	ssyncadd.s32 $0xFFFFF9E0  }
0x196: {  	[spmem:s11] =	stream.linear.scatter [tilespmem:s1], [sflag:$0x5], $0x620, $0x38;
	[tilespmem:$0x1F2C0] =	vst v63  }
0x197: {  	_ =	swait.ge [sflag:s5], $0x620  }
0x198: {  	s13 =	sld [smem:$0x7F7]  }
0x199: {  	[sflag:s5] =	ssyncset.done $0x0  }
0x19a: {  	[sflag:s5] =	ssyncadd.s32 $0xFFFFF9E0  }
0x19b: {  	[spmem:s13] =	stream.linear.scatter [tilespmem:s1], [sflag:$0x5], $0x620, $0x38;
	[tilespmem:$0x1F2C0] =	vst v63  }
0x19c: {  	_ =	swait.ge [sflag:s5], $0x620  }
0x19d: {  	s14 =	sld [smem:$0x7F8]  }
0x19e: {  	[sflag:s5] =	ssyncset.done $0x0  }
0x19f: {  	[sflag:s5] =	ssyncadd.s32 $0xFFFFF9E0  }
0x1a0: {  	[spmem:s14] =	stream.linear.scatter [tilespmem:s1], [sflag:$0x5], $0x620, $0x38;
	[tilespmem:$0x1F2C0] =	vst v63  }
0x1a1: {  	_ =	swait.ge [sflag:s5], $0x620  }
0x1a2: {  	[sflag:s5] =	ssyncset.done $0x0  }
0x1a3: {  	[sflag:s5] =	ssyncadd.s32 $0xFFFFF9E0  }
0x1a4: {  	[spmem:s19] =	stream.linear.scatter [tilespmem:s7], [sflag:$0x5], $0x620, $0x38;
	[tilespmem:$0x1F2C0] =	vst v63  }
0x1a5: {  	_ =	swait.ge [sflag:s5], $0x620  }
0x1a6: {  	s15 =	sld [smem:$0x7F9]  }
0x1a7: {  	[sflag:s5] =	ssyncset.done $0x0  }
0x1a8: {  	[sflag:s5] =	ssyncadd.s32 $0xFFFFF9E0  }
0x1a9: {  	[spmem:s15] =	stream.linear.scatter [tilespmem:s7], [sflag:$0x5], $0x620, $0x38;
	[tilespmem:$0x1F2C0] =	vst v63  }
0x1aa: {  	_ =	swait.ge [sflag:s5], $0x620  }
0x1ab: {  	s18 =	sld [smem:$0x7FA]  }
0x1ac: {  	[sflag:s5] =	ssyncset.done $0x0  }
0x1ad: {  	[sflag:s5] =	ssyncadd.s32 $0xFFFFF9E0  }
0x1ae: {  	[spmem:s18] =	stream.linear.scatter [tilespmem:s7], [sflag:$0x5], $0x620, $0x38;
	[tilespmem:$0x1F2C0] =	vst v63  }
0x1af: {  	_ =	swait.ge [sflag:s5], $0x620  }
0x1b0: {  	s20 =	sld [smem:$0x7FB]  }
0x1b1: {  	[sflag:s5] =	ssyncset.done $0x0  }
0x1b2: {  	[sflag:s5] =	ssyncadd.s32 $0xFFFFF9E0  }
0x1b3: {  	[spmem:s20] =	stream.linear.scatter [tilespmem:s7], [sflag:$0x5], $0x620, $0x38;
	[tilespmem:$0x1F2C0] =	vst v63  }
0x1b4: {  	_ =	swait.ge [sflag:s5], $0x620  }
0x1b5: {  	[sflag:s5] =	ssyncset.done $0x0  }
0x1b6: {  	[sflag:s5] =	ssyncadd.s32 $0xFFFFF9E0  }
0x1b7: {  	p0 =	sle.u32 s12, $0x0;
	[bflag:$0x0] =	sbarrier.arrive $0xFFFF  }
0x1b8: {  	s21 =	simm.s32 $0x0;
	s22 =	simm.s32 $0x1A080;
	s23 =	sld [smem:$0x7FC]  }
0x1b9: {  	[tilespmem:s22], [sflag:$0x1] =	stream.linear.gather [hbm4b:s29+s21], $0x2000, $0x38;
	[tilespmem:$0x1F2C0] =	vst v63  }
0x1ba: {  	s9 =	simm.s32 @!p0 $0x1;
	s11 =	simm.s32 $0x1E080  }
0x1bb: {  	[tilespmem:s11], [sflag:$0x1] =	stream.linear.gather [hbm4b:s23+s21], $0x200, $0x38;
	[tilespmem:$0x1F2C0] =	vst v63  }
0x1bc: {  	_ =	swait.ge @!p0 [sflag:s9], $0x2000  }
0x1bd: {  	[sflag:s9] =	ssyncset.done @!p0 $0x0  }
0x1be: {  	[sflag:s9] =	ssyncadd.s32 @!p0 $0xFFFFE000  }
0x1bf: {  	p1 =	por @!p0 $0x1, $0x1;
	_ =	swait.ge @!p0 [sflag:s9], $0x200  }
0x1c0: {  	p1 =	por p1, p0;
	s10 =	simm.s32 @!p0 $0x1A080;
	[sflag:s9] =	ssyncset.done @!p0 $0x0  }
0x1c1: {  	s11 =	simm.s32 @!p0 $0x1E080;
	[sflag:s9] =	ssyncadd.s32 @!p0 $0xFFFFFE00;
	s9 =	simm.s32 @!p0 $0x200  }
0x1c2: {  	[spmem:s3] =	stream.indirect.scatter.add.f32 @!p0 [tilespmem:s10], [sflag:$0x3], $0x10, s11, s9, $0xb8;
	[tilespmem:$0x1F2C0] =	vst v63  }
0x1c3: {  	s13 =	simm.s32 @!p1 $0x4;
	s10 =	simm.s32 @!p0 $0x1E480  }
0x1c4: {  	[spmem:s4] =	stream.indirect.scatter.add.f32 @!p0 [tilespmem:s10], [sflag:$0x3], $0x1, s11, s9, $0xb8;
	[tilespmem:$0x1F2C0] =	vst v63  }
0x1c5: {  	_ =	swait.ge @!p1 [sflag:s13], $0x2000  }
0x1c6: {  	[sflag:s13] =	ssyncset.done @!p1 $0x0  }
0x1c7: {  	p2 =	sle.u32 @!p0 s12, $0x1;
	[sflag:s13] =	ssyncadd.s32 @!p1 $0xFFFFE000  }
0x1c8: {  	p0 =	por p2, p0;
	_ =	swait.ge @!p1 [sflag:s13], $0x200  }
0x1c9: {  	s9 =	sadd.s32 @!p0 $0xFFFFC000, s16;
	s11 =	simm.s32 @!p0 $0x0;
	[sflag:s13] =	ssyncset.done @!p1 $0x0  }
0x1ca: {  	s14 =	simm.s32 @!p0 $0x1C080;
	s24 =	rddreg [dreg:$0x5];
	[sflag:s13] =	ssyncadd.s32 @!p1 $0xFFFFFE00  }
0x1cb: {  	[tilespmem:s14], [sflag:$0x2] =	stream.linear.gather @!p0 [hbm4b:s9+s11], $0x2000, $0x38;
	[tilespmem:$0x1F2C0] =	vst v63  }
0x1cc: {  	p1 =	sle.u32 s24, $0x0;
	s9 =	simm.s32 @!p0 $0x1E280  }
0x1cd: {  	[tilespmem:s9], [sflag:$0x2] =	stream.linear.gather @!p0 [hbm4b:s0+s11], $0x200, $0x38;
	[tilespmem:$0x1F2C0] =	vst v63  }
0x1ce: {  	s31 =	smov.u32 s17;
	s9 =	simm.s32 @!p1 $0x2  }
0x1cf: {  	s30 =	smov.u32 s16;
	s15 =	simm.s32 $0x6;
	_ =	swait.ge @!p1 [sflag:s9], $0x2000  }
0x1d0: {  	s10 =	simm.s32 $0x4;
	s13 =	sadd.s32 $0x800, s0;
	[sflag:s9] =	ssyncset.done @!p1 $0x0  }
0x1d1: {  	s14 =	simm.s32 $0x2;
	s21 =	simm.s32 @!p1 $0x1C080;
	[sflag:s9] =	ssyncadd.s32 @!p1 $0xFFFFE000  }
0x1d2: {  	s20 =	simm.s32 @!p1 $0x200;
	s22 =	simm.s32 @!p1 $0x1E280;
	_ =	swait.ge @!p1 [sflag:s9], $0x200  }
0x1d3: {  	s23 =	simm.s32 @!p1 $0x1E480;
	s18 =	simm.s32 @!p1 $0x3;
	[sflag:s9] =	ssyncset.done @!p1 $0x0  }
0x1d4: {  	s11 =	sadd.s32 $0x4000, s17;
	[sflag:s9] =	ssyncadd.s32 @!p1 $0xFFFFFE00;
	s9 =	sadd.s32 $0x8000, s16  }
.LBB2_6:
0x1d5: {  	[spmem:s3] =	stream.indirect.scatter.add.f32 @!p1 [tilespmem:s21], [sflag:$0x4], $0x10, s22, s20, $0xb8;
	[tilespmem:$0x1F2C0] =	vst v63  }
0x1d6: {  	_ = 	snop  }
0x1d7: {  	[spmem:s4] =	stream.indirect.scatter.add.f32 @!p1 [tilespmem:s23], [sflag:$0x4], $0x1, s22, s20, $0xb8;
	[tilespmem:$0x1F2C0] =	vst v63  }
0x1d8: {  	_ =	swait.ge @!p1 [sflag:s18], $0x2000  }
0x1d9: {  	[sflag:s18] =	ssyncset.done @!p1 $0x0  }
0x1da: {  	p2 =	sge.u32 @!p1 s14, s12;
	s14 =	smov.u32 s10;
	[sflag:s18] =	ssyncadd.s32 @!p1 $0xFFFFE000  }
0x1db: {  	p3 =	por p2, p1;
	s21 =	sadd.s32 $0xFFFFFFFE, s14;
	_ =	swait.ge @!p1 [sflag:s18], $0x200  }
0x1dc: {  	s20 =	sshrl.u32 @!p3 s31, $0x3;
	s22 =	simm.s32 @!p3 $0x1A080;
	[sflag:s18] =	ssyncset.done @!p1 $0x0  }
0x1dd: {  	p2 =	sge.u32 s21, s12;
	[sflag:s18] =	ssyncadd.s32 @!p1 $0xFFFFFE00;
	s18 =	simm.s32 @!p3 $0x0  }
0x1de: {  	[tilespmem:s22], [sflag:$0x1] =	stream.linear.gather @!p3 [hbm4b:s30+s18], $0x2000, $0x38;
	[tilespmem:$0x1F2C0] =	vst v63  }
0x1df: {  	s20 =	sadd.s32 @!p3 s2, s20;
	s22 =	simm.s32 @!p2 $0x1;
	s30 =	simm.s32 @!p3 $0x1E080  }
0x1e0: {  	[tilespmem:s30], [sflag:$0x1] =	stream.linear.gather @!p3 [hbm4b:s20+s18], $0x200, $0x38;
	[tilespmem:$0x1F2C0] =	vst v63  }
0x1e1: {  	_ =	swait.ge @!p2 [sflag:s22], $0x2000  }
0x1e2: {  	s24 =	smov.u32 s15;
	[sflag:s22] =	ssyncset.done @!p2 $0x0  }
0x1e3: {  	s10 =	smov.u32 s24;
	[sflag:s22] =	ssyncadd.s32 @!p2 $0xFFFFE000  }
0x1e4: {  	s23 =	sadd.s32 @!p2 $0xFFFFFFFF, s14;
	p1 =	seq.s32 @!p2 s14, $0x2;
	_ =	swait.ge @!p2 [sflag:s22], $0x200  }
0x1e5: {  	s24 =	simm.s32 @!p2 $0x1E080;
	p1 =	por p1, p2;
	[sflag:s22] =	ssyncset.done @!p2 $0x0  }
0x1e6: {  	s18 =	simm.s32 @!p2 $0x1A080;
	[sflag:s22] =	ssyncadd.s32 @!p2 $0xFFFFFE00;
	s22 =	simm.s32 @!p2 $0x200  }
0x1e7: {  	[spmem:s3] =	stream.indirect.scatter.add.f32 @!p2 [tilespmem:s18], [sflag:$0x3], $0x10, s24, s22, $0xb8;
	[tilespmem:$0x1F2C0] =	vst v63  }
0x1e8: {  	p3 =	sge.u32 @!p2 s23, s12;
	s20 =	simm.s32 @!p2 $0x1E480;
	s23 =	simm.s32 @!p1 $0x4  }
0x1e9: {  	[spmem:s4] =	stream.indirect.scatter.add.f32 @!p2 [tilespmem:s20], [sflag:$0x3], $0x1, s24, s22, $0xb8;
	[tilespmem:$0x1F2C0] =	vst v63  }
0x1ea: {  	_ =	swait.ge @!p1 [sflag:s23], $0x2000  }
0x1eb: {  	[sflag:s23] =	ssyncset.done @!p1 $0x0  }
0x1ec: {  	[sflag:s23] =	ssyncadd.s32 @!p1 $0xFFFFE000  }
0x1ed: {  	p2 =	por p3, p2;
	_ =	swait.ge @!p1 [sflag:s23], $0x200  }
0x1ee: {  	s18 =	sadd.s32 @!p2 $0xFFFFC000, s9;
	s20 =	simm.s32 @!p2 $0x0;
	[sflag:s23] =	ssyncset.done @!p1 $0x0  }
0x1ef: {  	s22 =	simm.s32 @!p2 $0x1C080;
	s24 =	rddreg [dreg:$0x5];
	[sflag:s23] =	ssyncadd.s32 @!p1 $0xFFFFFE00  }
0x1f0: {  	[tilespmem:s22], [sflag:$0x2] =	stream.linear.gather @!p2 [hbm4b:s18+s20], $0x2000, $0x38;
	[tilespmem:$0x1F2C0] =	vst v63  }
0x1f1: {  	p1 =	sge.u32 s21, s24;
	s18 =	simm.s32 @!p2 $0x1E280  }
0x1f2: {  	[tilespmem:s18], [sflag:$0x2] =	stream.linear.gather @!p2 [hbm4b:s13+s20], $0x200, $0x38;
	[tilespmem:$0x1F2C0] =	vst v63  }
0x1f3: {  	s15 =	sadd.s32 $0x2, s15;
	s18 =	simm.s32 @!p1 $0x2  }
0x1f4: {  	p0 =	sne.s32 s15, $0x18A;
	s31 =	smov.u32 s11;
	_ =	swait.ge @!p1 [sflag:s18], $0x2000  }
.Ltmp2:
0x1f5: {  	s11 =	sadd.s32 $0x4000, s11;
	[sflag:s18] =	ssyncset.done @!p1 $0x0;
	(pc) =	sbr.rel @p0 .LBB2_6-.Ltmp2, $4  }
0x1f6: {  	s30 =	smov.u32 s9;
	s9 =	sadd.s32 $0x8000, s9;
	[sflag:s18] =	ssyncadd.s32 @!p1 $0xFFFFE000  }
0x1f7: {  	s21 =	simm.s32 @!p1 $0x1C080;
	s22 =	simm.s32 @!p1 $0x1E280;
	_ =	swait.ge @!p1 [sflag:s18], $0x200  }
0x1f8: {  	s23 =	simm.s32 @!p1 $0x1E480;
	s20 =	simm.s32 @!p1 $0x200;
	[sflag:s18] =	ssyncset.done @!p1 $0x0  }
0x1f9: {  	s13 =	sadd.s32 $0x800, s13;
	[sflag:s18] =	ssyncadd.s32 @!p1 $0xFFFFFE00;
	s18 =	simm.s32 @!p1 $0x3  }
0x1fa: {  	[spmem:s3] =	stream.indirect.scatter.add.f32 @!p1 [tilespmem:s21], [sflag:$0x4], $0x10, s22, s20, $0xb8;
	[tilespmem:$0x1F2C0] =	vst v63  }
0x1fb: {  	_ = 	snop  }
0x1fc: {  	[spmem:s4] =	stream.indirect.scatter.add.f32 @!p1 [tilespmem:s23], [sflag:$0x4], $0x1, s22, s20, $0xb8;
	[tilespmem:$0x1F2C0] =	vst v63  }
0x1fd: {  	_ =	swait.ge @!p1 [sflag:s18], $0x2000  }
0x1fe: {  	[sflag:s18] =	ssyncset.done @!p1 $0x0  }
0x1ff: {  	p0 =	sge.u32 @!p1 s14, s12;
	[sflag:s18] =	ssyncadd.s32 @!p1 $0xFFFFE000  }
0x200: {  	s15 =	sadd.s32 $0xFFFFFFFE, s10;
	p2 =	por p0, p1;
	_ =	swait.ge @!p1 [sflag:s18], $0x200  }
0x201: {  	p0 =	sge.u32 s15, s12;
	s14 =	sshrl.u32 @!p2 s31, $0x3;
	[sflag:s18] =	ssyncset.done @!p1 $0x0  }
0x202: {  	s20 =	simm.s32 @!p2 $0x1A080;
	[sflag:s18] =	ssyncadd.s32 @!p1 $0xFFFFFE00;
	s18 =	simm.s32 @!p2 $0x0  }
0x203: {  	[tilespmem:s20], [sflag:$0x1] =	stream.linear.gather @!p2 [hbm4b:s30+s18], $0x2000, $0x38;
	[tilespmem:$0x1F2C0] =	vst v63  }
0x204: {  	s21 =	simm.s32 @!p2 $0x1E080;
	s14 =	sadd.s32 @!p2 s2, s14;
	s20 =	simm.s32 @!p0 $0x1  }
0x205: {  	[tilespmem:s21], [sflag:$0x1] =	stream.linear.gather @!p2 [hbm4b:s14+s18], $0x200, $0x38;
	[tilespmem:$0x1F2C0] =	vst v63  }
0x206: {  	_ =	swait.ge @!p0 [sflag:s20], $0x2000  }
0x207: {  	[sflag:s20] =	ssyncset.done @!p0 $0x0  }
0x208: {  	[sflag:s20] =	ssyncadd.s32 @!p0 $0xFFFFE000  }
0x209: {  	p1 =	seq.s32 @!p0 s10, $0x2;
	_ =	swait.ge @!p0 [sflag:s20], $0x200  }
0x20a: {  	p1 =	por p1, p0;
	s14 =	simm.s32 @!p0 $0x1A080;
	[sflag:s20] =	ssyncset.done @!p0 $0x0  }
0x20b: {  	s18 =	simm.s32 @!p0 $0x200;
	[sflag:s20] =	ssyncadd.s32 @!p0 $0xFFFFFE00;
	s20 =	simm.s32 @!p0 $0x1E080  }
0x20c: {  	[spmem:s3] =	stream.indirect.scatter.add.f32 @!p0 [tilespmem:s14], [sflag:$0x3], $0x10, s20, s18, $0xb8;
	[tilespmem:$0x1F2C0] =	vst v63  }
0x20d: {  	s21 =	simm.s32 @!p1 $0x4;
	s14 =	simm.s32 @!p0 $0x1E480  }
0x20e: {  	[spmem:s4] =	stream.indirect.scatter.add.f32 @!p0 [tilespmem:s14], [sflag:$0x3], $0x1, s20, s18, $0xb8;
	[tilespmem:$0x1F2C0] =	vst v63  }
0x20f: {  	_ =	swait.ge @!p1 [sflag:s21], $0x2000  }
0x210: {  	s14 =	sadd.s32 @!p0 $0xFFFFFFFF, s10;
	[sflag:s21] =	ssyncset.done @!p1 $0x0  }
0x211: {  	p2 =	sge.u32 @!p0 s14, s12;
	[sflag:s21] =	ssyncadd.s32 @!p1 $0xFFFFE000  }
0x212: {  	p2 =	por p2, p0;
	_ =	swait.ge @!p1 [sflag:s21], $0x200  }
0x213: {  	s14 =	sadd.s32 @!p2 $0xFFFFC000, s9;
	s20 =	simm.s32 @!p2 $0x0;
	[sflag:s21] =	ssyncset.done @!p1 $0x0  }
0x214: {  	s22 =	simm.s32 @!p2 $0x1C080;
	s31 =	rddreg [dreg:$0x5];
	[sflag:s21] =	ssyncadd.s32 @!p1 $0xFFFFFE00  }
0x215: {  	[tilespmem:s22], [sflag:$0x2] =	stream.linear.gather @!p2 [hbm4b:s14+s20], $0x2000, $0x38;
	[tilespmem:$0x1F2C0] =	vst v63  }
0x216: {  	p0 =	sge.u32 s15, s31;
	s14 =	simm.s32 @!p2 $0x1E280  }
0x217: {  	[tilespmem:s14], [sflag:$0x2] =	stream.linear.gather @!p2 [hbm4b:s13+s20], $0x200, $0x38;
	[tilespmem:$0x1F2C0] =	vst v63  }
0x218: {  	s13 =	simm.s32 @!p0 $0x2  }
0x219: {  	_ =	swait.ge @!p0 [sflag:s13], $0x2000  }
0x21a: {  	[sflag:s13] =	ssyncset.done @!p0 $0x0  }
0x21b: {  	[sflag:s13] =	ssyncadd.s32 @!p0 $0xFFFFE000  }
0x21c: {  	_ =	swait.ge @!p0 [sflag:s13], $0x200  }
0x21d: {  	s15 =	simm.s32 @!p0 $0x200;
	[sflag:s13] =	ssyncset.done @!p0 $0x0  }
0x21e: {  	s18 =	simm.s32 @!p0 $0x1E280;
	s14 =	simm.s32 @!p0 $0x1C080;
	[sflag:s13] =	ssyncadd.s32 @!p0 $0xFFFFFE00  }
0x21f: {  	[spmem:s3] =	stream.indirect.scatter.add.f32 @!p0 [tilespmem:s14], [sflag:$0x4], $0x10, s18, s15, $0xb8;
	[tilespmem:$0x1F2C0] =	vst v63  }
0x220: {  	s13 =	simm.s32 @!p0 $0x1E480;
	s14 =	simm.s32 @!p0 $0x3  }
0x221: {  	[spmem:s4] =	stream.indirect.scatter.add.f32 @!p0 [tilespmem:s13], [sflag:$0x4], $0x1, s18, s15, $0xb8;
	[tilespmem:$0x1F2C0] =	vst v63  }
0x222: {  	_ =	swait.ge @!p0 [sflag:s14], $0x2000  }
0x223: {  	[sflag:s14] =	ssyncset.done @!p0 $0x0  }
0x224: {  	p1 =	sge.u32 @!p0 s10, s12;
	[sflag:s14] =	ssyncadd.s32 @!p0 $0xFFFFE000  }
0x225: {  	p1 =	por p1, p0;
	_ =	swait.ge @!p0 [sflag:s14], $0x200  }
0x226: {  	s10 =	sshrl.u32 @!p1 s11, $0x3;
	[sflag:s14] =	ssyncset.done @!p0 $0x0  }
0x227: {  	s11 =	simm.s32 @!p1 $0x1A080;
	s13 =	simm.s32 @!p1 $0x0;
	[sflag:s14] =	ssyncadd.s32 @!p0 $0xFFFFFE00  }
0x228: {  	[tilespmem:s11], [sflag:$0x1] =	stream.linear.gather @!p1 [hbm4b:s9+s13], $0x2000, $0x38;
	[tilespmem:$0x1F2C0] =	vst v63  }
0x229: {  	s9 =	sadd.s32 @!p1 s2, s10;
	s10 =	simm.s32 @!p1 $0x1E080  }
0x22a: {  	[tilespmem:s10], [sflag:$0x1] =	stream.linear.gather @!p1 [hbm4b:s9+s13], $0x200, $0x38;
	[tilespmem:$0x1F2C0] =	vst v63  }
0x22b: {  	_ =	swait.ge [sflag:s28], $0x2000  }
0x22c: {  	[sflag:s28] =	ssyncset.done $0x0  }
0x22d: {  	[sflag:s28] =	ssyncadd.s32 $0xFFFFE000  }
0x22e: {  	_ =	swait.ge [sflag:s28], $0x200  }
0x22f: {  	[sflag:s28] =	ssyncset.done $0x0  }
0x230: {  	[sflag:s28] =	ssyncadd.s32 $0xFFFFFE00  }
0x231: {  	[bflag:$0x0] =	sbarrier.arrive $0xFFFF  }
0x232: {  	s23 =	stileid.u32;
	s30 =	sld [smem:$0x7FD]  }
0x233: {  	s9 =	sshll.u32 s23, $0x6  }
0x234: {  	s24 =	sshrl.u32 s6, $0x3;
	s9 =	sor.u32 $0x1C05, s9  }
0x235: {  	[hbm:s30], [sflag:s9] =	dma.local [spmem:s24], $0x3100  }
0x236: {  	s8 =	sadd.s32 $0x1, s8;
	_ =	swait.ge [sflag:s5], $0x3100  }
0x237: {  	p0 =	sne.s32 s8, s26;
	[sflag:s5] =	ssyncset.done $0x0  }
.Ltmp3:
0x238: {  	s31 =	sshrl.u32 s19, $0x3;
	[sflag:s5] =	ssyncadd.s32 $0xFFFFCF00;
	(pc) =	sbr.rel @p0 .LBB2_1-.Ltmp3, $4  }
0x239: {  	[hbm:s25], [sflag:s9] =	dma.local [spmem:s31], $0x310  }
0x23a: {  	_ =	swait.ge [sflag:s5], $0x310  }
0x23b: {  	[sflag:s5] =	ssyncset.done $0x0  }
0x23c: {  	[sflag:s5] =	ssyncadd.s32 $0xFFFFFCF0  }
0x23d: {  	_ =	sfence.sel $0x180000  }
0x23e: {  	[bflag:$0x0] =	sbarrier.arrive $0xFFFF  }
0x23f: {  	_ =	strace $0x90000047  }
0x240: {  	s0 =	stileid.u32;
	[bflag:$0x2] =	sbarrier.arrive $0xFFFF  }
0x241: {  	p0 =	sne.s32 s0, $0x0;
	s0 =	rddreg [dreg:$0x4]  }
0x242: {  	s0 =	sadd.s32 @!p0 $0x100000, s0  }
0x243: {  	[sflag:s0] =	ssyncadd.tile.s32 @!p0 $0x1;
	_ =	shalt  }
.Lfunc_end2:
_tile_overlayer_lowered:
.L_overlay_start_2:
0x244: {  	(tag) =	ssettag $0x2  }
0x245: {  	s0 =	rddreg [dreg:$0x0];
	s2 =	stileid.u32  }
0x246: {  	s1 =	rddreg [dreg:$0x1];
	p0 =	sne.s32 s2, $0x0  }
0x247: {  	s3 =	rddreg [dreg:$0x2];
	[bflag:$0x3] =	sbarrier.arrive $0xFFFF;
	s2 =	simm.s32 @!p0 $0x1C05  }
0x248: {  	[timem:s3], [sflag:s2] =	dma.local @!p0 [hbm:s0], s1  }
0x249: {  	s0 =	simm.s32 @!p0 $0x5  }
0x24a: {  	_ =	swait.ge @!p0 [sflag:s0], s1  }
0x24b: {  	s1 =	ssub.s32 @!p0 $0x0, s1;
	[sflag:s0] =	ssyncset.done @!p0 $0x0  }
0x24c: {  	[sflag:s0] =	ssyncadd.s32 @!p0 s1  }
0x24d: {  	[bflag:$0x3] =	sbarrier.arrive $0xFFFF  }
0x24e: {  	_ =	shalt  }

</sc_bundles>
